<compile_context>
chip_gen: v7x
topology: tpu7x:2x2x1
jax: 0.10.2.dev20260603
libtpu: 0.0.44.dev20260713+nightly
codegen_flags: <defaults>
</compile_context>

<pallas_src>
import functools

import jax
import jax.numpy as jnp
from jax import lax
from jax.experimental import pallas as pl
from jax.experimental.pallas import tpu as pltpu
from jax.experimental.pallas import tpu_sc as plsc

NUM_NODES_T = 1_000_000
BATCH = 16384
DIM = 64
NUM_CORES = 2
NUM_SUBCORES = 16
NUM_WORKERS = NUM_CORES * NUM_SUBCORES
B_PER_W = BATCH // NUM_WORKERS
L = 16

CW = 512
TAIL_LO = (NUM_NODES_T // CW) * CW
FULL_CHUNKS = TAIL_LO // CW
BASE_NC = FULL_CHUNKS // NUM_WORKERS
EXTRA = FULL_CHUNKS - BASE_NC * NUM_WORKERS

CAP = 512

_mesh = plsc.VectorSubcoreMesh(core_axis_name="c", subcore_axis_name="s")


@functools.partial(
    pl.kernel,
    mesh=_mesh,
    compiler_params=pltpu.CompilerParams(
        needs_layout_passes=False, use_tc_tiling_on_sc=True),
    out_type=(
        jax.ShapeDtypeStruct((DIM * BATCH + L,), jnp.float32),
        jax.ShapeDtypeStruct((BATCH,), jnp.int32),
    ),
    scratch_types=[
        pltpu.VMEM((BATCH,), jnp.int32),
        pltpu.VMEM((BATCH + L,), jnp.int32),
        pltpu.VMEM((BATCH + L,), jnp.int32),
        pltpu.VMEM((2, DIM, CW), jnp.float32),
        pltpu.VMEM((DIM, DIM), jnp.float32),
        pltpu.VMEM((CAP + L,), jnp.int32),
        pltpu.VMEM((CAP + L,), jnp.int32),
        pltpu.VMEM((8 * DIM,), jnp.float32),
        pltpu.VMEM((B_PER_W,), jnp.int32),
        pltpu.SemaphoreType.DMA,
        pltpu.SemaphoreType.DMA,
        pltpu.SemaphoreType.DMA,
        pltpu.SemaphoreType.DMA,
    ],
)
def _gather_kernel(nid_hbm, mem_t_hbm, tail_hbm, last_hbm,
                   out_hbm, last_out_hbm,
                   idx_full, myn, myq, stage, tail_v, cn, cq,
                   val_ring, last_v,
                   sem_s0, sem_s1, sem_sc, sem_last):
    wid = lax.axis_index("s") * NUM_CORES + lax.axis_index("c")
    base = wid * B_PER_W

    pltpu.sync_copy(nid_hbm, idx_full)
    cp_last = pltpu.async_copy(
        last_hbm.at[idx_full.at[pl.ds(base, B_PER_W)]], last_v, sem_last)
    cp_tail = pltpu.async_copy(tail_hbm, tail_v, sem_s1)

    s_w = BASE_NC * wid + jnp.minimum(wid, EXTRA)
    nc = BASE_NC + jnp.where(wid < EXTRA, 1, 0)
    lane_lo = s_w * CW
    lane_hi = jnp.where(wid == NUM_WORKERS - 1,
                        NUM_NODES_T, (s_w + nc) * CW)

    iota = lax.iota(jnp.int32, L)

    def _filter(b, cnt):
        v = idx_full[pl.ds(b * L, L)]
        q = b * L + iota
        m = (v >= lane_lo) & (v < lane_hi)
        plsc.store_compressed(myn.at[pl.ds(cnt, L)], v, mask=m)
        plsc.store_compressed(myq.at[pl.ds(cnt, L)], q, mask=m)
        return cnt + jnp.sum(m.astype(jnp.int32))
    cnt = lax.fori_loop(0, BATCH // L, _filter, jnp.int32(0))
    nvregs = (cnt + L - 1) // L
    cnt_vec = jnp.full((L,), cnt, jnp.int32)
    cp_tail.wait()

    def _emit_item(i, lo, src_load):
        @pl.when(i >= 8)
        def _drain_old():
            pltpu.make_async_copy(
                val_ring.at[pl.ds(0, DIM)],
                out_hbm.at[pl.ds(0, DIM)], sem_sc).wait()
        ivec = jnp.full((L,), i, jnp.int32)
        col = plsc.load_gather(cn, [ivec]) - lo
        qv = plsc.load_gather(cq, [ivec])
        q_s = jnp.sum(jnp.where(iota == 0, qv, 0))
        slot = (i % 8) * DIM
        for b in range(DIM // L):
            val_ring[pl.ds(slot + b * L, L)] = src_load(iota + b * L, col)
        pltpu.async_copy(
            val_ring.at[pl.ds(slot, DIM)],
            out_hbm.at[pl.ds(q_s * DIM, DIM)], sem_sc)

    def _flush(ccnt, lo, src_load):
        def _itm(i, carry):
            _emit_item(i, lo, src_load)
            return carry
        lax.fori_loop(0, ccnt, _itm, jnp.int32(0))

        def _fin(i, carry):
            pltpu.make_async_copy(
                val_ring.at[pl.ds(0, DIM)],
                out_hbm.at[pl.ds(0, DIM)], sem_sc).wait()
            return carry
        lax.fori_loop(0, jnp.minimum(ccnt, 8), _fin, jnp.int32(0))

    def _rescan_emit(lo, hi, src_load):
        def _rescan(b, ccnt):
            v = myn[pl.ds(b * L, L)]
            q = myq[pl.ds(b * L, L)]
            m = (v >= lo) & (v < hi) & ((b * L + iota) < cnt_vec)
            plsc.store_compressed(cn.at[pl.ds(ccnt, L)], v, mask=m)
            plsc.store_compressed(cq.at[pl.ds(ccnt, L)], q, mask=m)
            ccnt = ccnt + jnp.sum(m.astype(jnp.int32))

            def _mid_flush(x):
                _flush(x, lo, src_load)
                return jnp.int32(0)
            return lax.cond(ccnt >= CAP, _mid_flush, lambda x: x, ccnt)
        ccnt = lax.fori_loop(0, nvregs, _rescan, jnp.int32(0))
        _flush(ccnt, lo, src_load)

    def _fire_read(c, bank):
        lo = pl.multiple_of((s_w + c) * CW, CW)
        sem = sem_s1 if bank else sem_s0
        pltpu.async_copy(
            mem_t_hbm.at[:, pl.ds(lo, CW)], stage.at[bank], sem)

    def _wait_read(bank):
        sem = sem_s1 if bank else sem_s0
        pltpu.make_async_copy(
            mem_t_hbm.at[:, pl.ds(0, CW)], stage.at[bank], sem).wait()

    @pl.when(nc > 0)
    def _prologue():
        _fire_read(0, 0)

    def _pair(t, carry):
        for k in (0, 1):
            c = 2 * t + k

            @pl.when(c < nc)
            def _do(c=c, k=k):
                @pl.when(c + 1 < nc)
                def _next():
                    _fire_read(c + 1, 1 - k)
                _wait_read(k)
                lo = pl.multiple_of((s_w + c) * CW, CW)

                def _stage_load(pv, col, k=k):
                    bankv = jnp.full((L,), k, jnp.int32)
                    return plsc.load_gather(stage, [bankv, pv, col])
                _rescan_emit(lo, lo + CW, _stage_load)
        return carry
    lax.fori_loop(0, (BASE_NC + EXTRA) // 2 + 1, _pair, jnp.int32(0))

    def _tail_load(pv, col):
        return plsc.load_gather(tail_v, [pv, col])
    _rescan_emit(jnp.int32(TAIL_LO), jnp.int32(NUM_NODES_T), _tail_load)

    cp_last.wait()
    pltpu.sync_copy(last_v, last_out_hbm.at[pl.ds(base, B_PER_W)])


def kernel(n_id, memory, last_update):
    out_flat, last_out = _gather_kernel(
        n_id.astype(jnp.int32), memory.T, memory.T[:, TAIL_LO:], last_update)
    return (out_flat[:DIM * BATCH].reshape(BATCH, DIM), last_out,
            jnp.array(0, dtype=jnp.int32))

# --- scband reference (transcript-rebuilt; emitter-appended) ---
"""Pipeline reference for scband-static-memory-32615981645898 (READ-ONLY COPY).

The authoritative reference and input builder live on the scoring server;
editing this copy changes nothing except your own understanding.
"""

import jax, jax.numpy as jnp
import numpy as np

NUM_NODES = 1000000
MEMORY_DIM = 64
BATCH = 16384

def setup_inputs(seed: int = 0) -> dict:
    key = jax.random.key(seed)
    k1, k2 = jax.random.split(key)
    n_id = jax.random.randint(k1, (BATCH,), 0, NUM_NODES, dtype=jnp.int64 if jax.config.jax_enable_x64 else jnp.int32)
    # Embedding table (nn.Embedding default init: N(0,1))
    memory = jax.random.normal(k2, (NUM_NODES, MEMORY_DIM), dtype=jnp.float32)
    # last_update buffer reset to zeros (long dtype)
    last_update = jnp.zeros((NUM_NODES,), dtype=jnp.int32)
    return {"n_id": n_id, "memory": memory, "last_update": last_update}

def reference(n_id, memory, last_update):
    # StaticMemory.forward: return (self.memory(n_id), self.last_update[n_id], 0)
    mem_out = jnp.take(memory, n_id, axis=0)
    last_out = jnp.take(last_update, n_id, axis=0)
    return (mem_out, last_out, jnp.array(0, dtype=jnp.int32))

if __name__ == "__main__":
    import jax
    _d = setup_inputs()
    print(jax.jit(kernel)(*tuple(_d.values())))

</pallas_src>

<mosaic_0001>
#map = affine_map<(d0, d1) -> (0)>
#map1 = affine_map<(d0, d1) -> (0, 0)>
module attributes {stable_mosaic.version = 14 : i64} {
  func.func @_gather_kernel(%arg0: i32, %arg1: i32, %arg2: memref<16384xi32, #tpu.memory_space<hbm>>, %arg3: memref<64x1000000xf32, #tpu.memory_space<hbm>>, %arg4: memref<64x64xf32, #tpu.memory_space<hbm>>, %arg5: memref<1000000xi32, #tpu.memory_space<hbm>>, %arg6: memref<1048592xf32, #tpu.memory_space<hbm>>, %arg7: memref<16384xi32, #tpu.memory_space<hbm>>, %arg8: memref<16384xi32, #tpu.memory_space<vmem>>, %arg9: memref<16400xi32, #tpu.memory_space<vmem>>, %arg10: memref<16400xi32, #tpu.memory_space<vmem>>, %arg11: memref<2x64x512xf32, #tpu.memory_space<vmem>>, %arg12: memref<64x64xf32, #tpu.memory_space<vmem>>, %arg13: memref<528xi32, #tpu.memory_space<vmem>>, %arg14: memref<528xi32, #tpu.memory_space<vmem>>, %arg15: memref<512xf32, #tpu.memory_space<vmem>>, %arg16: memref<512xi32, #tpu.memory_space<vmem>>, %arg17: memref<!tpu.dma_semaphore, #tpu.memory_space<semaphore_mem>>, %arg18: memref<!tpu.dma_semaphore, #tpu.memory_space<semaphore_mem>>, %arg19: memref<!tpu.dma_semaphore, #tpu.memory_space<semaphore_mem>>, %arg20: memref<!tpu.dma_semaphore, #tpu.memory_space<semaphore_mem>>) attributes {dimension_semantics = [#tpu.dimension_semantics<core_parallel>, #tpu.dimension_semantics<subcore_parallel>], iteration_bounds = array<i64: 2, 16>, scalar_prefetch = 0 : i64, scratch_operands = 13 : i64, tpu.core_type = #tpu.core_type<sc_vector_subcore>, window_params = [{transform_indices = #map}, {transform_indices = #map1}, {transform_indices = #map1}, {transform_indices = #map}, {transform_indices = #map}, {transform_indices = #map}]} {
    %mul3A = arith.constant 2 : i32
    %mul3A_0 = arith.muli %arg1, %mul3A : i32
    %add3A = arith.addi %mul3A_0, %arg0 : i32
    %mul3A_1 = arith.constant 512 : i32
    %mul3A_2 = arith.muli %add3A, %mul3A_1 : i32
    "tpu.region"() ({
      %run_scoped3A = tpu.sem_alloc : memref<!tpu.dma_semaphore, #tpu.memory_space<semaphore_mem>>
      tpu.enqueue_dma source(%arg2 : memref<16384xi32, #tpu.memory_space<hbm>>) target(%arg8 : memref<16384xi32, #tpu.memory_space<vmem>>) target_semaphore(%run_scoped3A : memref<!tpu.dma_semaphore, #tpu.memory_space<semaphore_mem>>)
      tpu.wait_dma2 semaphore(%run_scoped3A : memref<!tpu.dma_semaphore, #tpu.memory_space<semaphore_mem>>) src(%arg2 : memref<16384xi32, #tpu.memory_space<hbm>>) dst(%arg8 : memref<16384xi32, #tpu.memory_space<vmem>>)
      tpu.yield
    }) : () -> ()
    %dma_start3A = tpu.memref_slice %arg8[%mul3A_2] : memref<16384xi32, #tpu.memory_space<vmem>> -> memref<512xi32, #tpu.memory_space<vmem>>
    %dma_start3A_3 = arith.constant 0 : i32
    %dma_start3A_4 = tpu.memref_slice %arg5[%dma_start3A_3] : memref<1000000xi32, #tpu.memory_space<hbm>> -> memref<1000000xi32, #tpu.memory_space<hbm>>
    tpu.enqueue_indirect_dma source(%dma_start3A_4 : memref<1000000xi32, #tpu.memory_space<hbm>>) target(%arg16 : memref<512xi32, #tpu.memory_space<vmem>>) offsets(%dma_start3A : memref<512xi32, #tpu.memory_space<vmem>>) semaphore(%arg20 : memref<!tpu.dma_semaphore, #tpu.memory_space<semaphore_mem>>)
    tpu.enqueue_dma source(%arg4 : memref<64x64xf32, #tpu.memory_space<hbm>>) target(%arg12 : memref<64x64xf32, #tpu.memory_space<vmem>>) target_semaphore(%arg18 : memref<!tpu.dma_semaphore, #tpu.memory_space<semaphore_mem>>)
    %mul3A_5 = arith.constant 61 : i32
    %mul3A_6 = arith.muli %mul3A_5, %add3A : i32
    %min3A = arith.constant 1 : i32
    %min3A_7 = arith.minsi %add3A, %min3A : i32
    %add3A_8 = arith.addi %mul3A_6, %min3A_7 : i32
    %lt3A = arith.constant 1 : i32
    %lt3A_9 = arith.cmpi slt, %add3A, %lt3A : i32
    %jit3A = arith.constant 1 : i32
    %jit3A_10 = arith.constant 0 : i32
    %select_n3A = arith.select %lt3A_9, %jit3A, %jit3A_10 : i32
    %add3A_11 = arith.constant 61 : i32
    %add3A_12 = arith.addi %add3A_11, %select_n3A : i32
    %mul3A_13 = arith.constant 512 : i32
    %mul3A_14 = arith.muli %add3A_8, %mul3A_13 : i32
    %eq3A = arith.constant 31 : i32
    %eq3A_15 = arith.cmpi eq, %add3A, %eq3A : i32
    %add3A_16 = arith.addi %add3A_8, %add3A_12 : i32
    %mul3A_17 = arith.constant 512 : i32
    %mul3A_18 = arith.muli %add3A_16, %mul3A_17 : i32
    %jit3A_19 = arith.constant 1000000 : i32
    %select_n3A_20 = arith.select %eq3A_15, %jit3A_19, %mul3A_18 : i32
    %iota3A = tpu.iota {dimensions = array<i32: 0>} : vector<16xi32>
    %scan3A = arith.constant 0 : i32
    %scan3A_21 = arith.constant 0 : i32
    %scan3A_22 = arith.constant 1024 : i32
    %scan3A_23 = arith.addi %scan3A_21, %scan3A_22 : i32
    %scan3A_24 = arith.constant 1 : i32
    %scan3A_25 = scf.for %scan3A_95 = %scan3A_21 to %scan3A_23 step %scan3A_24 iter_args(%scan3A_96 = %scan3A) -> (i32)  : i32 {
      %mul3A_97 = arith.constant 16 : i32
      %mul3A_98 = arith.muli %scan3A_95, %mul3A_97 : i32
      %get3A = arith.index_cast %mul3A_98 : i32 to index
      %get3A_99 = tpu.vector_load %arg8[%get3A] {strides = array<i32>} : memref<16384xi32, #tpu.memory_space<vmem>>, vector<16xi32>,
      %mul3A_100 = arith.constant 16 : i32
      %mul3A_101 = arith.muli %scan3A_95, %mul3A_100 : i32
      %add3A_102 = vector.broadcast %mul3A_101 : i32 to vector<16xi32>
      %add3A_103 = arith.addi %add3A_102, %iota3A : vector<16xi32>
      %ge3A = vector.broadcast %mul3A_14 : i32 to vector<16xi32>
      %ge3A_104 = arith.cmpi sge, %get3A_99, %ge3A : vector<16xi32>
      %lt3A_105 = vector.broadcast %select_n3A_20 : i32 to vector<16xi32>
      %lt3A_106 = arith.cmpi slt, %get3A_99, %lt3A_105 : vector<16xi32>
      %and3A_107 = arith.andi %ge3A_104, %lt3A_106 : vector<16xi1>
      %swap3A = arith.index_cast %scan3A_96 : i32 to index
      %swap3A_108 = tpu.vector_load %arg9[%swap3A] masked %and3A_107 {strides = array<i32>} : memref<16400xi32, #tpu.memory_space<vmem>>, vector<16xi32>, vector<16xi1>
      tpu.vector_store %arg9[%swap3A], %get3A_99 masked %and3A_107 {strides = array<i32>} : memref<16400xi32, #tpu.memory_space<vmem>>, vector<16xi32>, vector<16xi1>
      %swap3A_109 = arith.index_cast %scan3A_96 : i32 to index
      %swap3A_110 = tpu.vector_load %arg10[%swap3A_109] masked %and3A_107 {strides = array<i32>} : memref<16400xi32, #tpu.memory_space<vmem>>, vector<16xi32>, vector<16xi1>
      tpu.vector_store %arg10[%swap3A_109], %add3A_103 masked %and3A_107 {strides = array<i32>} : memref<16400xi32, #tpu.memory_space<vmem>>, vector<16xi32>, vector<16xi1>
      %convert_element_type3A_111 = arith.extui %and3A_107 : vector<16xi1> to vector<16xi32>
      %reduce_sum3A = arith.constant true
      %reduce_sum3A_112 = vector.broadcast %reduce_sum3A : i1 to vector<16xi1>
      %reduce_sum3A_113 = tpu.scan <sum>, %convert_element_type3A_111 masked %reduce_sum3A_112 : vector<16xi32>, vector<16xi1> -> vector<16xi32>
      %reduce_sum3A_114 = vector.extract %reduce_sum3A_113[15] : i32 from vector<16xi32>
      %add3A_115 = arith.addi %scan3A_96, %reduce_sum3A_114 : i32
      scf.yield %add3A_115 : i32
    }
    %scan3A_26 = arith.constant 1024 : i32
    %add3A_27 = arith.constant 16 : i32
    %add3A_28 = arith.addi %scan3A_25, %add3A_27 : i32
    %sub3A = arith.constant 1 : i32
    %sub3A_29 = arith.subi %add3A_28, %sub3A : i32
    %jit3A_30 = arith.constant 16 : i32
    %div3A = arith.divsi %sub3A_29, %jit3A_30 : i32
    %sign3A = arith.constant 0 : i32
    %sign3A_31 = arith.cmpi sgt, %sub3A_29, %sign3A : i32
    %sign3A_32 = arith.extui %sign3A_31 : i1 to i32
    %sign3A_33 = arith.constant 0 : i32
    %sign3A_34 = arith.cmpi slt, %sub3A_29, %sign3A_33 : i32
    %sign3A_35 = arith.extui %sign3A_34 : i1 to i32
    %sign3A_36 = arith.subi %sign3A_32, %sign3A_35 : i32
    %sign3A_37 = arith.constant 0 : i32
    %sign3A_38 = arith.cmpi sgt, %jit3A_30, %sign3A_37 : i32
    %sign3A_39 = arith.extui %sign3A_38 : i1 to i32
    %sign3A_40 = arith.constant 0 : i32
    %sign3A_41 = arith.cmpi slt, %jit3A_30, %sign3A_40 : i32
    %sign3A_42 = arith.extui %sign3A_41 : i1 to i32
    %sign3A_43 = arith.subi %sign3A_39, %sign3A_42 : i32
    %ne3A = arith.cmpi ne, %sign3A_36, %sign3A_43 : i32
    %rem3A = arith.remsi %sub3A_29, %jit3A_30 : i32
    %ne3A_44 = arith.constant 0 : i32
    %ne3A_45 = arith.cmpi ne, %rem3A, %ne3A_44 : i32
    %and3A = arith.andi %ne3A, %ne3A_45 : i1
    %sub3A_46 = arith.constant 1 : i32
    %sub3A_47 = arith.subi %div3A, %sub3A_46 : i32
    %select_n3A_48 = arith.select %and3A, %sub3A_47, %div3A : i32
    %broadcast_in_dim3A = vector.broadcast %scan3A_25 : i32 to vector<16xi32>
    tpu.wait_dma2 semaphore(%arg18 : memref<!tpu.dma_semaphore, #tpu.memory_space<semaphore_mem>>) src(%arg4 : memref<64x64xf32, #tpu.memory_space<hbm>>) dst(%arg12 : memref<64x64xf32, #tpu.memory_space<vmem>>)
    %gt3A = arith.constant 0 : i32
    %gt3A_49 = arith.cmpi sgt, %add3A_12, %gt3A : i32
    %convert_element_type3A = arith.extui %gt3A_49 : i1 to i32
    %cond3A = arith.constant 0 : i32
    %cond3A_50 = arith.cmpi ne, %convert_element_type3A, %cond3A : i32
    scf.if %cond3A_50 {
      %add3A_95 = arith.constant 0 : i32
      %add3A_96 = arith.addi %add3A_8, %add3A_95 : i32
      %mul3A_97 = arith.constant 512 : i32
      %mul3A_98 = arith.muli %add3A_96, %mul3A_97 : i32
      %multiple_of3A = tpu.assume_multiple %mul3A_98, 512 : i32
      %dma_start3A_99 = arith.constant 0 : i32
      %dma_start3A_100 = arith.constant 0 : i32
      %dma_start3A_101 = arith.constant 0 : i32
      %dma_start3A_102 = tpu.memref_slice %arg11[%dma_start3A_99, %dma_start3A_100, %dma_start3A_101] : memref<2x64x512xf32, #tpu.memory_space<vmem>> -> memref<1x64x512xf32, #tpu.memory_space<vmem>>
      %dma_start3A_103 = tpu.memref_squeeze %dma_start3A_102 : memref<1x64x512xf32, #tpu.memory_space<vmem>> -> memref<64x512xf32, #tpu.memory_space<vmem>>
      %dma_start3A_104 = arith.constant 0 : i32
      %dma_start3A_105 = tpu.memref_slice %arg3[%dma_start3A_104, %multiple_of3A] : memref<64x1000000xf32, #tpu.memory_space<hbm>> -> memref<64x512xf32, #tpu.memory_space<hbm>>
      %dma_start3A_106 = arith.constant 0 : i32
      %dma_start3A_107 = arith.constant 0 : i32
      %dma_start3A_108 = tpu.memref_slice %arg11[%dma_start3A_99, %dma_start3A_106, %dma_start3A_107] : memref<2x64x512xf32, #tpu.memory_space<vmem>> -> memref<1x64x512xf32, #tpu.memory_space<vmem>>
      %dma_start3A_109 = tpu.memref_squeeze %dma_start3A_108 : memref<1x64x512xf32, #tpu.memory_space<vmem>> -> memref<64x512xf32, #tpu.memory_space<vmem>>
      %dma_start3A_110 = arith.constant 0 : i32
      %dma_start3A_111 = tpu.memref_slice %arg3[%dma_start3A_110, %multiple_of3A] : memref<64x1000000xf32, #tpu.memory_space<hbm>> -> memref<64x512xf32, #tpu.memory_space<hbm>>
      tpu.enqueue_dma source(%dma_start3A_111 : memref<64x512xf32, #tpu.memory_space<hbm>>) target(%dma_start3A_109 : memref<64x512xf32, #tpu.memory_space<vmem>>) target_semaphore(%arg17 : memref<!tpu.dma_semaphore, #tpu.memory_space<semaphore_mem>>)
    } else {
    }
    %scan3A_51 = arith.constant 0 : i32
    %scan3A_52 = arith.constant 0 : i32
    %scan3A_53 = arith.constant 32 : i32
    %scan3A_54 = arith.addi %scan3A_52, %scan3A_53 : i32
    %scan3A_55 = arith.constant 1 : i32
    scf.for %scan3A_95 = %scan3A_52 to %scan3A_54 step %scan3A_55  : i32 {
      %mul3A_96 = arith.constant 2 : i32
      %mul3A_97 = arith.muli %mul3A_96, %scan3A_95 : i32
      %add3A_98 = arith.constant 0 : i32
      %add3A_99 = arith.addi %mul3A_97, %add3A_98 : i32
      %lt3A_100 = arith.cmpi slt, %add3A_99, %add3A_12 : i32
      %convert_element_type3A_101 = arith.extui %lt3A_100 : i1 to i32
      %cond3A_102 = arith.constant 0 : i32
      %cond3A_103 = arith.cmpi ne, %convert_element_type3A_101, %cond3A_102 : i32
      scf.if %cond3A_103 {
        %add3A_112 = arith.constant 1 : i32
        %add3A_113 = arith.addi %add3A_99, %add3A_112 : i32
        %lt3A_114 = arith.cmpi slt, %add3A_113, %add3A_12 : i32
        %convert_element_type3A_115 = arith.extui %lt3A_114 : i1 to i32
        %cond3A_116 = arith.constant 0 : i32
        %cond3A_117 = arith.cmpi ne, %convert_element_type3A_115, %cond3A_116 : i32
        scf.if %cond3A_117 {
          %add3A_172 = arith.constant 1 : i32
          %add3A_173 = arith.addi %add3A_99, %add3A_172 : i32
          %add3A_174 = arith.addi %add3A_8, %add3A_173 : i32
          %mul3A_175 = arith.constant 512 : i32
          %mul3A_176 = arith.muli %add3A_174, %mul3A_175 : i32
          %multiple_of3A_177 = tpu.assume_multiple %mul3A_176, 512 : i32
          %dma_start3A_178 = arith.constant 1 : i32
          %dma_start3A_179 = arith.constant 0 : i32
          %dma_start3A_180 = arith.constant 0 : i32
          %dma_start3A_181 = tpu.memref_slice %arg11[%dma_start3A_178, %dma_start3A_179, %dma_start3A_180] : memref<2x64x512xf32, #tpu.memory_space<vmem>> -> memref<1x64x512xf32, #tpu.memory_space<vmem>>
          %dma_start3A_182 = tpu.memref_squeeze %dma_start3A_181 : memref<1x64x512xf32, #tpu.memory_space<vmem>> -> memref<64x512xf32, #tpu.memory_space<vmem>>
          %dma_start3A_183 = arith.constant 0 : i32
          %dma_start3A_184 = tpu.memref_slice %arg3[%dma_start3A_183, %multiple_of3A_177] : memref<64x1000000xf32, #tpu.memory_space<hbm>> -> memref<64x512xf32, #tpu.memory_space<hbm>>
          %dma_start3A_185 = arith.constant 0 : i32
          %dma_start3A_186 = arith.constant 0 : i32
          %dma_start3A_187 = tpu.memref_slice %arg11[%dma_start3A_178, %dma_start3A_185, %dma_start3A_186] : memref<2x64x512xf32, #tpu.memory_space<vmem>> -> memref<1x64x512xf32, #tpu.memory_space<vmem>>
          %dma_start3A_188 = tpu.memref_squeeze %dma_start3A_187 : memref<1x64x512xf32, #tpu.memory_space<vmem>> -> memref<64x512xf32, #tpu.memory_space<vmem>>
          %dma_start3A_189 = arith.constant 0 : i32
          %dma_start3A_190 = tpu.memref_slice %arg3[%dma_start3A_189, %multiple_of3A_177] : memref<64x1000000xf32, #tpu.memory_space<hbm>> -> memref<64x512xf32, #tpu.memory_space<hbm>>
          tpu.enqueue_dma source(%dma_start3A_190 : memref<64x512xf32, #tpu.memory_space<hbm>>) target(%dma_start3A_188 : memref<64x512xf32, #tpu.memory_space<vmem>>) target_semaphore(%arg18 : memref<!tpu.dma_semaphore, #tpu.memory_space<semaphore_mem>>)
        } else {
        }
        %dma_wait3A_118 = arith.constant 0 : i32
        %dma_wait3A_119 = arith.constant 0 : i32
        %dma_wait3A_120 = arith.constant 0 : i32
        %dma_wait3A_121 = tpu.memref_slice %arg11[%dma_wait3A_118, %dma_wait3A_119, %dma_wait3A_120] : memref<2x64x512xf32, #tpu.memory_space<vmem>> -> memref<1x64x512xf32, #tpu.memory_space<vmem>>
        %dma_wait3A_122 = tpu.memref_squeeze %dma_wait3A_121 : memref<1x64x512xf32, #tpu.memory_space<vmem>> -> memref<64x512xf32, #tpu.memory_space<vmem>>
        %dma_wait3A_123 = arith.constant 0 : i32
        %dma_wait3A_124 = arith.constant 0 : i32
        %dma_wait3A_125 = tpu.memref_slice %arg3[%dma_wait3A_123, %dma_wait3A_124] : memref<64x1000000xf32, #tpu.memory_space<hbm>> -> memref<64x512xf32, #tpu.memory_space<hbm>>
        %dma_wait3A_126 = arith.constant 0 : i32
        %dma_wait3A_127 = arith.constant 0 : i32
        %dma_wait3A_128 = tpu.memref_slice %arg11[%dma_wait3A_118, %dma_wait3A_126, %dma_wait3A_127] : memref<2x64x512xf32, #tpu.memory_space<vmem>> -> memref<1x64x512xf32, #tpu.memory_space<vmem>>
        %dma_wait3A_129 = tpu.memref_squeeze %dma_wait3A_128 : memref<1x64x512xf32, #tpu.memory_space<vmem>> -> memref<64x512xf32, #tpu.memory_space<vmem>>
        %dma_wait3A_130 = arith.constant 0 : i32
        %dma_wait3A_131 = arith.constant 0 : i32
        %dma_wait3A_132 = tpu.memref_slice %arg3[%dma_wait3A_130, %dma_wait3A_131] : memref<64x1000000xf32, #tpu.memory_space<hbm>> -> memref<64x512xf32, #tpu.memory_space<hbm>>
        tpu.wait_dma2 semaphore(%arg17 : memref<!tpu.dma_semaphore, #tpu.memory_space<semaphore_mem>>) src(%dma_wait3A_132 : memref<64x512xf32, #tpu.memory_space<hbm>>) dst(%dma_wait3A_129 : memref<64x512xf32, #tpu.memory_space<vmem>>)
        %add3A_133 = arith.addi %add3A_8, %add3A_99 : i32
        %mul3A_134 = arith.constant 512 : i32
        %mul3A_135 = arith.muli %add3A_133, %mul3A_134 : i32
        %multiple_of3A = tpu.assume_multiple %mul3A_135, 512 : i32
        %add3A_136 = arith.constant 512 : i32
        %add3A_137 = arith.addi %multiple_of3A, %add3A_136 : i32
        %while3A_138 = arith.constant 0 : i32
        %while3A_139 = arith.constant 0 : i32
        %while3A_140 = arith.subi %select_n3A_48, %while3A_138 : i32
        %while3A_141 = arith.addi %while3A_138, %while3A_140 : i32
        %while3A_142 = arith.constant 1 : i32
        %while3A_143 = arith.divsi %while3A_140, %while3A_142 : i32
        %while3A_144 = arith.muli %while3A_143, %while3A_142 : i32
        %while3A_145 = arith.addi %while3A_138, %while3A_144 : i32
        %while3A_146 = arith.constant 1 : i32
        %while3A_147 = scf.for %while3A_172 = %while3A_138 to %while3A_145 step %while3A_146 iter_args(%while3A_173 = %while3A_139) -> (i32)  : i32 {
          %mul3A_174 = arith.constant 16 : i32
          %mul3A_175 = arith.muli %while3A_172, %mul3A_174 : i32
          %get3A = arith.index_cast %mul3A_175 : i32 to index
          %get3A_176 = tpu.vector_load %arg9[%get3A] {strides = array<i32>} : memref<16400xi32, #tpu.memory_space<vmem>>, vector<16xi32>,
          %mul3A_177 = arith.constant 16 : i32
          %mul3A_178 = arith.muli %while3A_172, %mul3A_177 : i32
          %get3A_179 = arith.index_cast %mul3A_178 : i32 to index
          %get3A_180 = tpu.vector_load %arg10[%get3A_179] {strides = array<i32>} : memref<16400xi32, #tpu.memory_space<vmem>>, vector<16xi32>,
          %ge3A = vector.broadcast %multiple_of3A : i32 to vector<16xi32>
          %ge3A_181 = arith.cmpi sge, %get3A_176, %ge3A : vector<16xi32>
          %lt3A_182 = vector.broadcast %add3A_137 : i32 to vector<16xi32>
          %lt3A_183 = arith.cmpi slt, %get3A_176, %lt3A_182 : vector<16xi32>
          %and3A_184 = arith.andi %ge3A_181, %lt3A_183 : vector<16xi1>
          %mul3A_185 = arith.constant 16 : i32
          %mul3A_186 = arith.muli %while3A_172, %mul3A_185 : i32
          %add3A_187 = vector.broadcast %mul3A_186 : i32 to vector<16xi32>
          %add3A_188 = arith.addi %add3A_187, %iota3A : vector<16xi32>
          %lt3A_189 = arith.cmpi slt, %add3A_188, %broadcast_in_dim3A : vector<16xi32>
          %and3A_190 = arith.andi %and3A_184, %lt3A_189 : vector<16xi1>
          %swap3A = arith.index_cast %while3A_173 : i32 to index
          %swap3A_191 = tpu.vector_load %arg13[%swap3A] masked %and3A_190 {strides = array<i32>} : memref<528xi32, #tpu.memory_space<vmem>>, vector<16xi32>, vector<16xi1>
          tpu.vector_store %arg13[%swap3A], %get3A_176 masked %and3A_190 {strides = array<i32>} : memref<528xi32, #tpu.memory_space<vmem>>, vector<16xi32>, vector<16xi1>
          %swap3A_192 = arith.index_cast %while3A_173 : i32 to index
          %swap3A_193 = tpu.vector_load %arg14[%swap3A_192] masked %and3A_190 {strides = array<i32>} : memref<528xi32, #tpu.memory_space<vmem>>, vector<16xi32>, vector<16xi1>
          tpu.vector_store %arg14[%swap3A_192], %get3A_180 masked %and3A_190 {strides = array<i32>} : memref<528xi32, #tpu.memory_space<vmem>>, vector<16xi32>, vector<16xi1>
          %convert_element_type3A_194 = arith.extui %and3A_190 : vector<16xi1> to vector<16xi32>
          %reduce_sum3A = arith.constant true
          %reduce_sum3A_195 = vector.broadcast %reduce_sum3A : i1 to vector<16xi1>
          %reduce_sum3A_196 = tpu.scan <sum>, %convert_element_type3A_194 masked %reduce_sum3A_195 : vector<16xi32>, vector<16xi1> -> vector<16xi32>
          %reduce_sum3A_197 = vector.extract %reduce_sum3A_196[15] : i32 from vector<16xi32>
          %add3A_198 = arith.addi %while3A_173, %reduce_sum3A_197 : i32
          %ge3A_199 = arith.constant 512 : i32
          %ge3A_200 = arith.cmpi sge, %add3A_198, %ge3A_199 : i32
          %convert_element_type3A_201 = arith.extui %ge3A_200 : i1 to i32
          %cond3A_202 = arith.constant 0 : i32
          %cond3A_203 = arith.cmpi ne, %convert_element_type3A_201, %cond3A_202 : i32
          %cond3A_204 = scf.if %cond3A_203 -> (i32) {
            %while3A_205 = arith.constant 0 : i32
            %while3A_206 = arith.constant 0 : i32
            %while3A_207 = arith.subi %add3A_198, %while3A_206 : i32
            %while3A_208 = arith.addi %while3A_206, %while3A_207 : i32
            %while3A_209 = arith.constant 1 : i32
            %while3A_210 = arith.divsi %while3A_207, %while3A_209 : i32
            %while3A_211 = arith.muli %while3A_210, %while3A_209 : i32
            %while3A_212 = arith.addi %while3A_206, %while3A_211 : i32
            %while3A_213 = arith.constant 1 : i32
            scf.for %while3A_228 = %while3A_206 to %while3A_212 step %while3A_213  : i32 {
              %ge3A_229 = arith.constant 8 : i32
              %ge3A_230 = arith.cmpi sge, %while3A_228, %ge3A_229 : i32
              %convert_element_type3A_231 = arith.extui %ge3A_230 : i1 to i32
              %cond3A_232 = arith.constant 0 : i32
              %cond3A_233 = arith.cmpi ne, %convert_element_type3A_231, %cond3A_232 : i32
              scf.if %cond3A_233 {
                %dma_wait3A_312 = arith.constant 0 : i32
                %dma_wait3A_313 = tpu.memref_slice %arg15[%dma_wait3A_312] : memref<512xf32, #tpu.memory_space<vmem>> -> memref<64xf32, #tpu.memory_space<vmem>>
                %dma_wait3A_314 = arith.constant 0 : i32
                %dma_wait3A_315 = tpu.memref_slice %arg6[%dma_wait3A_314] : memref<1048592xf32, #tpu.memory_space<hbm>> -> memref<64xf32, #tpu.memory_space<hbm>>
                %dma_wait3A_316 = arith.constant 0 : i32
                %dma_wait3A_317 = tpu.memref_slice %arg6[%dma_wait3A_316] : memref<1048592xf32, #tpu.memory_space<hbm>> -> memref<64xf32, #tpu.memory_space<hbm>>
                %dma_wait3A_318 = arith.constant 0 : i32
                %dma_wait3A_319 = tpu.memref_slice %arg15[%dma_wait3A_318] : memref<512xf32, #tpu.memory_space<vmem>> -> memref<64xf32, #tpu.memory_space<vmem>>
                tpu.wait_dma2 semaphore(%arg19 : memref<!tpu.dma_semaphore, #tpu.memory_space<semaphore_mem>>) src(%dma_wait3A_319 : memref<64xf32, #tpu.memory_space<vmem>>) dst(%dma_wait3A_317 : memref<64xf32, #tpu.memory_space<hbm>>)
              } else {
              }
              %broadcast_in_dim3A_234 = vector.broadcast %while3A_228 : i32 to vector<16xi32>
              %gather3A = tpu.vector_load_idx %arg13[%broadcast_in_dim3A_234] : memref<528xi32, #tpu.memory_space<vmem>>[vector<16xi32>], vector<16xi32>,
              %sub3A_235 = vector.broadcast %multiple_of3A : i32 to vector<16xi32>
              %sub3A_236 = arith.subi %gather3A, %sub3A_235 : vector<16xi32>
              %gather3A_237 = tpu.vector_load_idx %arg14[%broadcast_in_dim3A_234] : memref<528xi32, #tpu.memory_space<vmem>>[vector<16xi32>], vector<16xi32>,
              %eq3A_238 = arith.constant 0 : i32
              %eq3A_239 = vector.broadcast %eq3A_238 : i32 to vector<16xi32>
              %eq3A_240 = arith.cmpi eq, %iota3A, %eq3A_239 : vector<16xi32>
              %jit3A_241 = arith.constant 0 : i32
              %broadcast_in_dim3A_242 = vector.broadcast %jit3A_241 : i32 to vector<16xi32>
              %select_n3A_243 = arith.select %eq3A_240, %gather3A_237, %broadcast_in_dim3A_242 : vector<16xi1>, vector<16xi32>
              %reduce_sum3A_244 = arith.constant true
              %reduce_sum3A_245 = vector.broadcast %reduce_sum3A_244 : i1 to vector<16xi1>
              %reduce_sum3A_246 = tpu.scan <sum>, %select_n3A_243 masked %reduce_sum3A_245 : vector<16xi32>, vector<16xi1> -> vector<16xi32>
              %reduce_sum3A_247 = vector.extract %reduce_sum3A_246[15] : i32 from vector<16xi32>
              %jit3A_248 = arith.constant 8 : i32
              %eq3A_249 = arith.constant 0 : i32
              %eq3A_250 = arith.cmpi eq, %jit3A_248, %eq3A_249 : i32
              %jit3A_251 = arith.constant 1 : i32
              %select_n3A_252 = arith.select %eq3A_250, %jit3A_251, %jit3A_248 : i32
              %rem3A_253 = arith.remsi %while3A_228, %select_n3A_252 : i32
              %ne3A_254 = arith.constant 0 : i32
              %ne3A_255 = arith.cmpi ne, %rem3A_253, %ne3A_254 : i32
              %lt3A_256 = arith.constant 0 : i32
              %lt3A_257 = arith.cmpi slt, %rem3A_253, %lt3A_256 : i32
              %lt3A_258 = arith.constant 0 : i32
              %lt3A_259 = arith.cmpi slt, %select_n3A_252, %lt3A_258 : i32
              %ne3A_260 = arith.xori %lt3A_257, %lt3A_259 : i1
              %and3A_261 = arith.andi %ne3A_260, %ne3A_255 : i1
              %add3A_262 = arith.addi %rem3A_253, %select_n3A_252 : i32
              %select_n3A_263 = arith.select %and3A_261, %add3A_262, %rem3A_253 : i32
              %mul3A_264 = arith.constant 64 : i32
              %mul3A_265 = arith.muli %select_n3A_263, %mul3A_264 : i32
              %add3A_266 = arith.constant 0 : i32
              %add3A_267 = vector.broadcast %add3A_266 : i32 to vector<16xi32>
              %add3A_268 = arith.addi %iota3A, %add3A_267 : vector<16xi32>
              %broadcast_in_dim3A_269 = arith.constant 0 : i32
              %broadcast_in_dim3A_270 = vector.broadcast %broadcast_in_dim3A_269 : i32 to vector<16xi32>
              %gather3A_271 = tpu.vector_load_idx %arg11[%broadcast_in_dim3A_270, %add3A_268, %sub3A_236] : memref<2x64x512xf32, #tpu.memory_space<vmem>>[vector<16xi32>, vector<16xi32>, vector<16xi32>], vector<16xf32>,
              %add3A_272 = arith.constant 0 : i32
              %add3A_273 = arith.addi %mul3A_265, %add3A_272 : i32
              %swap3A_274 = arith.index_cast %add3A_273 : i32 to index
              %swap3A_275 = tpu.vector_load %arg15[%swap3A_274] {strides = array<i32>} : memref<512xf32, #tpu.memory_space<vmem>>, vector<16xf32>,
              tpu.vector_store %arg15[%swap3A_274], %gather3A_271 {strides = array<i32>} : memref<512xf32, #tpu.memory_space<vmem>>, vector<16xf32>,
              %add3A_276 = arith.constant 16 : i32
              %add3A_277 = vector.broadcast %add3A_276 : i32 to vector<16xi32>
              %add3A_278 = arith.addi %iota3A, %add3A_277 : vector<16xi32>
              %broadcast_in_dim3A_279 = arith.constant 0 : i32
              %broadcast_in_dim3A_280 = vector.broadcast %broadcast_in_dim3A_279 : i32 to vector<16xi32>
              %gather3A_281 = tpu.vector_load_idx %arg11[%broadcast_in_dim3A_280, %add3A_278, %sub3A_236] : memref<2x64x512xf32, #tpu.memory_space<vmem>>[vector<16xi32>, vector<16xi32>, vector<16xi32>], vector<16xf32>,
              %add3A_282 = arith.constant 16 : i32
              %add3A_283 = arith.addi %mul3A_265, %add3A_282 : i32
              %swap3A_284 = arith.index_cast %add3A_283 : i32 to index
              %swap3A_285 = tpu.vector_load %arg15[%swap3A_284] {strides = array<i32>} : memref<512xf32, #tpu.memory_space<vmem>>, vector<16xf32>,
              tpu.vector_store %arg15[%swap3A_284], %gather3A_281 {strides = array<i32>} : memref<512xf32, #tpu.memory_space<vmem>>, vector<16xf32>,
              %add3A_286 = arith.constant 32 : i32
              %add3A_287 = vector.broadcast %add3A_286 : i32 to vector<16xi32>
              %add3A_288 = arith.addi %iota3A, %add3A_287 : vector<16xi32>
              %broadcast_in_dim3A_289 = arith.constant 0 : i32
              %broadcast_in_dim3A_290 = vector.broadcast %broadcast_in_dim3A_289 : i32 to vector<16xi32>
              %gather3A_291 = tpu.vector_load_idx %arg11[%broadcast_in_dim3A_290, %add3A_288, %sub3A_236] : memref<2x64x512xf32, #tpu.memory_space<vmem>>[vector<16xi32>, vector<16xi32>, vector<16xi32>], vector<16xf32>,
              %add3A_292 = arith.constant 32 : i32
              %add3A_293 = arith.addi %mul3A_265, %add3A_292 : i32
              %swap3A_294 = arith.index_cast %add3A_293 : i32 to index
              %swap3A_295 = tpu.vector_load %arg15[%swap3A_294] {strides = array<i32>} : memref<512xf32, #tpu.memory_space<vmem>>, vector<16xf32>,
              tpu.vector_store %arg15[%swap3A_294], %gather3A_291 {strides = array<i32>} : memref<512xf32, #tpu.memory_space<vmem>>, vector<16xf32>,
              %add3A_296 = arith.constant 48 : i32
              %add3A_297 = vector.broadcast %add3A_296 : i32 to vector<16xi32>
              %add3A_298 = arith.addi %iota3A, %add3A_297 : vector<16xi32>
              %broadcast_in_dim3A_299 = arith.constant 0 : i32
              %broadcast_in_dim3A_300 = vector.broadcast %broadcast_in_dim3A_299 : i32 to vector<16xi32>
              %gather3A_301 = tpu.vector_load_idx %arg11[%broadcast_in_dim3A_300, %add3A_298, %sub3A_236] : memref<2x64x512xf32, #tpu.memory_space<vmem>>[vector<16xi32>, vector<16xi32>, vector<16xi32>], vector<16xf32>,
              %add3A_302 = arith.constant 48 : i32
              %add3A_303 = arith.addi %mul3A_265, %add3A_302 : i32
              %swap3A_304 = arith.index_cast %add3A_303 : i32 to index
              %swap3A_305 = tpu.vector_load %arg15[%swap3A_304] {strides = array<i32>} : memref<512xf32, #tpu.memory_space<vmem>>, vector<16xf32>,
              tpu.vector_store %arg15[%swap3A_304], %gather3A_301 {strides = array<i32>} : memref<512xf32, #tpu.memory_space<vmem>>, vector<16xf32>,
              %mul3A_306 = arith.constant 64 : i32
              %mul3A_307 = arith.muli %reduce_sum3A_247, %mul3A_306 : i32
              %dma_start3A_308 = tpu.memref_slice %arg15[%mul3A_265] : memref<512xf32, #tpu.memory_space<vmem>> -> memref<64xf32, #tpu.memory_space<vmem>>
              %dma_start3A_309 = tpu.memref_slice %arg6[%mul3A_307] : memref<1048592xf32, #tpu.memory_space<hbm>> -> memref<64xf32, #tpu.memory_space<hbm>>
              %dma_start3A_310 = tpu.memref_slice %arg6[%mul3A_307] : memref<1048592xf32, #tpu.memory_space<hbm>> -> memref<64xf32, #tpu.memory_space<hbm>>
              %dma_start3A_311 = tpu.memref_slice %arg15[%mul3A_265] : memref<512xf32, #tpu.memory_space<vmem>> -> memref<64xf32, #tpu.memory_space<vmem>>
              tpu.enqueue_dma source(%dma_start3A_311 : memref<64xf32, #tpu.memory_space<vmem>>) target(%dma_start3A_310 : memref<64xf32, #tpu.memory_space<hbm>>) target_semaphore(%arg19 : memref<!tpu.dma_semaphore, #tpu.memory_space<semaphore_mem>>)
            }
            %while3A_214 = arith.constant 1 : i32
            scf.for %while3A_228 = %while3A_212 to %while3A_208 step %while3A_214  : i32 {
              %ge3A_229 = arith.constant 8 : i32
              %ge3A_230 = arith.cmpi sge, %while3A_228, %ge3A_229 : i32
              %convert_element_type3A_231 = arith.extui %ge3A_230 : i1 to i32
              %cond3A_232 = arith.constant 0 : i32
              %cond3A_233 = arith.cmpi ne, %convert_element_type3A_231, %cond3A_232 : i32
              scf.if %cond3A_233 {
                %dma_wait3A_312 = arith.constant 0 : i32
                %dma_wait3A_313 = tpu.memref_slice %arg15[%dma_wait3A_312] : memref<512xf32, #tpu.memory_space<vmem>> -> memref<64xf32, #tpu.memory_space<vmem>>
                %dma_wait3A_314 = arith.constant 0 : i32
                %dma_wait3A_315 = tpu.memref_slice %arg6[%dma_wait3A_314] : memref<1048592xf32, #tpu.memory_space<hbm>> -> memref<64xf32, #tpu.memory_space<hbm>>
                %dma_wait3A_316 = arith.constant 0 : i32
                %dma_wait3A_317 = tpu.memref_slice %arg6[%dma_wait3A_316] : memref<1048592xf32, #tpu.memory_space<hbm>> -> memref<64xf32, #tpu.memory_space<hbm>>
                %dma_wait3A_318 = arith.constant 0 : i32
                %dma_wait3A_319 = tpu.memref_slice %arg15[%dma_wait3A_318] : memref<512xf32, #tpu.memory_space<vmem>> -> memref<64xf32, #tpu.memory_space<vmem>>
                tpu.wait_dma2 semaphore(%arg19 : memref<!tpu.dma_semaphore, #tpu.memory_space<semaphore_mem>>) src(%dma_wait3A_319 : memref<64xf32, #tpu.memory_space<vmem>>) dst(%dma_wait3A_317 : memref<64xf32, #tpu.memory_space<hbm>>)
              } else {
              }
              %broadcast_in_dim3A_234 = vector.broadcast %while3A_228 : i32 to vector<16xi32>
              %gather3A = tpu.vector_load_idx %arg13[%broadcast_in_dim3A_234] : memref<528xi32, #tpu.memory_space<vmem>>[vector<16xi32>], vector<16xi32>,
              %sub3A_235 = vector.broadcast %multiple_of3A : i32 to vector<16xi32>
              %sub3A_236 = arith.subi %gather3A, %sub3A_235 : vector<16xi32>
              %gather3A_237 = tpu.vector_load_idx %arg14[%broadcast_in_dim3A_234] : memref<528xi32, #tpu.memory_space<vmem>>[vector<16xi32>], vector<16xi32>,
              %eq3A_238 = arith.constant 0 : i32
              %eq3A_239 = vector.broadcast %eq3A_238 : i32 to vector<16xi32>
              %eq3A_240 = arith.cmpi eq, %iota3A, %eq3A_239 : vector<16xi32>
              %jit3A_241 = arith.constant 0 : i32
              %broadcast_in_dim3A_242 = vector.broadcast %jit3A_241 : i32 to vector<16xi32>
              %select_n3A_243 = arith.select %eq3A_240, %gather3A_237, %broadcast_in_dim3A_242 : vector<16xi1>, vector<16xi32>
              %reduce_sum3A_244 = arith.constant true
              %reduce_sum3A_245 = vector.broadcast %reduce_sum3A_244 : i1 to vector<16xi1>
              %reduce_sum3A_246 = tpu.scan <sum>, %select_n3A_243 masked %reduce_sum3A_245 : vector<16xi32>, vector<16xi1> -> vector<16xi32>
              %reduce_sum3A_247 = vector.extract %reduce_sum3A_246[15] : i32 from vector<16xi32>
              %jit3A_248 = arith.constant 8 : i32
              %eq3A_249 = arith.constant 0 : i32
              %eq3A_250 = arith.cmpi eq, %jit3A_248, %eq3A_249 : i32
              %jit3A_251 = arith.constant 1 : i32
              %select_n3A_252 = arith.select %eq3A_250, %jit3A_251, %jit3A_248 : i32
              %rem3A_253 = arith.remsi %while3A_228, %select_n3A_252 : i32
              %ne3A_254 = arith.constant 0 : i32
              %ne3A_255 = arith.cmpi ne, %rem3A_253, %ne3A_254 : i32
              %lt3A_256 = arith.constant 0 : i32
              %lt3A_257 = arith.cmpi slt, %rem3A_253, %lt3A_256 : i32
              %lt3A_258 = arith.constant 0 : i32
              %lt3A_259 = arith.cmpi slt, %select_n3A_252, %lt3A_258 : i32
              %ne3A_260 = arith.xori %lt3A_257, %lt3A_259 : i1
              %and3A_261 = arith.andi %ne3A_260, %ne3A_255 : i1
              %add3A_262 = arith.addi %rem3A_253, %select_n3A_252 : i32
              %select_n3A_263 = arith.select %and3A_261, %add3A_262, %rem3A_253 : i32
              %mul3A_264 = arith.constant 64 : i32
              %mul3A_265 = arith.muli %select_n3A_263, %mul3A_264 : i32
              %add3A_266 = arith.constant 0 : i32
              %add3A_267 = vector.broadcast %add3A_266 : i32 to vector<16xi32>
              %add3A_268 = arith.addi %iota3A, %add3A_267 : vector<16xi32>
              %broadcast_in_dim3A_269 = arith.constant 0 : i32
              %broadcast_in_dim3A_270 = vector.broadcast %broadcast_in_dim3A_269 : i32 to vector<16xi32>
              %gather3A_271 = tpu.vector_load_idx %arg11[%broadcast_in_dim3A_270, %add3A_268, %sub3A_236] : memref<2x64x512xf32, #tpu.memory_space<vmem>>[vector<16xi32>, vector<16xi32>, vector<16xi32>], vector<16xf32>,
              %add3A_272 = arith.constant 0 : i32
              %add3A_273 = arith.addi %mul3A_265, %add3A_272 : i32
              %swap3A_274 = arith.index_cast %add3A_273 : i32 to index
              %swap3A_275 = tpu.vector_load %arg15[%swap3A_274] {strides = array<i32>} : memref<512xf32, #tpu.memory_space<vmem>>, vector<16xf32>,
              tpu.vector_store %arg15[%swap3A_274], %gather3A_271 {strides = array<i32>} : memref<512xf32, #tpu.memory_space<vmem>>, vector<16xf32>,
              %add3A_276 = arith.constant 16 : i32
              %add3A_277 = vector.broadcast %add3A_276 : i32 to vector<16xi32>
              %add3A_278 = arith.addi %iota3A, %add3A_277 : vector<16xi32>
              %broadcast_in_dim3A_279 = arith.constant 0 : i32
              %broadcast_in_dim3A_280 = vector.broadcast %broadcast_in_dim3A_279 : i32 to vector<16xi32>
              %gather3A_281 = tpu.vector_load_idx %arg11[%broadcast_in_dim3A_280, %add3A_278, %sub3A_236] : memref<2x64x512xf32, #tpu.memory_space<vmem>>[vector<16xi32>, vector<16xi32>, vector<16xi32>], vector<16xf32>,
              %add3A_282 = arith.constant 16 : i32
              %add3A_283 = arith.addi %mul3A_265, %add3A_282 : i32
              %swap3A_284 = arith.index_cast %add3A_283 : i32 to index
              %swap3A_285 = tpu.vector_load %arg15[%swap3A_284] {strides = array<i32>} : memref<512xf32, #tpu.memory_space<vmem>>, vector<16xf32>,
              tpu.vector_store %arg15[%swap3A_284], %gather3A_281 {strides = array<i32>} : memref<512xf32, #tpu.memory_space<vmem>>, vector<16xf32>,
              %add3A_286 = arith.constant 32 : i32
              %add3A_287 = vector.broadcast %add3A_286 : i32 to vector<16xi32>
              %add3A_288 = arith.addi %iota3A, %add3A_287 : vector<16xi32>
              %broadcast_in_dim3A_289 = arith.constant 0 : i32
              %broadcast_in_dim3A_290 = vector.broadcast %broadcast_in_dim3A_289 : i32 to vector<16xi32>
              %gather3A_291 = tpu.vector_load_idx %arg11[%broadcast_in_dim3A_290, %add3A_288, %sub3A_236] : memref<2x64x512xf32, #tpu.memory_space<vmem>>[vector<16xi32>, vector<16xi32>, vector<16xi32>], vector<16xf32>,
              %add3A_292 = arith.constant 32 : i32
              %add3A_293 = arith.addi %mul3A_265, %add3A_292 : i32
              %swap3A_294 = arith.index_cast %add3A_293 : i32 to index
              %swap3A_295 = tpu.vector_load %arg15[%swap3A_294] {strides = array<i32>} : memref<512xf32, #tpu.memory_space<vmem>>, vector<16xf32>,
              tpu.vector_store %arg15[%swap3A_294], %gather3A_291 {strides = array<i32>} : memref<512xf32, #tpu.memory_space<vmem>>, vector<16xf32>,
              %add3A_296 = arith.constant 48 : i32
              %add3A_297 = vector.broadcast %add3A_296 : i32 to vector<16xi32>
              %add3A_298 = arith.addi %iota3A, %add3A_297 : vector<16xi32>
              %broadcast_in_dim3A_299 = arith.constant 0 : i32
              %broadcast_in_dim3A_300 = vector.broadcast %broadcast_in_dim3A_299 : i32 to vector<16xi32>
              %gather3A_301 = tpu.vector_load_idx %arg11[%broadcast_in_dim3A_300, %add3A_298, %sub3A_236] : memref<2x64x512xf32, #tpu.memory_space<vmem>>[vector<16xi32>, vector<16xi32>, vector<16xi32>], vector<16xf32>,
              %add3A_302 = arith.constant 48 : i32
              %add3A_303 = arith.addi %mul3A_265, %add3A_302 : i32
              %swap3A_304 = arith.index_cast %add3A_303 : i32 to index
              %swap3A_305 = tpu.vector_load %arg15[%swap3A_304] {strides = array<i32>} : memref<512xf32, #tpu.memory_space<vmem>>, vector<16xf32>,
              tpu.vector_store %arg15[%swap3A_304], %gather3A_301 {strides = array<i32>} : memref<512xf32, #tpu.memory_space<vmem>>, vector<16xf32>,
              %mul3A_306 = arith.constant 64 : i32
              %mul3A_307 = arith.muli %reduce_sum3A_247, %mul3A_306 : i32
              %dma_start3A_308 = tpu.memref_slice %arg15[%mul3A_265] : memref<512xf32, #tpu.memory_space<vmem>> -> memref<64xf32, #tpu.memory_space<vmem>>
              %dma_start3A_309 = tpu.memref_slice %arg6[%mul3A_307] : memref<1048592xf32, #tpu.memory_space<hbm>> -> memref<64xf32, #tpu.memory_space<hbm>>
              %dma_start3A_310 = tpu.memref_slice %arg6[%mul3A_307] : memref<1048592xf32, #tpu.memory_space<hbm>> -> memref<64xf32, #tpu.memory_space<hbm>>
              %dma_start3A_311 = tpu.memref_slice %arg15[%mul3A_265] : memref<512xf32, #tpu.memory_space<vmem>> -> memref<64xf32, #tpu.memory_space<vmem>>
              tpu.enqueue_dma source(%dma_start3A_311 : memref<64xf32, #tpu.memory_space<vmem>>) target(%dma_start3A_310 : memref<64xf32, #tpu.memory_space<hbm>>) target_semaphore(%arg19 : memref<!tpu.dma_semaphore, #tpu.memory_space<semaphore_mem>>)
            }
            %min3A_215 = arith.constant 8 : i32
            %min3A_216 = arith.minsi %add3A_198, %min3A_215 : i32
            %while3A_217 = arith.constant 0 : i32
            %while3A_218 = arith.constant 0 : i32
            %while3A_219 = arith.subi %min3A_216, %while3A_218 : i32
            %while3A_220 = arith.addi %while3A_218, %while3A_219 : i32
            %while3A_221 = arith.constant 1 : i32
            %while3A_222 = arith.divsi %while3A_219, %while3A_221 : i32
            %while3A_223 = arith.muli %while3A_222, %while3A_221 : i32
            %while3A_224 = arith.addi %while3A_218, %while3A_223 : i32
            %while3A_225 = arith.constant 1 : i32
            scf.for %while3A_228 = %while3A_218 to %while3A_224 step %while3A_225  : i32 {
              %dma_wait3A_229 = arith.constant 0 : i32
              %dma_wait3A_230 = tpu.memref_slice %arg15[%dma_wait3A_229] : memref<512xf32, #tpu.memory_space<vmem>> -> memref<64xf32, #tpu.memory_space<vmem>>
              %dma_wait3A_231 = arith.constant 0 : i32
              %dma_wait3A_232 = tpu.memref_slice %arg6[%dma_wait3A_231] : memref<1048592xf32, #tpu.memory_space<hbm>> -> memref<64xf32, #tpu.memory_space<hbm>>
              %dma_wait3A_233 = arith.constant 0 : i32
              %dma_wait3A_234 = tpu.memref_slice %arg6[%dma_wait3A_233] : memref<1048592xf32, #tpu.memory_space<hbm>> -> memref<64xf32, #tpu.memory_space<hbm>>
              %dma_wait3A_235 = arith.constant 0 : i32
              %dma_wait3A_236 = tpu.memref_slice %arg15[%dma_wait3A_235] : memref<512xf32, #tpu.memory_space<vmem>> -> memref<64xf32, #tpu.memory_space<vmem>>
              tpu.wait_dma2 semaphore(%arg19 : memref<!tpu.dma_semaphore, #tpu.memory_space<semaphore_mem>>) src(%dma_wait3A_236 : memref<64xf32, #tpu.memory_space<vmem>>) dst(%dma_wait3A_234 : memref<64xf32, #tpu.memory_space<hbm>>)
            }
            %while3A_226 = arith.constant 1 : i32
            scf.for %while3A_228 = %while3A_224 to %while3A_220 step %while3A_226  : i32 {
              %dma_wait3A_229 = arith.constant 0 : i32
              %dma_wait3A_230 = tpu.memref_slice %arg15[%dma_wait3A_229] : memref<512xf32, #tpu.memory_space<vmem>> -> memref<64xf32, #tpu.memory_space<vmem>>
              %dma_wait3A_231 = arith.constant 0 : i32
              %dma_wait3A_232 = tpu.memref_slice %arg6[%dma_wait3A_231] : memref<1048592xf32, #tpu.memory_space<hbm>> -> memref<64xf32, #tpu.memory_space<hbm>>
              %dma_wait3A_233 = arith.constant 0 : i32
              %dma_wait3A_234 = tpu.memref_slice %arg6[%dma_wait3A_233] : memref<1048592xf32, #tpu.memory_space<hbm>> -> memref<64xf32, #tpu.memory_space<hbm>>
              %dma_wait3A_235 = arith.constant 0 : i32
              %dma_wait3A_236 = tpu.memref_slice %arg15[%dma_wait3A_235] : memref<512xf32, #tpu.memory_space<vmem>> -> memref<64xf32, #tpu.memory_space<vmem>>
              tpu.wait_dma2 semaphore(%arg19 : memref<!tpu.dma_semaphore, #tpu.memory_space<semaphore_mem>>) src(%dma_wait3A_236 : memref<64xf32, #tpu.memory_space<vmem>>) dst(%dma_wait3A_234 : memref<64xf32, #tpu.memory_space<hbm>>)
            }
            %cond3A_227 = arith.constant 0 : i32
            scf.yield %cond3A_227 : i32
          } else {
            scf.yield %add3A_198 : i32
          }
          scf.yield %cond3A_204 : i32
        }
        %while3A_148 = arith.constant 1 : i32
        %while3A_149 = scf.for %while3A_172 = %while3A_145 to %while3A_141 step %while3A_148 iter_args(%while3A_173 = %while3A_147) -> (i32)  : i32 {
          %mul3A_174 = arith.constant 16 : i32
          %mul3A_175 = arith.muli %while3A_172, %mul3A_174 : i32
          %get3A = arith.index_cast %mul3A_175 : i32 to index
          %get3A_176 = tpu.vector_load %arg9[%get3A] {strides = array<i32>} : memref<16400xi32, #tpu.memory_space<vmem>>, vector<16xi32>,
          %mul3A_177 = arith.constant 16 : i32
          %mul3A_178 = arith.muli %while3A_172, %mul3A_177 : i32
          %get3A_179 = arith.index_cast %mul3A_178 : i32 to index
          %get3A_180 = tpu.vector_load %arg10[%get3A_179] {strides = array<i32>} : memref<16400xi32, #tpu.memory_space<vmem>>, vector<16xi32>,
          %ge3A = vector.broadcast %multiple_of3A : i32 to vector<16xi32>
          %ge3A_181 = arith.cmpi sge, %get3A_176, %ge3A : vector<16xi32>
          %lt3A_182 = vector.broadcast %add3A_137 : i32 to vector<16xi32>
          %lt3A_183 = arith.cmpi slt, %get3A_176, %lt3A_182 : vector<16xi32>
          %and3A_184 = arith.andi %ge3A_181, %lt3A_183 : vector<16xi1>
          %mul3A_185 = arith.constant 16 : i32
          %mul3A_186 = arith.muli %while3A_172, %mul3A_185 : i32
          %add3A_187 = vector.broadcast %mul3A_186 : i32 to vector<16xi32>
          %add3A_188 = arith.addi %add3A_187, %iota3A : vector<16xi32>
          %lt3A_189 = arith.cmpi slt, %add3A_188, %broadcast_in_dim3A : vector<16xi32>
          %and3A_190 = arith.andi %and3A_184, %lt3A_189 : vector<16xi1>
          %swap3A = arith.index_cast %while3A_173 : i32 to index
          %swap3A_191 = tpu.vector_load %arg13[%swap3A] masked %and3A_190 {strides = array<i32>} : memref<528xi32, #tpu.memory_space<vmem>>, vector<16xi32>, vector<16xi1>
          tpu.vector_store %arg13[%swap3A], %get3A_176 masked %and3A_190 {strides = array<i32>} : memref<528xi32, #tpu.memory_space<vmem>>, vector<16xi32>, vector<16xi1>
          %swap3A_192 = arith.index_cast %while3A_173 : i32 to index
          %swap3A_193 = tpu.vector_load %arg14[%swap3A_192] masked %and3A_190 {strides = array<i32>} : memref<528xi32, #tpu.memory_space<vmem>>, vector<16xi32>, vector<16xi1>
          tpu.vector_store %arg14[%swap3A_192], %get3A_180 masked %and3A_190 {strides = array<i32>} : memref<528xi32, #tpu.memory_space<vmem>>, vector<16xi32>, vector<16xi1>
          %convert_element_type3A_194 = arith.extui %and3A_190 : vector<16xi1> to vector<16xi32>
          %reduce_sum3A = arith.constant true
          %reduce_sum3A_195 = vector.broadcast %reduce_sum3A : i1 to vector<16xi1>
          %reduce_sum3A_196 = tpu.scan <sum>, %convert_element_type3A_194 masked %reduce_sum3A_195 : vector<16xi32>, vector<16xi1> -> vector<16xi32>
          %reduce_sum3A_197 = vector.extract %reduce_sum3A_196[15] : i32 from vector<16xi32>
          %add3A_198 = arith.addi %while3A_173, %reduce_sum3A_197 : i32
          %ge3A_199 = arith.constant 512 : i32
          %ge3A_200 = arith.cmpi sge, %add3A_198, %ge3A_199 : i32
          %convert_element_type3A_201 = arith.extui %ge3A_200 : i1 to i32
          %cond3A_202 = arith.constant 0 : i32
          %cond3A_203 = arith.cmpi ne, %convert_element_type3A_201, %cond3A_202 : i32
          %cond3A_204 = scf.if %cond3A_203 -> (i32) {
            %while3A_205 = arith.constant 0 : i32
            %while3A_206 = arith.constant 0 : i32
            %while3A_207 = arith.subi %add3A_198, %while3A_206 : i32
            %while3A_208 = arith.addi %while3A_206, %while3A_207 : i32
            %while3A_209 = arith.constant 1 : i32
            %while3A_210 = arith.divsi %while3A_207, %while3A_209 : i32
            %while3A_211 = arith.muli %while3A_210, %while3A_209 : i32
            %while3A_212 = arith.addi %while3A_206, %while3A_211 : i32
            %while3A_213 = arith.constant 1 : i32
            scf.for %while3A_228 = %while3A_206 to %while3A_212 step %while3A_213  : i32 {
              %ge3A_229 = arith.constant 8 : i32
              %ge3A_230 = arith.cmpi sge, %while3A_228, %ge3A_229 : i32
              %convert_element_type3A_231 = arith.extui %ge3A_230 : i1 to i32
              %cond3A_232 = arith.constant 0 : i32
              %cond3A_233 = arith.cmpi ne, %convert_element_type3A_231, %cond3A_232 : i32
              scf.if %cond3A_233 {
                %dma_wait3A_312 = arith.constant 0 : i32
                %dma_wait3A_313 = tpu.memref_slice %arg15[%dma_wait3A_312] : memref<512xf32, #tpu.memory_space<vmem>> -> memref<64xf32, #tpu.memory_space<vmem>>
                %dma_wait3A_314 = arith.constant 0 : i32
                %dma_wait3A_315 = tpu.memref_slice %arg6[%dma_wait3A_314] : memref<1048592xf32, #tpu.memory_space<hbm>> -> memref<64xf32, #tpu.memory_space<hbm>>
                %dma_wait3A_316 = arith.constant 0 : i32
                %dma_wait3A_317 = tpu.memref_slice %arg6[%dma_wait3A_316] : memref<1048592xf32, #tpu.memory_space<hbm>> -> memref<64xf32, #tpu.memory_space<hbm>>
                %dma_wait3A_318 = arith.constant 0 : i32
                %dma_wait3A_319 = tpu.memref_slice %arg15[%dma_wait3A_318] : memref<512xf32, #tpu.memory_space<vmem>> -> memref<64xf32, #tpu.memory_space<vmem>>
                tpu.wait_dma2 semaphore(%arg19 : memref<!tpu.dma_semaphore, #tpu.memory_space<semaphore_mem>>) src(%dma_wait3A_319 : memref<64xf32, #tpu.memory_space<vmem>>) dst(%dma_wait3A_317 : memref<64xf32, #tpu.memory_space<hbm>>)
              } else {
              }
              %broadcast_in_dim3A_234 = vector.broadcast %while3A_228 : i32 to vector<16xi32>
              %gather3A = tpu.vector_load_idx %arg13[%broadcast_in_dim3A_234] : memref<528xi32, #tpu.memory_space<vmem>>[vector<16xi32>], vector<16xi32>,
              %sub3A_235 = vector.broadcast %multiple_of3A : i32 to vector<16xi32>
              %sub3A_236 = arith.subi %gather3A, %sub3A_235 : vector<16xi32>
              %gather3A_237 = tpu.vector_load_idx %arg14[%broadcast_in_dim3A_234] : memref<528xi32, #tpu.memory_space<vmem>>[vector<16xi32>], vector<16xi32>,
              %eq3A_238 = arith.constant 0 : i32
              %eq3A_239 = vector.broadcast %eq3A_238 : i32 to vector<16xi32>
              %eq3A_240 = arith.cmpi eq, %iota3A, %eq3A_239 : vector<16xi32>
              %jit3A_241 = arith.constant 0 : i32
              %broadcast_in_dim3A_242 = vector.broadcast %jit3A_241 : i32 to vector<16xi32>
              %select_n3A_243 = arith.select %eq3A_240, %gather3A_237, %broadcast_in_dim3A_242 : vector<16xi1>, vector<16xi32>
              %reduce_sum3A_244 = arith.constant true
              %reduce_sum3A_245 = vector.broadcast %reduce_sum3A_244 : i1 to vector<16xi1>
              %reduce_sum3A_246 = tpu.scan <sum>, %select_n3A_243 masked %reduce_sum3A_245 : vector<16xi32>, vector<16xi1> -> vector<16xi32>
              %reduce_sum3A_247 = vector.extract %reduce_sum3A_246[15] : i32 from vector<16xi32>
              %jit3A_248 = arith.constant 8 : i32
              %eq3A_249 = arith.constant 0 : i32
              %eq3A_250 = arith.cmpi eq, %jit3A_248, %eq3A_249 : i32
              %jit3A_251 = arith.constant 1 : i32
              %select_n3A_252 = arith.select %eq3A_250, %jit3A_251, %jit3A_248 : i32
              %rem3A_253 = arith.remsi %while3A_228, %select_n3A_252 : i32
              %ne3A_254 = arith.constant 0 : i32
              %ne3A_255 = arith.cmpi ne, %rem3A_253, %ne3A_254 : i32
              %lt3A_256 = arith.constant 0 : i32
              %lt3A_257 = arith.cmpi slt, %rem3A_253, %lt3A_256 : i32
              %lt3A_258 = arith.constant 0 : i32
              %lt3A_259 = arith.cmpi slt, %select_n3A_252, %lt3A_258 : i32
              %ne3A_260 = arith.xori %lt3A_257, %lt3A_259 : i1
              %and3A_261 = arith.andi %ne3A_260, %ne3A_255 : i1
              %add3A_262 = arith.addi %rem3A_253, %select_n3A_252 : i32
              %select_n3A_263 = arith.select %and3A_261, %add3A_262, %rem3A_253 : i32
              %mul3A_264 = arith.constant 64 : i32
              %mul3A_265 = arith.muli %select_n3A_263, %mul3A_264 : i32
              %add3A_266 = arith.constant 0 : i32
              %add3A_267 = vector.broadcast %add3A_266 : i32 to vector<16xi32>
              %add3A_268 = arith.addi %iota3A, %add3A_267 : vector<16xi32>
              %broadcast_in_dim3A_269 = arith.constant 0 : i32
              %broadcast_in_dim3A_270 = vector.broadcast %broadcast_in_dim3A_269 : i32 to vector<16xi32>
              %gather3A_271 = tpu.vector_load_idx %arg11[%broadcast_in_dim3A_270, %add3A_268, %sub3A_236] : memref<2x64x512xf32, #tpu.memory_space<vmem>>[vector<16xi32>, vector<16xi32>, vector<16xi32>], vector<16xf32>,
              %add3A_272 = arith.constant 0 : i32
              %add3A_273 = arith.addi %mul3A_265, %add3A_272 : i32
              %swap3A_274 = arith.index_cast %add3A_273 : i32 to index
              %swap3A_275 = tpu.vector_load %arg15[%swap3A_274] {strides = array<i32>} : memref<512xf32, #tpu.memory_space<vmem>>, vector<16xf32>,
              tpu.vector_store %arg15[%swap3A_274], %gather3A_271 {strides = array<i32>} : memref<512xf32, #tpu.memory_space<vmem>>, vector<16xf32>,
              %add3A_276 = arith.constant 16 : i32
              %add3A_277 = vector.broadcast %add3A_276 : i32 to vector<16xi32>
              %add3A_278 = arith.addi %iota3A, %add3A_277 : vector<16xi32>
              %broadcast_in_dim3A_279 = arith.constant 0 : i32
              %broadcast_in_dim3A_280 = vector.broadcast %broadcast_in_dim3A_279 : i32 to vector<16xi32>
              %gather3A_281 = tpu.vector_load_idx %arg11[%broadcast_in_dim3A_280, %add3A_278, %sub3A_236] : memref<2x64x512xf32, #tpu.memory_space<vmem>>[vector<16xi32>, vector<16xi32>, vector<16xi32>], vector<16xf32>,
              %add3A_282 = arith.constant 16 : i32
              %add3A_283 = arith.addi %mul3A_265, %add3A_282 : i32
              %swap3A_284 = arith.index_cast %add3A_283 : i32 to index
              %swap3A_285 = tpu.vector_load %arg15[%swap3A_284] {strides = array<i32>} : memref<512xf32, #tpu.memory_space<vmem>>, vector<16xf32>,
              tpu.vector_store %arg15[%swap3A_284], %gather3A_281 {strides = array<i32>} : memref<512xf32, #tpu.memory_space<vmem>>, vector<16xf32>,
              %add3A_286 = arith.constant 32 : i32
              %add3A_287 = vector.broadcast %add3A_286 : i32 to vector<16xi32>
              %add3A_288 = arith.addi %iota3A, %add3A_287 : vector<16xi32>
              %broadcast_in_dim3A_289 = arith.constant 0 : i32
              %broadcast_in_dim3A_290 = vector.broadcast %broadcast_in_dim3A_289 : i32 to vector<16xi32>
              %gather3A_291 = tpu.vector_load_idx %arg11[%broadcast_in_dim3A_290, %add3A_288, %sub3A_236] : memref<2x64x512xf32, #tpu.memory_space<vmem>>[vector<16xi32>, vector<16xi32>, vector<16xi32>], vector<16xf32>,
              %add3A_292 = arith.constant 32 : i32
              %add3A_293 = arith.addi %mul3A_265, %add3A_292 : i32
              %swap3A_294 = arith.index_cast %add3A_293 : i32 to index
              %swap3A_295 = tpu.vector_load %arg15[%swap3A_294] {strides = array<i32>} : memref<512xf32, #tpu.memory_space<vmem>>, vector<16xf32>,
              tpu.vector_store %arg15[%swap3A_294], %gather3A_291 {strides = array<i32>} : memref<512xf32, #tpu.memory_space<vmem>>, vector<16xf32>,
              %add3A_296 = arith.constant 48 : i32
              %add3A_297 = vector.broadcast %add3A_296 : i32 to vector<16xi32>
              %add3A_298 = arith.addi %iota3A, %add3A_297 : vector<16xi32>
              %broadcast_in_dim3A_299 = arith.constant 0 : i32
              %broadcast_in_dim3A_300 = vector.broadcast %broadcast_in_dim3A_299 : i32 to vector<16xi32>
              %gather3A_301 = tpu.vector_load_idx %arg11[%broadcast_in_dim3A_300, %add3A_298, %sub3A_236] : memref<2x64x512xf32, #tpu.memory_space<vmem>>[vector<16xi32>, vector<16xi32>, vector<16xi32>], vector<16xf32>,
              %add3A_302 = arith.constant 48 : i32
              %add3A_303 = arith.addi %mul3A_265, %add3A_302 : i32
              %swap3A_304 = arith.index_cast %add3A_303 : i32 to index
              %swap3A_305 = tpu.vector_load %arg15[%swap3A_304] {strides = array<i32>} : memref<512xf32, #tpu.memory_space<vmem>>, vector<16xf32>,
              tpu.vector_store %arg15[%swap3A_304], %gather3A_301 {strides = array<i32>} : memref<512xf32, #tpu.memory_space<vmem>>, vector<16xf32>,
              %mul3A_306 = arith.constant 64 : i32
              %mul3A_307 = arith.muli %reduce_sum3A_247, %mul3A_306 : i32
              %dma_start3A_308 = tpu.memref_slice %arg15[%mul3A_265] : memref<512xf32, #tpu.memory_space<vmem>> -> memref<64xf32, #tpu.memory_space<vmem>>
              %dma_start3A_309 = tpu.memref_slice %arg6[%mul3A_307] : memref<1048592xf32, #tpu.memory_space<hbm>> -> memref<64xf32, #tpu.memory_space<hbm>>
              %dma_start3A_310 = tpu.memref_slice %arg6[%mul3A_307] : memref<1048592xf32, #tpu.memory_space<hbm>> -> memref<64xf32, #tpu.memory_space<hbm>>
              %dma_start3A_311 = tpu.memref_slice %arg15[%mul3A_265] : memref<512xf32, #tpu.memory_space<vmem>> -> memref<64xf32, #tpu.memory_space<vmem>>
              tpu.enqueue_dma source(%dma_start3A_311 : memref<64xf32, #tpu.memory_space<vmem>>) target(%dma_start3A_310 : memref<64xf32, #tpu.memory_space<hbm>>) target_semaphore(%arg19 : memref<!tpu.dma_semaphore, #tpu.memory_space<semaphore_mem>>)
            }
            %while3A_214 = arith.constant 1 : i32
            scf.for %while3A_228 = %while3A_212 to %while3A_208 step %while3A_214  : i32 {
              %ge3A_229 = arith.constant 8 : i32
              %ge3A_230 = arith.cmpi sge, %while3A_228, %ge3A_229 : i32
              %convert_element_type3A_231 = arith.extui %ge3A_230 : i1 to i32
              %cond3A_232 = arith.constant 0 : i32
              %cond3A_233 = arith.cmpi ne, %convert_element_type3A_231, %cond3A_232 : i32
              scf.if %cond3A_233 {
                %dma_wait3A_312 = arith.constant 0 : i32
                %dma_wait3A_313 = tpu.memref_slice %arg15[%dma_wait3A_312] : memref<512xf32, #tpu.memory_space<vmem>> -> memref<64xf32, #tpu.memory_space<vmem>>
                %dma_wait3A_314 = arith.constant 0 : i32
                %dma_wait3A_315 = tpu.memref_slice %arg6[%dma_wait3A_314] : memref<1048592xf32, #tpu.memory_space<hbm>> -> memref<64xf32, #tpu.memory_space<hbm>>
                %dma_wait3A_316 = arith.constant 0 : i32
                %dma_wait3A_317 = tpu.memref_slice %arg6[%dma_wait3A_316] : memref<1048592xf32, #tpu.memory_space<hbm>> -> memref<64xf32, #tpu.memory_space<hbm>>
                %dma_wait3A_318 = arith.constant 0 : i32
                %dma_wait3A_319 = tpu.memref_slice %arg15[%dma_wait3A_318] : memref<512xf32, #tpu.memory_space<vmem>> -> memref<64xf32, #tpu.memory_space<vmem>>
                tpu.wait_dma2 semaphore(%arg19 : memref<!tpu.dma_semaphore, #tpu.memory_space<semaphore_mem>>) src(%dma_wait3A_319 : memref<64xf32, #tpu.memory_space<vmem>>) dst(%dma_wait3A_317 : memref<64xf32, #tpu.memory_space<hbm>>)
              } else {
              }
              %broadcast_in_dim3A_234 = vector.broadcast %while3A_228 : i32 to vector<16xi32>
              %gather3A = tpu.vector_load_idx %arg13[%broadcast_in_dim3A_234] : memref<528xi32, #tpu.memory_space<vmem>>[vector<16xi32>], vector<16xi32>,
              %sub3A_235 = vector.broadcast %multiple_of3A : i32 to vector<16xi32>
              %sub3A_236 = arith.subi %gather3A, %sub3A_235 : vector<16xi32>
              %gather3A_237 = tpu.vector_load_idx %arg14[%broadcast_in_dim3A_234] : memref<528xi32, #tpu.memory_space<vmem>>[vector<16xi32>], vector<16xi32>,
              %eq3A_238 = arith.constant 0 : i32
              %eq3A_239 = vector.broadcast %eq3A_238 : i32 to vector<16xi32>
              %eq3A_240 = arith.cmpi eq, %iota3A, %eq3A_239 : vector<16xi32>
              %jit3A_241 = arith.constant 0 : i32
              %broadcast_in_dim3A_242 = vector.broadcast %jit3A_241 : i32 to vector<16xi32>
              %select_n3A_243 = arith.select %eq3A_240, %gather3A_237, %broadcast_in_dim3A_242 : vector<16xi1>, vector<16xi32>
              %reduce_sum3A_244 = arith.constant true
              %reduce_sum3A_245 = vector.broadcast %reduce_sum3A_244 : i1 to vector<16xi1>
              %reduce_sum3A_246 = tpu.scan <sum>, %select_n3A_243 masked %reduce_sum3A_245 : vector<16xi32>, vector<16xi1> -> vector<16xi32>
              %reduce_sum3A_247 = vector.extract %reduce_sum3A_246[15] : i32 from vector<16xi32>
              %jit3A_248 = arith.constant 8 : i32
              %eq3A_249 = arith.constant 0 : i32
              %eq3A_250 = arith.cmpi eq, %jit3A_248, %eq3A_249 : i32
              %jit3A_251 = arith.constant 1 : i32
              %select_n3A_252 = arith.select %eq3A_250, %jit3A_251, %jit3A_248 : i32
              %rem3A_253 = arith.remsi %while3A_228, %select_n3A_252 : i32
              %ne3A_254 = arith.constant 0 : i32
              %ne3A_255 = arith.cmpi ne, %rem3A_253, %ne3A_254 : i32
              %lt3A_256 = arith.constant 0 : i32
              %lt3A_257 = arith.cmpi slt, %rem3A_253, %lt3A_256 : i32
              %lt3A_258 = arith.constant 0 : i32
              %lt3A_259 = arith.cmpi slt, %select_n3A_252, %lt3A_258 : i32
              %ne3A_260 = arith.xori %lt3A_257, %lt3A_259 : i1
              %and3A_261 = arith.andi %ne3A_260, %ne3A_255 : i1
              %add3A_262 = arith.addi %rem3A_253, %select_n3A_252 : i32
              %select_n3A_263 = arith.select %and3A_261, %add3A_262, %rem3A_253 : i32
              %mul3A_264 = arith.constant 64 : i32
              %mul3A_265 = arith.muli %select_n3A_263, %mul3A_264 : i32
              %add3A_266 = arith.constant 0 : i32
              %add3A_267 = vector.broadcast %add3A_266 : i32 to vector<16xi32>
              %add3A_268 = arith.addi %iota3A, %add3A_267 : vector<16xi32>
              %broadcast_in_dim3A_269 = arith.constant 0 : i32
              %broadcast_in_dim3A_270 = vector.broadcast %broadcast_in_dim3A_269 : i32 to vector<16xi32>
              %gather3A_271 = tpu.vector_load_idx %arg11[%broadcast_in_dim3A_270, %add3A_268, %sub3A_236] : memref<2x64x512xf32, #tpu.memory_space<vmem>>[vector<16xi32>, vector<16xi32>, vector<16xi32>], vector<16xf32>,
              %add3A_272 = arith.constant 0 : i32
              %add3A_273 = arith.addi %mul3A_265, %add3A_272 : i32
              %swap3A_274 = arith.index_cast %add3A_273 : i32 to index
              %swap3A_275 = tpu.vector_load %arg15[%swap3A_274] {strides = array<i32>} : memref<512xf32, #tpu.memory_space<vmem>>, vector<16xf32>,
              tpu.vector_store %arg15[%swap3A_274], %gather3A_271 {strides = array<i32>} : memref<512xf32, #tpu.memory_space<vmem>>, vector<16xf32>,
              %add3A_276 = arith.constant 16 : i32
              %add3A_277 = vector.broadcast %add3A_276 : i32 to vector<16xi32>
              %add3A_278 = arith.addi %iota3A, %add3A_277 : vector<16xi32>
              %broadcast_in_dim3A_279 = arith.constant 0 : i32
              %broadcast_in_dim3A_280 = vector.broadcast %broadcast_in_dim3A_279 : i32 to vector<16xi32>
              %gather3A_281 = tpu.vector_load_idx %arg11[%broadcast_in_dim3A_280, %add3A_278, %sub3A_236] : memref<2x64x512xf32, #tpu.memory_space<vmem>>[vector<16xi32>, vector<16xi32>, vector<16xi32>], vector<16xf32>,
              %add3A_282 = arith.constant 16 : i32
              %add3A_283 = arith.addi %mul3A_265, %add3A_282 : i32
              %swap3A_284 = arith.index_cast %add3A_283 : i32 to index
              %swap3A_285 = tpu.vector_load %arg15[%swap3A_284] {strides = array<i32>} : memref<512xf32, #tpu.memory_space<vmem>>, vector<16xf32>,
              tpu.vector_store %arg15[%swap3A_284], %gather3A_281 {strides = array<i32>} : memref<512xf32, #tpu.memory_space<vmem>>, vector<16xf32>,
              %add3A_286 = arith.constant 32 : i32
              %add3A_287 = vector.broadcast %add3A_286 : i32 to vector<16xi32>
              %add3A_288 = arith.addi %iota3A, %add3A_287 : vector<16xi32>
              %broadcast_in_dim3A_289 = arith.constant 0 : i32
              %broadcast_in_dim3A_290 = vector.broadcast %broadcast_in_dim3A_289 : i32 to vector<16xi32>
              %gather3A_291 = tpu.vector_load_idx %arg11[%broadcast_in_dim3A_290, %add3A_288, %sub3A_236] : memref<2x64x512xf32, #tpu.memory_space<vmem>>[vector<16xi32>, vector<16xi32>, vector<16xi32>], vector<16xf32>,
              %add3A_292 = arith.constant 32 : i32
              %add3A_293 = arith.addi %mul3A_265, %add3A_292 : i32
              %swap3A_294 = arith.index_cast %add3A_293 : i32 to index
              %swap3A_295 = tpu.vector_load %arg15[%swap3A_294] {strides = array<i32>} : memref<512xf32, #tpu.memory_space<vmem>>, vector<16xf32>,
              tpu.vector_store %arg15[%swap3A_294], %gather3A_291 {strides = array<i32>} : memref<512xf32, #tpu.memory_space<vmem>>, vector<16xf32>,
              %add3A_296 = arith.constant 48 : i32
              %add3A_297 = vector.broadcast %add3A_296 : i32 to vector<16xi32>
              %add3A_298 = arith.addi %iota3A, %add3A_297 : vector<16xi32>
              %broadcast_in_dim3A_299 = arith.constant 0 : i32
              %broadcast_in_dim3A_300 = vector.broadcast %broadcast_in_dim3A_299 : i32 to vector<16xi32>
              %gather3A_301 = tpu.vector_load_idx %arg11[%broadcast_in_dim3A_300, %add3A_298, %sub3A_236] : memref<2x64x512xf32, #tpu.memory_space<vmem>>[vector<16xi32>, vector<16xi32>, vector<16xi32>], vector<16xf32>,
              %add3A_302 = arith.constant 48 : i32
              %add3A_303 = arith.addi %mul3A_265, %add3A_302 : i32
              %swap3A_304 = arith.index_cast %add3A_303 : i32 to index
              %swap3A_305 = tpu.vector_load %arg15[%swap3A_304] {strides = array<i32>} : memref<512xf32, #tpu.memory_space<vmem>>, vector<16xf32>,
              tpu.vector_store %arg15[%swap3A_304], %gather3A_301 {strides = array<i32>} : memref<512xf32, #tpu.memory_space<vmem>>, vector<16xf32>,
              %mul3A_306 = arith.constant 64 : i32
              %mul3A_307 = arith.muli %reduce_sum3A_247, %mul3A_306 : i32
              %dma_start3A_308 = tpu.memref_slice %arg15[%mul3A_265] : memref<512xf32, #tpu.memory_space<vmem>> -> memref<64xf32, #tpu.memory_space<vmem>>
              %dma_start3A_309 = tpu.memref_slice %arg6[%mul3A_307] : memref<1048592xf32, #tpu.memory_space<hbm>> -> memref<64xf32, #tpu.memory_space<hbm>>
              %dma_start3A_310 = tpu.memref_slice %arg6[%mul3A_307] : memref<1048592xf32, #tpu.memory_space<hbm>> -> memref<64xf32, #tpu.memory_space<hbm>>
              %dma_start3A_311 = tpu.memref_slice %arg15[%mul3A_265] : memref<512xf32, #tpu.memory_space<vmem>> -> memref<64xf32, #tpu.memory_space<vmem>>
              tpu.enqueue_dma source(%dma_start3A_311 : memref<64xf32, #tpu.memory_space<vmem>>) target(%dma_start3A_310 : memref<64xf32, #tpu.memory_space<hbm>>) target_semaphore(%arg19 : memref<!tpu.dma_semaphore, #tpu.memory_space<semaphore_mem>>)
            }
            %min3A_215 = arith.constant 8 : i32
            %min3A_216 = arith.minsi %add3A_198, %min3A_215 : i32
            %while3A_217 = arith.constant 0 : i32
            %while3A_218 = arith.constant 0 : i32
            %while3A_219 = arith.subi %min3A_216, %while3A_218 : i32
            %while3A_220 = arith.addi %while3A_218, %while3A_219 : i32
            %while3A_221 = arith.constant 1 : i32
            %while3A_222 = arith.divsi %while3A_219, %while3A_221 : i32
            %while3A_223 = arith.muli %while3A_222, %while3A_221 : i32
            %while3A_224 = arith.addi %while3A_218, %while3A_223 : i32
            %while3A_225 = arith.constant 1 : i32
            scf.for %while3A_228 = %while3A_218 to %while3A_224 step %while3A_225  : i32 {
              %dma_wait3A_229 = arith.constant 0 : i32
              %dma_wait3A_230 = tpu.memref_slice %arg15[%dma_wait3A_229] : memref<512xf32, #tpu.memory_space<vmem>> -> memref<64xf32, #tpu.memory_space<vmem>>
              %dma_wait3A_231 = arith.constant 0 : i32
              %dma_wait3A_232 = tpu.memref_slice %arg6[%dma_wait3A_231] : memref<1048592xf32, #tpu.memory_space<hbm>> -> memref<64xf32, #tpu.memory_space<hbm>>
              %dma_wait3A_233 = arith.constant 0 : i32
              %dma_wait3A_234 = tpu.memref_slice %arg6[%dma_wait3A_233] : memref<1048592xf32, #tpu.memory_space<hbm>> -> memref<64xf32, #tpu.memory_space<hbm>>
              %dma_wait3A_235 = arith.constant 0 : i32
              %dma_wait3A_236 = tpu.memref_slice %arg15[%dma_wait3A_235] : memref<512xf32, #tpu.memory_space<vmem>> -> memref<64xf32, #tpu.memory_space<vmem>>
              tpu.wait_dma2 semaphore(%arg19 : memref<!tpu.dma_semaphore, #tpu.memory_space<semaphore_mem>>) src(%dma_wait3A_236 : memref<64xf32, #tpu.memory_space<vmem>>) dst(%dma_wait3A_234 : memref<64xf32, #tpu.memory_space<hbm>>)
            }
            %while3A_226 = arith.constant 1 : i32
            scf.for %while3A_228 = %while3A_224 to %while3A_220 step %while3A_226  : i32 {
              %dma_wait3A_229 = arith.constant 0 : i32
              %dma_wait3A_230 = tpu.memref_slice %arg15[%dma_wait3A_229] : memref<512xf32, #tpu.memory_space<vmem>> -> memref<64xf32, #tpu.memory_space<vmem>>
              %dma_wait3A_231 = arith.constant 0 : i32
              %dma_wait3A_232 = tpu.memref_slice %arg6[%dma_wait3A_231] : memref<1048592xf32, #tpu.memory_space<hbm>> -> memref<64xf32, #tpu.memory_space<hbm>>
              %dma_wait3A_233 = arith.constant 0 : i32
              %dma_wait3A_234 = tpu.memref_slice %arg6[%dma_wait3A_233] : memref<1048592xf32, #tpu.memory_space<hbm>> -> memref<64xf32, #tpu.memory_space<hbm>>
              %dma_wait3A_235 = arith.constant 0 : i32
              %dma_wait3A_236 = tpu.memref_slice %arg15[%dma_wait3A_235] : memref<512xf32, #tpu.memory_space<vmem>> -> memref<64xf32, #tpu.memory_space<vmem>>
              tpu.wait_dma2 semaphore(%arg19 : memref<!tpu.dma_semaphore, #tpu.memory_space<semaphore_mem>>) src(%dma_wait3A_236 : memref<64xf32, #tpu.memory_space<vmem>>) dst(%dma_wait3A_234 : memref<64xf32, #tpu.memory_space<hbm>>)
            }
            %cond3A_227 = arith.constant 0 : i32
            scf.yield %cond3A_227 : i32
          } else {
            scf.yield %add3A_198 : i32
          }
          scf.yield %cond3A_204 : i32
        }
        %while3A_150 = arith.constant 0 : i32
        %while3A_151 = arith.constant 0 : i32
        %while3A_152 = arith.subi %while3A_149, %while3A_151 : i32
        %while3A_153 = arith.addi %while3A_151, %while3A_152 : i32
        %while3A_154 = arith.constant 1 : i32
        %while3A_155 = arith.divsi %while3A_152, %while3A_154 : i32
        %while3A_156 = arith.muli %while3A_155, %while3A_154 : i32
        %while3A_157 = arith.addi %while3A_151, %while3A_156 : i32
        %while3A_158 = arith.constant 1 : i32
        scf.for %while3A_172 = %while3A_151 to %while3A_157 step %while3A_158  : i32 {
          %ge3A = arith.constant 8 : i32
          %ge3A_173 = arith.cmpi sge, %while3A_172, %ge3A : i32
          %convert_element_type3A_174 = arith.extui %ge3A_173 : i1 to i32
          %cond3A_175 = arith.constant 0 : i32
          %cond3A_176 = arith.cmpi ne, %convert_element_type3A_174, %cond3A_175 : i32
          scf.if %cond3A_176 {
            %dma_wait3A_253 = arith.constant 0 : i32
            %dma_wait3A_254 = tpu.memref_slice %arg15[%dma_wait3A_253] : memref<512xf32, #tpu.memory_space<vmem>> -> memref<64xf32, #tpu.memory_space<vmem>>
            %dma_wait3A_255 = arith.constant 0 : i32
            %dma_wait3A_256 = tpu.memref_slice %arg6[%dma_wait3A_255] : memref<1048592xf32, #tpu.memory_space<hbm>> -> memref<64xf32, #tpu.memory_space<hbm>>
            %dma_wait3A_257 = arith.constant 0 : i32
            %dma_wait3A_258 = tpu.memref_slice %arg6[%dma_wait3A_257] : memref<1048592xf32, #tpu.memory_space<hbm>> -> memref<64xf32, #tpu.memory_space<hbm>>
            %dma_wait3A_259 = arith.constant 0 : i32
            %dma_wait3A_260 = tpu.memref_slice %arg15[%dma_wait3A_259] : memref<512xf32, #tpu.memory_space<vmem>> -> memref<64xf32, #tpu.memory_space<vmem>>
            tpu.wait_dma2 semaphore(%arg19 : memref<!tpu.dma_semaphore, #tpu.memory_space<semaphore_mem>>) src(%dma_wait3A_260 : memref<64xf32, #tpu.memory_space<vmem>>) dst(%dma_wait3A_258 : memref<64xf32, #tpu.memory_space<hbm>>)
          } else {
          }
          %broadcast_in_dim3A_177 = vector.broadcast %while3A_172 : i32 to vector<16xi32>
          %gather3A = tpu.vector_load_idx %arg13[%broadcast_in_dim3A_177] : memref<528xi32, #tpu.memory_space<vmem>>[vector<16xi32>], vector<16xi32>,
          %sub3A_178 = vector.broadcast %multiple_of3A : i32 to vector<16xi32>
          %sub3A_179 = arith.subi %gather3A, %sub3A_178 : vector<16xi32>
          %gather3A_180 = tpu.vector_load_idx %arg14[%broadcast_in_dim3A_177] : memref<528xi32, #tpu.memory_space<vmem>>[vector<16xi32>], vector<16xi32>,
          %eq3A_181 = arith.constant 0 : i32
          %eq3A_182 = vector.broadcast %eq3A_181 : i32 to vector<16xi32>
          %eq3A_183 = arith.cmpi eq, %iota3A, %eq3A_182 : vector<16xi32>
          %jit3A_184 = arith.constant 0 : i32
          %broadcast_in_dim3A_185 = vector.broadcast %jit3A_184 : i32 to vector<16xi32>
          %select_n3A_186 = arith.select %eq3A_183, %gather3A_180, %broadcast_in_dim3A_185 : vector<16xi1>, vector<16xi32>
          %reduce_sum3A = arith.constant true
          %reduce_sum3A_187 = vector.broadcast %reduce_sum3A : i1 to vector<16xi1>
          %reduce_sum3A_188 = tpu.scan <sum>, %select_n3A_186 masked %reduce_sum3A_187 : vector<16xi32>, vector<16xi1> -> vector<16xi32>
          %reduce_sum3A_189 = vector.extract %reduce_sum3A_188[15] : i32 from vector<16xi32>
          %jit3A_190 = arith.constant 8 : i32
          %eq3A_191 = arith.constant 0 : i32
          %eq3A_192 = arith.cmpi eq, %jit3A_190, %eq3A_191 : i32
          %jit3A_193 = arith.constant 1 : i32
          %select_n3A_194 = arith.select %eq3A_192, %jit3A_193, %jit3A_190 : i32
          %rem3A_195 = arith.remsi %while3A_172, %select_n3A_194 : i32
          %ne3A_196 = arith.constant 0 : i32
          %ne3A_197 = arith.cmpi ne, %rem3A_195, %ne3A_196 : i32
          %lt3A_198 = arith.constant 0 : i32
          %lt3A_199 = arith.cmpi slt, %rem3A_195, %lt3A_198 : i32
          %lt3A_200 = arith.constant 0 : i32
          %lt3A_201 = arith.cmpi slt, %select_n3A_194, %lt3A_200 : i32
          %ne3A_202 = arith.xori %lt3A_199, %lt3A_201 : i1
          %and3A_203 = arith.andi %ne3A_202, %ne3A_197 : i1
          %add3A_204 = arith.addi %rem3A_195, %select_n3A_194 : i32
          %select_n3A_205 = arith.select %and3A_203, %add3A_204, %rem3A_195 : i32
          %mul3A_206 = arith.constant 64 : i32
          %mul3A_207 = arith.muli %select_n3A_205, %mul3A_206 : i32
          %add3A_208 = arith.constant 0 : i32
          %add3A_209 = vector.broadcast %add3A_208 : i32 to vector<16xi32>
          %add3A_210 = arith.addi %iota3A, %add3A_209 : vector<16xi32>
          %broadcast_in_dim3A_211 = arith.constant 0 : i32
          %broadcast_in_dim3A_212 = vector.broadcast %broadcast_in_dim3A_211 : i32 to vector<16xi32>
          %gather3A_213 = tpu.vector_load_idx %arg11[%broadcast_in_dim3A_212, %add3A_210, %sub3A_179] : memref<2x64x512xf32, #tpu.memory_space<vmem>>[vector<16xi32>, vector<16xi32>, vector<16xi32>], vector<16xf32>,
          %add3A_214 = arith.constant 0 : i32
          %add3A_215 = arith.addi %mul3A_207, %add3A_214 : i32
          %swap3A = arith.index_cast %add3A_215 : i32 to index
          %swap3A_216 = tpu.vector_load %arg15[%swap3A] {strides = array<i32>} : memref<512xf32, #tpu.memory_space<vmem>>, vector<16xf32>,
          tpu.vector_store %arg15[%swap3A], %gather3A_213 {strides = array<i32>} : memref<512xf32, #tpu.memory_space<vmem>>, vector<16xf32>,
          %add3A_217 = arith.constant 16 : i32
          %add3A_218 = vector.broadcast %add3A_217 : i32 to vector<16xi32>
          %add3A_219 = arith.addi %iota3A, %add3A_218 : vector<16xi32>
          %broadcast_in_dim3A_220 = arith.constant 0 : i32
          %broadcast_in_dim3A_221 = vector.broadcast %broadcast_in_dim3A_220 : i32 to vector<16xi32>
          %gather3A_222 = tpu.vector_load_idx %arg11[%broadcast_in_dim3A_221, %add3A_219, %sub3A_179] : memref<2x64x512xf32, #tpu.memory_space<vmem>>[vector<16xi32>, vector<16xi32>, vector<16xi32>], vector<16xf32>,
          %add3A_223 = arith.constant 16 : i32
          %add3A_224 = arith.addi %mul3A_207, %add3A_223 : i32
          %swap3A_225 = arith.index_cast %add3A_224 : i32 to index
          %swap3A_226 = tpu.vector_load %arg15[%swap3A_225] {strides = array<i32>} : memref<512xf32, #tpu.memory_space<vmem>>, vector<16xf32>,
          tpu.vector_store %arg15[%swap3A_225], %gather3A_222 {strides = array<i32>} : memref<512xf32, #tpu.memory_space<vmem>>, vector<16xf32>,
          %add3A_227 = arith.constant 32 : i32
          %add3A_228 = vector.broadcast %add3A_227 : i32 to vector<16xi32>
          %add3A_229 = arith.addi %iota3A, %add3A_228 : vector<16xi32>
          %broadcast_in_dim3A_230 = arith.constant 0 : i32
          %broadcast_in_dim3A_231 = vector.broadcast %broadcast_in_dim3A_230 : i32 to vector<16xi32>
          %gather3A_232 = tpu.vector_load_idx %arg11[%broadcast_in_dim3A_231, %add3A_229, %sub3A_179] : memref<2x64x512xf32, #tpu.memory_space<vmem>>[vector<16xi32>, vector<16xi32>, vector<16xi32>], vector<16xf32>,
          %add3A_233 = arith.constant 32 : i32
          %add3A_234 = arith.addi %mul3A_207, %add3A_233 : i32
          %swap3A_235 = arith.index_cast %add3A_234 : i32 to index
          %swap3A_236 = tpu.vector_load %arg15[%swap3A_235] {strides = array<i32>} : memref<512xf32, #tpu.memory_space<vmem>>, vector<16xf32>,
          tpu.vector_store %arg15[%swap3A_235], %gather3A_232 {strides = array<i32>} : memref<512xf32, #tpu.memory_space<vmem>>, vector<16xf32>,
          %add3A_237 = arith.constant 48 : i32
          %add3A_238 = vector.broadcast %add3A_237 : i32 to vector<16xi32>
          %add3A_239 = arith.addi %iota3A, %add3A_238 : vector<16xi32>
          %broadcast_in_dim3A_240 = arith.constant 0 : i32
          %broadcast_in_dim3A_241 = vector.broadcast %broadcast_in_dim3A_240 : i32 to vector<16xi32>
          %gather3A_242 = tpu.vector_load_idx %arg11[%broadcast_in_dim3A_241, %add3A_239, %sub3A_179] : memref<2x64x512xf32, #tpu.memory_space<vmem>>[vector<16xi32>, vector<16xi32>, vector<16xi32>], vector<16xf32>,
          %add3A_243 = arith.constant 48 : i32
          %add3A_244 = arith.addi %mul3A_207, %add3A_243 : i32
          %swap3A_245 = arith.index_cast %add3A_244 : i32 to index
          %swap3A_246 = tpu.vector_load %arg15[%swap3A_245] {strides = array<i32>} : memref<512xf32, #tpu.memory_space<vmem>>, vector<16xf32>,
          tpu.vector_store %arg15[%swap3A_245], %gather3A_242 {strides = array<i32>} : memref<512xf32, #tpu.memory_space<vmem>>, vector<16xf32>,
          %mul3A_247 = arith.constant 64 : i32
          %mul3A_248 = arith.muli %reduce_sum3A_189, %mul3A_247 : i32
          %dma_start3A_249 = tpu.memref_slice %arg15[%mul3A_207] : memref<512xf32, #tpu.memory_space<vmem>> -> memref<64xf32, #tpu.memory_space<vmem>>
          %dma_start3A_250 = tpu.memref_slice %arg6[%mul3A_248] : memref<1048592xf32, #tpu.memory_space<hbm>> -> memref<64xf32, #tpu.memory_space<hbm>>
          %dma_start3A_251 = tpu.memref_slice %arg6[%mul3A_248] : memref<1048592xf32, #tpu.memory_space<hbm>> -> memref<64xf32, #tpu.memory_space<hbm>>
          %dma_start3A_252 = tpu.memref_slice %arg15[%mul3A_207] : memref<512xf32, #tpu.memory_space<vmem>> -> memref<64xf32, #tpu.memory_space<vmem>>
          tpu.enqueue_dma source(%dma_start3A_252 : memref<64xf32, #tpu.memory_space<vmem>>) target(%dma_start3A_251 : memref<64xf32, #tpu.memory_space<hbm>>) target_semaphore(%arg19 : memref<!tpu.dma_semaphore, #tpu.memory_space<semaphore_mem>>)
        }
        %while3A_159 = arith.constant 1 : i32
        scf.for %while3A_172 = %while3A_157 to %while3A_153 step %while3A_159  : i32 {
          %ge3A = arith.constant 8 : i32
          %ge3A_173 = arith.cmpi sge, %while3A_172, %ge3A : i32
          %convert_element_type3A_174 = arith.extui %ge3A_173 : i1 to i32
          %cond3A_175 = arith.constant 0 : i32
          %cond3A_176 = arith.cmpi ne, %convert_element_type3A_174, %cond3A_175 : i32
          scf.if %cond3A_176 {
            %dma_wait3A_253 = arith.constant 0 : i32
            %dma_wait3A_254 = tpu.memref_slice %arg15[%dma_wait3A_253] : memref<512xf32, #tpu.memory_space<vmem>> -> memref<64xf32, #tpu.memory_space<vmem>>
            %dma_wait3A_255 = arith.constant 0 : i32
            %dma_wait3A_256 = tpu.memref_slice %arg6[%dma_wait3A_255] : memref<1048592xf32, #tpu.memory_space<hbm>> -> memref<64xf32, #tpu.memory_space<hbm>>
            %dma_wait3A_257 = arith.constant 0 : i32
            %dma_wait3A_258 = tpu.memref_slice %arg6[%dma_wait3A_257] : memref<1048592xf32, #tpu.memory_space<hbm>> -> memref<64xf32, #tpu.memory_space<hbm>>
            %dma_wait3A_259 = arith.constant 0 : i32
            %dma_wait3A_260 = tpu.memref_slice %arg15[%dma_wait3A_259] : memref<512xf32, #tpu.memory_space<vmem>> -> memref<64xf32, #tpu.memory_space<vmem>>
            tpu.wait_dma2 semaphore(%arg19 : memref<!tpu.dma_semaphore, #tpu.memory_space<semaphore_mem>>) src(%dma_wait3A_260 : memref<64xf32, #tpu.memory_space<vmem>>) dst(%dma_wait3A_258 : memref<64xf32, #tpu.memory_space<hbm>>)
          } else {
          }
          %broadcast_in_dim3A_177 = vector.broadcast %while3A_172 : i32 to vector<16xi32>
          %gather3A = tpu.vector_load_idx %arg13[%broadcast_in_dim3A_177] : memref<528xi32, #tpu.memory_space<vmem>>[vector<16xi32>], vector<16xi32>,
          %sub3A_178 = vector.broadcast %multiple_of3A : i32 to vector<16xi32>
          %sub3A_179 = arith.subi %gather3A, %sub3A_178 : vector<16xi32>
          %gather3A_180 = tpu.vector_load_idx %arg14[%broadcast_in_dim3A_177] : memref<528xi32, #tpu.memory_space<vmem>>[vector<16xi32>], vector<16xi32>,
          %eq3A_181 = arith.constant 0 : i32
          %eq3A_182 = vector.broadcast %eq3A_181 : i32 to vector<16xi32>
          %eq3A_183 = arith.cmpi eq, %iota3A, %eq3A_182 : vector<16xi32>
          %jit3A_184 = arith.constant 0 : i32
          %broadcast_in_dim3A_185 = vector.broadcast %jit3A_184 : i32 to vector<16xi32>
          %select_n3A_186 = arith.select %eq3A_183, %gather3A_180, %broadcast_in_dim3A_185 : vector<16xi1>, vector<16xi32>
          %reduce_sum3A = arith.constant true
          %reduce_sum3A_187 = vector.broadcast %reduce_sum3A : i1 to vector<16xi1>
          %reduce_sum3A_188 = tpu.scan <sum>, %select_n3A_186 masked %reduce_sum3A_187 : vector<16xi32>, vector<16xi1> -> vector<16xi32>
          %reduce_sum3A_189 = vector.extract %reduce_sum3A_188[15] : i32 from vector<16xi32>
          %jit3A_190 = arith.constant 8 : i32
          %eq3A_191 = arith.constant 0 : i32
          %eq3A_192 = arith.cmpi eq, %jit3A_190, %eq3A_191 : i32
          %jit3A_193 = arith.constant 1 : i32
          %select_n3A_194 = arith.select %eq3A_192, %jit3A_193, %jit3A_190 : i32
          %rem3A_195 = arith.remsi %while3A_172, %select_n3A_194 : i32
          %ne3A_196 = arith.constant 0 : i32
          %ne3A_197 = arith.cmpi ne, %rem3A_195, %ne3A_196 : i32
          %lt3A_198 = arith.constant 0 : i32
          %lt3A_199 = arith.cmpi slt, %rem3A_195, %lt3A_198 : i32
          %lt3A_200 = arith.constant 0 : i32
          %lt3A_201 = arith.cmpi slt, %select_n3A_194, %lt3A_200 : i32
          %ne3A_202 = arith.xori %lt3A_199, %lt3A_201 : i1
          %and3A_203 = arith.andi %ne3A_202, %ne3A_197 : i1
          %add3A_204 = arith.addi %rem3A_195, %select_n3A_194 : i32
          %select_n3A_205 = arith.select %and3A_203, %add3A_204, %rem3A_195 : i32
          %mul3A_206 = arith.constant 64 : i32
          %mul3A_207 = arith.muli %select_n3A_205, %mul3A_206 : i32
          %add3A_208 = arith.constant 0 : i32
          %add3A_209 = vector.broadcast %add3A_208 : i32 to vector<16xi32>
          %add3A_210 = arith.addi %iota3A, %add3A_209 : vector<16xi32>
          %broadcast_in_dim3A_211 = arith.constant 0 : i32
          %broadcast_in_dim3A_212 = vector.broadcast %broadcast_in_dim3A_211 : i32 to vector<16xi32>
          %gather3A_213 = tpu.vector_load_idx %arg11[%broadcast_in_dim3A_212, %add3A_210, %sub3A_179] : memref<2x64x512xf32, #tpu.memory_space<vmem>>[vector<16xi32>, vector<16xi32>, vector<16xi32>], vector<16xf32>,
          %add3A_214 = arith.constant 0 : i32
          %add3A_215 = arith.addi %mul3A_207, %add3A_214 : i32
          %swap3A = arith.index_cast %add3A_215 : i32 to index
          %swap3A_216 = tpu.vector_load %arg15[%swap3A] {strides = array<i32>} : memref<512xf32, #tpu.memory_space<vmem>>, vector<16xf32>,
          tpu.vector_store %arg15[%swap3A], %gather3A_213 {strides = array<i32>} : memref<512xf32, #tpu.memory_space<vmem>>, vector<16xf32>,
          %add3A_217 = arith.constant 16 : i32
          %add3A_218 = vector.broadcast %add3A_217 : i32 to vector<16xi32>
          %add3A_219 = arith.addi %iota3A, %add3A_218 : vector<16xi32>
          %broadcast_in_dim3A_220 = arith.constant 0 : i32
          %broadcast_in_dim3A_221 = vector.broadcast %broadcast_in_dim3A_220 : i32 to vector<16xi32>
          %gather3A_222 = tpu.vector_load_idx %arg11[%broadcast_in_dim3A_221, %add3A_219, %sub3A_179] : memref<2x64x512xf32, #tpu.memory_space<vmem>>[vector<16xi32>, vector<16xi32>, vector<16xi32>], vector<16xf32>,
          %add3A_223 = arith.constant 16 : i32
          %add3A_224 = arith.addi %mul3A_207, %add3A_223 : i32
          %swap3A_225 = arith.index_cast %add3A_224 : i32 to index
          %swap3A_226 = tpu.vector_load %arg15[%swap3A_225] {strides = array<i32>} : memref<512xf32, #tpu.memory_space<vmem>>, vector<16xf32>,
          tpu.vector_store %arg15[%swap3A_225], %gather3A_222 {strides = array<i32>} : memref<512xf32, #tpu.memory_space<vmem>>, vector<16xf32>,
          %add3A_227 = arith.constant 32 : i32
          %add3A_228 = vector.broadcast %add3A_227 : i32 to vector<16xi32>
          %add3A_229 = arith.addi %iota3A, %add3A_228 : vector<16xi32>
          %broadcast_in_dim3A_230 = arith.constant 0 : i32
          %broadcast_in_dim3A_231 = vector.broadcast %broadcast_in_dim3A_230 : i32 to vector<16xi32>
          %gather3A_232 = tpu.vector_load_idx %arg11[%broadcast_in_dim3A_231, %add3A_229, %sub3A_179] : memref<2x64x512xf32, #tpu.memory_space<vmem>>[vector<16xi32>, vector<16xi32>, vector<16xi32>], vector<16xf32>,
          %add3A_233 = arith.constant 32 : i32
          %add3A_234 = arith.addi %mul3A_207, %add3A_233 : i32
          %swap3A_235 = arith.index_cast %add3A_234 : i32 to index
          %swap3A_236 = tpu.vector_load %arg15[%swap3A_235] {strides = array<i32>} : memref<512xf32, #tpu.memory_space<vmem>>, vector<16xf32>,
          tpu.vector_store %arg15[%swap3A_235], %gather3A_232 {strides = array<i32>} : memref<512xf32, #tpu.memory_space<vmem>>, vector<16xf32>,
          %add3A_237 = arith.constant 48 : i32
          %add3A_238 = vector.broadcast %add3A_237 : i32 to vector<16xi32>
          %add3A_239 = arith.addi %iota3A, %add3A_238 : vector<16xi32>
          %broadcast_in_dim3A_240 = arith.constant 0 : i32
          %broadcast_in_dim3A_241 = vector.broadcast %broadcast_in_dim3A_240 : i32 to vector<16xi32>
          %gather3A_242 = tpu.vector_load_idx %arg11[%broadcast_in_dim3A_241, %add3A_239, %sub3A_179] : memref<2x64x512xf32, #tpu.memory_space<vmem>>[vector<16xi32>, vector<16xi32>, vector<16xi32>], vector<16xf32>,
          %add3A_243 = arith.constant 48 : i32
          %add3A_244 = arith.addi %mul3A_207, %add3A_243 : i32
          %swap3A_245 = arith.index_cast %add3A_244 : i32 to index
          %swap3A_246 = tpu.vector_load %arg15[%swap3A_245] {strides = array<i32>} : memref<512xf32, #tpu.memory_space<vmem>>, vector<16xf32>,
          tpu.vector_store %arg15[%swap3A_245], %gather3A_242 {strides = array<i32>} : memref<512xf32, #tpu.memory_space<vmem>>, vector<16xf32>,
          %mul3A_247 = arith.constant 64 : i32
          %mul3A_248 = arith.muli %reduce_sum3A_189, %mul3A_247 : i32
          %dma_start3A_249 = tpu.memref_slice %arg15[%mul3A_207] : memref<512xf32, #tpu.memory_space<vmem>> -> memref<64xf32, #tpu.memory_space<vmem>>
          %dma_start3A_250 = tpu.memref_slice %arg6[%mul3A_248] : memref<1048592xf32, #tpu.memory_space<hbm>> -> memref<64xf32, #tpu.memory_space<hbm>>
          %dma_start3A_251 = tpu.memref_slice %arg6[%mul3A_248] : memref<1048592xf32, #tpu.memory_space<hbm>> -> memref<64xf32, #tpu.memory_space<hbm>>
          %dma_start3A_252 = tpu.memref_slice %arg15[%mul3A_207] : memref<512xf32, #tpu.memory_space<vmem>> -> memref<64xf32, #tpu.memory_space<vmem>>
          tpu.enqueue_dma source(%dma_start3A_252 : memref<64xf32, #tpu.memory_space<vmem>>) target(%dma_start3A_251 : memref<64xf32, #tpu.memory_space<hbm>>) target_semaphore(%arg19 : memref<!tpu.dma_semaphore, #tpu.memory_space<semaphore_mem>>)
        }
        %min3A_160 = arith.constant 8 : i32
        %min3A_161 = arith.minsi %while3A_149, %min3A_160 : i32
        %while3A_162 = arith.constant 0 : i32
        %while3A_163 = arith.constant 0 : i32
        %while3A_164 = arith.subi %min3A_161, %while3A_163 : i32
        %while3A_165 = arith.addi %while3A_163, %while3A_164 : i32
        %while3A_166 = arith.constant 1 : i32
        %while3A_167 = arith.divsi %while3A_164, %while3A_166 : i32
        %while3A_168 = arith.muli %while3A_167, %while3A_166 : i32
        %while3A_169 = arith.addi %while3A_163, %while3A_168 : i32
        %while3A_170 = arith.constant 1 : i32
        scf.for %while3A_172 = %while3A_163 to %while3A_169 step %while3A_170  : i32 {
          %dma_wait3A_173 = arith.constant 0 : i32
          %dma_wait3A_174 = tpu.memref_slice %arg15[%dma_wait3A_173] : memref<512xf32, #tpu.memory_space<vmem>> -> memref<64xf32, #tpu.memory_space<vmem>>
          %dma_wait3A_175 = arith.constant 0 : i32
          %dma_wait3A_176 = tpu.memref_slice %arg6[%dma_wait3A_175] : memref<1048592xf32, #tpu.memory_space<hbm>> -> memref<64xf32, #tpu.memory_space<hbm>>
          %dma_wait3A_177 = arith.constant 0 : i32
          %dma_wait3A_178 = tpu.memref_slice %arg6[%dma_wait3A_177] : memref<1048592xf32, #tpu.memory_space<hbm>> -> memref<64xf32, #tpu.memory_space<hbm>>
          %dma_wait3A_179 = arith.constant 0 : i32
          %dma_wait3A_180 = tpu.memref_slice %arg15[%dma_wait3A_179] : memref<512xf32, #tpu.memory_space<vmem>> -> memref<64xf32, #tpu.memory_space<vmem>>
          tpu.wait_dma2 semaphore(%arg19 : memref<!tpu.dma_semaphore, #tpu.memory_space<semaphore_mem>>) src(%dma_wait3A_180 : memref<64xf32, #tpu.memory_space<vmem>>) dst(%dma_wait3A_178 : memref<64xf32, #tpu.memory_space<hbm>>)
        }
        %while3A_171 = arith.constant 1 : i32
        scf.for %while3A_172 = %while3A_169 to %while3A_165 step %while3A_171  : i32 {
          %dma_wait3A_173 = arith.constant 0 : i32
          %dma_wait3A_174 = tpu.memref_slice %arg15[%dma_wait3A_173] : memref<512xf32, #tpu.memory_space<vmem>> -> memref<64xf32, #tpu.memory_space<vmem>>
          %dma_wait3A_175 = arith.constant 0 : i32
          %dma_wait3A_176 = tpu.memref_slice %arg6[%dma_wait3A_175] : memref<1048592xf32, #tpu.memory_space<hbm>> -> memref<64xf32, #tpu.memory_space<hbm>>
          %dma_wait3A_177 = arith.constant 0 : i32
          %dma_wait3A_178 = tpu.memref_slice %arg6[%dma_wait3A_177] : memref<1048592xf32, #tpu.memory_space<hbm>> -> memref<64xf32, #tpu.memory_space<hbm>>
          %dma_wait3A_179 = arith.constant 0 : i32
          %dma_wait3A_180 = tpu.memref_slice %arg15[%dma_wait3A_179] : memref<512xf32, #tpu.memory_space<vmem>> -> memref<64xf32, #tpu.memory_space<vmem>>
          tpu.wait_dma2 semaphore(%arg19 : memref<!tpu.dma_semaphore, #tpu.memory_space<semaphore_mem>>) src(%dma_wait3A_180 : memref<64xf32, #tpu.memory_space<vmem>>) dst(%dma_wait3A_178 : memref<64xf32, #tpu.memory_space<hbm>>)
        }
      } else {
      }
      %mul3A_104 = arith.constant 2 : i32
      %mul3A_105 = arith.muli %mul3A_104, %scan3A_95 : i32
      %add3A_106 = arith.constant 1 : i32
      %add3A_107 = arith.addi %mul3A_105, %add3A_106 : i32
      %lt3A_108 = arith.cmpi slt, %add3A_107, %add3A_12 : i32
      %convert_element_type3A_109 = arith.extui %lt3A_108 : i1 to i32
      %cond3A_110 = arith.constant 0 : i32
      %cond3A_111 = arith.cmpi ne, %convert_element_type3A_109, %cond3A_110 : i32
      scf.if %cond3A_111 {
        %add3A_112 = arith.constant 1 : i32
        %add3A_113 = arith.addi %add3A_107, %add3A_112 : i32
        %lt3A_114 = arith.cmpi slt, %add3A_113, %add3A_12 : i32
        %convert_element_type3A_115 = arith.extui %lt3A_114 : i1 to i32
        %cond3A_116 = arith.constant 0 : i32
        %cond3A_117 = arith.cmpi ne, %convert_element_type3A_115, %cond3A_116 : i32
        scf.if %cond3A_117 {
          %add3A_172 = arith.constant 1 : i32
          %add3A_173 = arith.addi %add3A_107, %add3A_172 : i32
          %add3A_174 = arith.addi %add3A_8, %add3A_173 : i32
          %mul3A_175 = arith.constant 512 : i32
          %mul3A_176 = arith.muli %add3A_174, %mul3A_175 : i32
          %multiple_of3A_177 = tpu.assume_multiple %mul3A_176, 512 : i32
          %dma_start3A_178 = arith.constant 0 : i32
          %dma_start3A_179 = arith.constant 0 : i32
          %dma_start3A_180 = arith.constant 0 : i32
          %dma_start3A_181 = tpu.memref_slice %arg11[%dma_start3A_178, %dma_start3A_179, %dma_start3A_180] : memref<2x64x512xf32, #tpu.memory_space<vmem>> -> memref<1x64x512xf32, #tpu.memory_space<vmem>>
          %dma_start3A_182 = tpu.memref_squeeze %dma_start3A_181 : memref<1x64x512xf32, #tpu.memory_space<vmem>> -> memref<64x512xf32, #tpu.memory_space<vmem>>
          %dma_start3A_183 = arith.constant 0 : i32
          %dma_start3A_184 = tpu.memref_slice %arg3[%dma_start3A_183, %multiple_of3A_177] : memref<64x1000000xf32, #tpu.memory_space<hbm>> -> memref<64x512xf32, #tpu.memory_space<hbm>>
          %dma_start3A_185 = arith.constant 0 : i32
          %dma_start3A_186 = arith.constant 0 : i32
          %dma_start3A_187 = tpu.memref_slice %arg11[%dma_start3A_178, %dma_start3A_185, %dma_start3A_186] : memref<2x64x512xf32, #tpu.memory_space<vmem>> -> memref<1x64x512xf32, #tpu.memory_space<vmem>>
          %dma_start3A_188 = tpu.memref_squeeze %dma_start3A_187 : memref<1x64x512xf32, #tpu.memory_space<vmem>> -> memref<64x512xf32, #tpu.memory_space<vmem>>
          %dma_start3A_189 = arith.constant 0 : i32
          %dma_start3A_190 = tpu.memref_slice %arg3[%dma_start3A_189, %multiple_of3A_177] : memref<64x1000000xf32, #tpu.memory_space<hbm>> -> memref<64x512xf32, #tpu.memory_space<hbm>>
          tpu.enqueue_dma source(%dma_start3A_190 : memref<64x512xf32, #tpu.memory_space<hbm>>) target(%dma_start3A_188 : memref<64x512xf32, #tpu.memory_space<vmem>>) target_semaphore(%arg17 : memref<!tpu.dma_semaphore, #tpu.memory_space<semaphore_mem>>)
        } else {
        }
        %dma_wait3A_118 = arith.constant 1 : i32
        %dma_wait3A_119 = arith.constant 0 : i32
        %dma_wait3A_120 = arith.constant 0 : i32
        %dma_wait3A_121 = tpu.memref_slice %arg11[%dma_wait3A_118, %dma_wait3A_119, %dma_wait3A_120] : memref<2x64x512xf32, #tpu.memory_space<vmem>> -> memref<1x64x512xf32, #tpu.memory_space<vmem>>
        %dma_wait3A_122 = tpu.memref_squeeze %dma_wait3A_121 : memref<1x64x512xf32, #tpu.memory_space<vmem>> -> memref<64x512xf32, #tpu.memory_space<vmem>>
        %dma_wait3A_123 = arith.constant 0 : i32
        %dma_wait3A_124 = arith.constant 0 : i32
        %dma_wait3A_125 = tpu.memref_slice %arg3[%dma_wait3A_123, %dma_wait3A_124] : memref<64x1000000xf32, #tpu.memory_space<hbm>> -> memref<64x512xf32, #tpu.memory_space<hbm>>
        %dma_wait3A_126 = arith.constant 0 : i32
        %dma_wait3A_127 = arith.constant 0 : i32
        %dma_wait3A_128 = tpu.memref_slice %arg11[%dma_wait3A_118, %dma_wait3A_126, %dma_wait3A_127] : memref<2x64x512xf32, #tpu.memory_space<vmem>> -> memref<1x64x512xf32, #tpu.memory_space<vmem>>
        %dma_wait3A_129 = tpu.memref_squeeze %dma_wait3A_128 : memref<1x64x512xf32, #tpu.memory_space<vmem>> -> memref<64x512xf32, #tpu.memory_space<vmem>>
        %dma_wait3A_130 = arith.constant 0 : i32
        %dma_wait3A_131 = arith.constant 0 : i32
        %dma_wait3A_132 = tpu.memref_slice %arg3[%dma_wait3A_130, %dma_wait3A_131] : memref<64x1000000xf32, #tpu.memory_space<hbm>> -> memref<64x512xf32, #tpu.memory_space<hbm>>
        tpu.wait_dma2 semaphore(%arg18 : memref<!tpu.dma_semaphore, #tpu.memory_space<semaphore_mem>>) src(%dma_wait3A_132 : memref<64x512xf32, #tpu.memory_space<hbm>>) dst(%dma_wait3A_129 : memref<64x512xf32, #tpu.memory_space<vmem>>)
        %add3A_133 = arith.addi %add3A_8, %add3A_107 : i32
        %mul3A_134 = arith.constant 512 : i32
        %mul3A_135 = arith.muli %add3A_133, %mul3A_134 : i32
        %multiple_of3A = tpu.assume_multiple %mul3A_135, 512 : i32
        %add3A_136 = arith.constant 512 : i32
        %add3A_137 = arith.addi %multiple_of3A, %add3A_136 : i32
        %while3A_138 = arith.constant 0 : i32
        %while3A_139 = arith.constant 0 : i32
        %while3A_140 = arith.subi %select_n3A_48, %while3A_138 : i32
        %while3A_141 = arith.addi %while3A_138, %while3A_140 : i32
        %while3A_142 = arith.constant 1 : i32
        %while3A_143 = arith.divsi %while3A_140, %while3A_142 : i32
        %while3A_144 = arith.muli %while3A_143, %while3A_142 : i32
        %while3A_145 = arith.addi %while3A_138, %while3A_144 : i32
        %while3A_146 = arith.constant 1 : i32
        %while3A_147 = scf.for %while3A_172 = %while3A_138 to %while3A_145 step %while3A_146 iter_args(%while3A_173 = %while3A_139) -> (i32)  : i32 {
          %mul3A_174 = arith.constant 16 : i32
          %mul3A_175 = arith.muli %while3A_172, %mul3A_174 : i32
          %get3A = arith.index_cast %mul3A_175 : i32 to index
          %get3A_176 = tpu.vector_load %arg9[%get3A] {strides = array<i32>} : memref<16400xi32, #tpu.memory_space<vmem>>, vector<16xi32>,
          %mul3A_177 = arith.constant 16 : i32
          %mul3A_178 = arith.muli %while3A_172, %mul3A_177 : i32
          %get3A_179 = arith.index_cast %mul3A_178 : i32 to index
          %get3A_180 = tpu.vector_load %arg10[%get3A_179] {strides = array<i32>} : memref<16400xi32, #tpu.memory_space<vmem>>, vector<16xi32>,
          %ge3A = vector.broadcast %multiple_of3A : i32 to vector<16xi32>
          %ge3A_181 = arith.cmpi sge, %get3A_176, %ge3A : vector<16xi32>
          %lt3A_182 = vector.broadcast %add3A_137 : i32 to vector<16xi32>
          %lt3A_183 = arith.cmpi slt, %get3A_176, %lt3A_182 : vector<16xi32>
          %and3A_184 = arith.andi %ge3A_181, %lt3A_183 : vector<16xi1>
          %mul3A_185 = arith.constant 16 : i32
          %mul3A_186 = arith.muli %while3A_172, %mul3A_185 : i32
          %add3A_187 = vector.broadcast %mul3A_186 : i32 to vector<16xi32>
          %add3A_188 = arith.addi %add3A_187, %iota3A : vector<16xi32>
          %lt3A_189 = arith.cmpi slt, %add3A_188, %broadcast_in_dim3A : vector<16xi32>
          %and3A_190 = arith.andi %and3A_184, %lt3A_189 : vector<16xi1>
          %swap3A = arith.index_cast %while3A_173 : i32 to index
          %swap3A_191 = tpu.vector_load %arg13[%swap3A] masked %and3A_190 {strides = array<i32>} : memref<528xi32, #tpu.memory_space<vmem>>, vector<16xi32>, vector<16xi1>
          tpu.vector_store %arg13[%swap3A], %get3A_176 masked %and3A_190 {strides = array<i32>} : memref<528xi32, #tpu.memory_space<vmem>>, vector<16xi32>, vector<16xi1>
          %swap3A_192 = arith.index_cast %while3A_173 : i32 to index
          %swap3A_193 = tpu.vector_load %arg14[%swap3A_192] masked %and3A_190 {strides = array<i32>} : memref<528xi32, #tpu.memory_space<vmem>>, vector<16xi32>, vector<16xi1>
          tpu.vector_store %arg14[%swap3A_192], %get3A_180 masked %and3A_190 {strides = array<i32>} : memref<528xi32, #tpu.memory_space<vmem>>, vector<16xi32>, vector<16xi1>
          %convert_element_type3A_194 = arith.extui %and3A_190 : vector<16xi1> to vector<16xi32>
          %reduce_sum3A = arith.constant true
          %reduce_sum3A_195 = vector.broadcast %reduce_sum3A : i1 to vector<16xi1>
          %reduce_sum3A_196 = tpu.scan <sum>, %convert_element_type3A_194 masked %reduce_sum3A_195 : vector<16xi32>, vector<16xi1> -> vector<16xi32>
          %reduce_sum3A_197 = vector.extract %reduce_sum3A_196[15] : i32 from vector<16xi32>
          %add3A_198 = arith.addi %while3A_173, %reduce_sum3A_197 : i32
          %ge3A_199 = arith.constant 512 : i32
          %ge3A_200 = arith.cmpi sge, %add3A_198, %ge3A_199 : i32
          %convert_element_type3A_201 = arith.extui %ge3A_200 : i1 to i32
          %cond3A_202 = arith.constant 0 : i32
          %cond3A_203 = arith.cmpi ne, %convert_element_type3A_201, %cond3A_202 : i32
          %cond3A_204 = scf.if %cond3A_203 -> (i32) {
            %while3A_205 = arith.constant 0 : i32
            %while3A_206 = arith.constant 0 : i32
            %while3A_207 = arith.subi %add3A_198, %while3A_206 : i32
            %while3A_208 = arith.addi %while3A_206, %while3A_207 : i32
            %while3A_209 = arith.constant 1 : i32
            %while3A_210 = arith.divsi %while3A_207, %while3A_209 : i32
            %while3A_211 = arith.muli %while3A_210, %while3A_209 : i32
            %while3A_212 = arith.addi %while3A_206, %while3A_211 : i32
            %while3A_213 = arith.constant 1 : i32
            scf.for %while3A_228 = %while3A_206 to %while3A_212 step %while3A_213  : i32 {
              %ge3A_229 = arith.constant 8 : i32
              %ge3A_230 = arith.cmpi sge, %while3A_228, %ge3A_229 : i32
              %convert_element_type3A_231 = arith.extui %ge3A_230 : i1 to i32
              %cond3A_232 = arith.constant 0 : i32
              %cond3A_233 = arith.cmpi ne, %convert_element_type3A_231, %cond3A_232 : i32
              scf.if %cond3A_233 {
                %dma_wait3A_312 = arith.constant 0 : i32
                %dma_wait3A_313 = tpu.memref_slice %arg15[%dma_wait3A_312] : memref<512xf32, #tpu.memory_space<vmem>> -> memref<64xf32, #tpu.memory_space<vmem>>
                %dma_wait3A_314 = arith.constant 0 : i32
                %dma_wait3A_315 = tpu.memref_slice %arg6[%dma_wait3A_314] : memref<1048592xf32, #tpu.memory_space<hbm>> -> memref<64xf32, #tpu.memory_space<hbm>>
                %dma_wait3A_316 = arith.constant 0 : i32
                %dma_wait3A_317 = tpu.memref_slice %arg6[%dma_wait3A_316] : memref<1048592xf32, #tpu.memory_space<hbm>> -> memref<64xf32, #tpu.memory_space<hbm>>
                %dma_wait3A_318 = arith.constant 0 : i32
                %dma_wait3A_319 = tpu.memref_slice %arg15[%dma_wait3A_318] : memref<512xf32, #tpu.memory_space<vmem>> -> memref<64xf32, #tpu.memory_space<vmem>>
                tpu.wait_dma2 semaphore(%arg19 : memref<!tpu.dma_semaphore, #tpu.memory_space<semaphore_mem>>) src(%dma_wait3A_319 : memref<64xf32, #tpu.memory_space<vmem>>) dst(%dma_wait3A_317 : memref<64xf32, #tpu.memory_space<hbm>>)
              } else {
              }
              %broadcast_in_dim3A_234 = vector.broadcast %while3A_228 : i32 to vector<16xi32>
              %gather3A = tpu.vector_load_idx %arg13[%broadcast_in_dim3A_234] : memref<528xi32, #tpu.memory_space<vmem>>[vector<16xi32>], vector<16xi32>,
              %sub3A_235 = vector.broadcast %multiple_of3A : i32 to vector<16xi32>
              %sub3A_236 = arith.subi %gather3A, %sub3A_235 : vector<16xi32>
              %gather3A_237 = tpu.vector_load_idx %arg14[%broadcast_in_dim3A_234] : memref<528xi32, #tpu.memory_space<vmem>>[vector<16xi32>], vector<16xi32>,
              %eq3A_238 = arith.constant 0 : i32
              %eq3A_239 = vector.broadcast %eq3A_238 : i32 to vector<16xi32>
              %eq3A_240 = arith.cmpi eq, %iota3A, %eq3A_239 : vector<16xi32>
              %jit3A_241 = arith.constant 0 : i32
              %broadcast_in_dim3A_242 = vector.broadcast %jit3A_241 : i32 to vector<16xi32>
              %select_n3A_243 = arith.select %eq3A_240, %gather3A_237, %broadcast_in_dim3A_242 : vector<16xi1>, vector<16xi32>
              %reduce_sum3A_244 = arith.constant true
              %reduce_sum3A_245 = vector.broadcast %reduce_sum3A_244 : i1 to vector<16xi1>
              %reduce_sum3A_246 = tpu.scan <sum>, %select_n3A_243 masked %reduce_sum3A_245 : vector<16xi32>, vector<16xi1> -> vector<16xi32>
              %reduce_sum3A_247 = vector.extract %reduce_sum3A_246[15] : i32 from vector<16xi32>
              %jit3A_248 = arith.constant 8 : i32
              %eq3A_249 = arith.constant 0 : i32
              %eq3A_250 = arith.cmpi eq, %jit3A_248, %eq3A_249 : i32
              %jit3A_251 = arith.constant 1 : i32
              %select_n3A_252 = arith.select %eq3A_250, %jit3A_251, %jit3A_248 : i32
              %rem3A_253 = arith.remsi %while3A_228, %select_n3A_252 : i32
              %ne3A_254 = arith.constant 0 : i32
              %ne3A_255 = arith.cmpi ne, %rem3A_253, %ne3A_254 : i32
              %lt3A_256 = arith.constant 0 : i32
              %lt3A_257 = arith.cmpi slt, %rem3A_253, %lt3A_256 : i32
              %lt3A_258 = arith.constant 0 : i32
              %lt3A_259 = arith.cmpi slt, %select_n3A_252, %lt3A_258 : i32
              %ne3A_260 = arith.xori %lt3A_257, %lt3A_259 : i1
              %and3A_261 = arith.andi %ne3A_260, %ne3A_255 : i1
              %add3A_262 = arith.addi %rem3A_253, %select_n3A_252 : i32
              %select_n3A_263 = arith.select %and3A_261, %add3A_262, %rem3A_253 : i32
              %mul3A_264 = arith.constant 64 : i32
              %mul3A_265 = arith.muli %select_n3A_263, %mul3A_264 : i32
              %add3A_266 = arith.constant 0 : i32
              %add3A_267 = vector.broadcast %add3A_266 : i32 to vector<16xi32>
              %add3A_268 = arith.addi %iota3A, %add3A_267 : vector<16xi32>
              %broadcast_in_dim3A_269 = arith.constant 1 : i32
              %broadcast_in_dim3A_270 = vector.broadcast %broadcast_in_dim3A_269 : i32 to vector<16xi32>
              %gather3A_271 = tpu.vector_load_idx %arg11[%broadcast_in_dim3A_270, %add3A_268, %sub3A_236] : memref<2x64x512xf32, #tpu.memory_space<vmem>>[vector<16xi32>, vector<16xi32>, vector<16xi32>], vector<16xf32>,
              %add3A_272 = arith.constant 0 : i32
              %add3A_273 = arith.addi %mul3A_265, %add3A_272 : i32
              %swap3A_274 = arith.index_cast %add3A_273 : i32 to index
              %swap3A_275 = tpu.vector_load %arg15[%swap3A_274] {strides = array<i32>} : memref<512xf32, #tpu.memory_space<vmem>>, vector<16xf32>,
              tpu.vector_store %arg15[%swap3A_274], %gather3A_271 {strides = array<i32>} : memref<512xf32, #tpu.memory_space<vmem>>, vector<16xf32>,
              %add3A_276 = arith.constant 16 : i32
              %add3A_277 = vector.broadcast %add3A_276 : i32 to vector<16xi32>
              %add3A_278 = arith.addi %iota3A, %add3A_277 : vector<16xi32>
              %broadcast_in_dim3A_279 = arith.constant 1 : i32
              %broadcast_in_dim3A_280 = vector.broadcast %broadcast_in_dim3A_279 : i32 to vector<16xi32>
              %gather3A_281 = tpu.vector_load_idx %arg11[%broadcast_in_dim3A_280, %add3A_278, %sub3A_236] : memref<2x64x512xf32, #tpu.memory_space<vmem>>[vector<16xi32>, vector<16xi32>, vector<16xi32>], vector<16xf32>,
              %add3A_282 = arith.constant 16 : i32
              %add3A_283 = arith.addi %mul3A_265, %add3A_282 : i32
              %swap3A_284 = arith.index_cast %add3A_283 : i32 to index
              %swap3A_285 = tpu.vector_load %arg15[%swap3A_284] {strides = array<i32>} : memref<512xf32, #tpu.memory_space<vmem>>, vector<16xf32>,
              tpu.vector_store %arg15[%swap3A_284], %gather3A_281 {strides = array<i32>} : memref<512xf32, #tpu.memory_space<vmem>>, vector<16xf32>,
              %add3A_286 = arith.constant 32 : i32
              %add3A_287 = vector.broadcast %add3A_286 : i32 to vector<16xi32>
              %add3A_288 = arith.addi %iota3A, %add3A_287 : vector<16xi32>
              %broadcast_in_dim3A_289 = arith.constant 1 : i32
              %broadcast_in_dim3A_290 = vector.broadcast %broadcast_in_dim3A_289 : i32 to vector<16xi32>
              %gather3A_291 = tpu.vector_load_idx %arg11[%broadcast_in_dim3A_290, %add3A_288, %sub3A_236] : memref<2x64x512xf32, #tpu.memory_space<vmem>>[vector<16xi32>, vector<16xi32>, vector<16xi32>], vector<16xf32>,
              %add3A_292 = arith.constant 32 : i32
              %add3A_293 = arith.addi %mul3A_265, %add3A_292 : i32
              %swap3A_294 = arith.index_cast %add3A_293 : i32 to index
              %swap3A_295 = tpu.vector_load %arg15[%swap3A_294] {strides = array<i32>} : memref<512xf32, #tpu.memory_space<vmem>>, vector<16xf32>,
              tpu.vector_store %arg15[%swap3A_294], %gather3A_291 {strides = array<i32>} : memref<512xf32, #tpu.memory_space<vmem>>, vector<16xf32>,
              %add3A_296 = arith.constant 48 : i32
              %add3A_297 = vector.broadcast %add3A_296 : i32 to vector<16xi32>
              %add3A_298 = arith.addi %iota3A, %add3A_297 : vector<16xi32>
              %broadcast_in_dim3A_299 = arith.constant 1 : i32
              %broadcast_in_dim3A_300 = vector.broadcast %broadcast_in_dim3A_299 : i32 to vector<16xi32>
              %gather3A_301 = tpu.vector_load_idx %arg11[%broadcast_in_dim3A_300, %add3A_298, %sub3A_236] : memref<2x64x512xf32, #tpu.memory_space<vmem>>[vector<16xi32>, vector<16xi32>, vector<16xi32>], vector<16xf32>,
              %add3A_302 = arith.constant 48 : i32
              %add3A_303 = arith.addi %mul3A_265, %add3A_302 : i32
              %swap3A_304 = arith.index_cast %add3A_303 : i32 to index
              %swap3A_305 = tpu.vector_load %arg15[%swap3A_304] {strides = array<i32>} : memref<512xf32, #tpu.memory_space<vmem>>, vector<16xf32>,
              tpu.vector_store %arg15[%swap3A_304], %gather3A_301 {strides = array<i32>} : memref<512xf32, #tpu.memory_space<vmem>>, vector<16xf32>,
              %mul3A_306 = arith.constant 64 : i32
              %mul3A_307 = arith.muli %reduce_sum3A_247, %mul3A_306 : i32
              %dma_start3A_308 = tpu.memref_slice %arg15[%mul3A_265] : memref<512xf32, #tpu.memory_space<vmem>> -> memref<64xf32, #tpu.memory_space<vmem>>
              %dma_start3A_309 = tpu.memref_slice %arg6[%mul3A_307] : memref<1048592xf32, #tpu.memory_space<hbm>> -> memref<64xf32, #tpu.memory_space<hbm>>
              %dma_start3A_310 = tpu.memref_slice %arg6[%mul3A_307] : memref<1048592xf32, #tpu.memory_space<hbm>> -> memref<64xf32, #tpu.memory_space<hbm>>
              %dma_start3A_311 = tpu.memref_slice %arg15[%mul3A_265] : memref<512xf32, #tpu.memory_space<vmem>> -> memref<64xf32, #tpu.memory_space<vmem>>
              tpu.enqueue_dma source(%dma_start3A_311 : memref<64xf32, #tpu.memory_space<vmem>>) target(%dma_start3A_310 : memref<64xf32, #tpu.memory_space<hbm>>) target_semaphore(%arg19 : memref<!tpu.dma_semaphore, #tpu.memory_space<semaphore_mem>>)
            }
            %while3A_214 = arith.constant 1 : i32
            scf.for %while3A_228 = %while3A_212 to %while3A_208 step %while3A_214  : i32 {
              %ge3A_229 = arith.constant 8 : i32
              %ge3A_230 = arith.cmpi sge, %while3A_228, %ge3A_229 : i32
              %convert_element_type3A_231 = arith.extui %ge3A_230 : i1 to i32
              %cond3A_232 = arith.constant 0 : i32
              %cond3A_233 = arith.cmpi ne, %convert_element_type3A_231, %cond3A_232 : i32
              scf.if %cond3A_233 {
                %dma_wait3A_312 = arith.constant 0 : i32
                %dma_wait3A_313 = tpu.memref_slice %arg15[%dma_wait3A_312] : memref<512xf32, #tpu.memory_space<vmem>> -> memref<64xf32, #tpu.memory_space<vmem>>
                %dma_wait3A_314 = arith.constant 0 : i32
                %dma_wait3A_315 = tpu.memref_slice %arg6[%dma_wait3A_314] : memref<1048592xf32, #tpu.memory_space<hbm>> -> memref<64xf32, #tpu.memory_space<hbm>>
                %dma_wait3A_316 = arith.constant 0 : i32
                %dma_wait3A_317 = tpu.memref_slice %arg6[%dma_wait3A_316] : memref<1048592xf32, #tpu.memory_space<hbm>> -> memref<64xf32, #tpu.memory_space<hbm>>
                %dma_wait3A_318 = arith.constant 0 : i32
                %dma_wait3A_319 = tpu.memref_slice %arg15[%dma_wait3A_318] : memref<512xf32, #tpu.memory_space<vmem>> -> memref<64xf32, #tpu.memory_space<vmem>>
                tpu.wait_dma2 semaphore(%arg19 : memref<!tpu.dma_semaphore, #tpu.memory_space<semaphore_mem>>) src(%dma_wait3A_319 : memref<64xf32, #tpu.memory_space<vmem>>) dst(%dma_wait3A_317 : memref<64xf32, #tpu.memory_space<hbm>>)
              } else {
              }
              %broadcast_in_dim3A_234 = vector.broadcast %while3A_228 : i32 to vector<16xi32>
              %gather3A = tpu.vector_load_idx %arg13[%broadcast_in_dim3A_234] : memref<528xi32, #tpu.memory_space<vmem>>[vector<16xi32>], vector<16xi32>,
              %sub3A_235 = vector.broadcast %multiple_of3A : i32 to vector<16xi32>
              %sub3A_236 = arith.subi %gather3A, %sub3A_235 : vector<16xi32>
              %gather3A_237 = tpu.vector_load_idx %arg14[%broadcast_in_dim3A_234] : memref<528xi32, #tpu.memory_space<vmem>>[vector<16xi32>], vector<16xi32>,
              %eq3A_238 = arith.constant 0 : i32
              %eq3A_239 = vector.broadcast %eq3A_238 : i32 to vector<16xi32>
              %eq3A_240 = arith.cmpi eq, %iota3A, %eq3A_239 : vector<16xi32>
              %jit3A_241 = arith.constant 0 : i32
              %broadcast_in_dim3A_242 = vector.broadcast %jit3A_241 : i32 to vector<16xi32>
              %select_n3A_243 = arith.select %eq3A_240, %gather3A_237, %broadcast_in_dim3A_242 : vector<16xi1>, vector<16xi32>
              %reduce_sum3A_244 = arith.constant true
              %reduce_sum3A_245 = vector.broadcast %reduce_sum3A_244 : i1 to vector<16xi1>
              %reduce_sum3A_246 = tpu.scan <sum>, %select_n3A_243 masked %reduce_sum3A_245 : vector<16xi32>, vector<16xi1> -> vector<16xi32>
              %reduce_sum3A_247 = vector.extract %reduce_sum3A_246[15] : i32 from vector<16xi32>
              %jit3A_248 = arith.constant 8 : i32
              %eq3A_249 = arith.constant 0 : i32
              %eq3A_250 = arith.cmpi eq, %jit3A_248, %eq3A_249 : i32
              %jit3A_251 = arith.constant 1 : i32
              %select_n3A_252 = arith.select %eq3A_250, %jit3A_251, %jit3A_248 : i32
              %rem3A_253 = arith.remsi %while3A_228, %select_n3A_252 : i32
              %ne3A_254 = arith.constant 0 : i32
              %ne3A_255 = arith.cmpi ne, %rem3A_253, %ne3A_254 : i32
              %lt3A_256 = arith.constant 0 : i32
              %lt3A_257 = arith.cmpi slt, %rem3A_253, %lt3A_256 : i32
              %lt3A_258 = arith.constant 0 : i32
              %lt3A_259 = arith.cmpi slt, %select_n3A_252, %lt3A_258 : i32
              %ne3A_260 = arith.xori %lt3A_257, %lt3A_259 : i1
              %and3A_261 = arith.andi %ne3A_260, %ne3A_255 : i1
              %add3A_262 = arith.addi %rem3A_253, %select_n3A_252 : i32
              %select_n3A_263 = arith.select %and3A_261, %add3A_262, %rem3A_253 : i32
              %mul3A_264 = arith.constant 64 : i32
              %mul3A_265 = arith.muli %select_n3A_263, %mul3A_264 : i32
              %add3A_266 = arith.constant 0 : i32
              %add3A_267 = vector.broadcast %add3A_266 : i32 to vector<16xi32>
              %add3A_268 = arith.addi %iota3A, %add3A_267 : vector<16xi32>
              %broadcast_in_dim3A_269 = arith.constant 1 : i32
              %broadcast_in_dim3A_270 = vector.broadcast %broadcast_in_dim3A_269 : i32 to vector<16xi32>
              %gather3A_271 = tpu.vector_load_idx %arg11[%broadcast_in_dim3A_270, %add3A_268, %sub3A_236] : memref<2x64x512xf32, #tpu.memory_space<vmem>>[vector<16xi32>, vector<16xi32>, vector<16xi32>], vector<16xf32>,
              %add3A_272 = arith.constant 0 : i32
              %add3A_273 = arith.addi %mul3A_265, %add3A_272 : i32
              %swap3A_274 = arith.index_cast %add3A_273 : i32 to index
              %swap3A_275 = tpu.vector_load %arg15[%swap3A_274] {strides = array<i32>} : memref<512xf32, #tpu.memory_space<vmem>>, vector<16xf32>,
              tpu.vector_store %arg15[%swap3A_274], %gather3A_271 {strides = array<i32>} : memref<512xf32, #tpu.memory_space<vmem>>, vector<16xf32>,
              %add3A_276 = arith.constant 16 : i32
              %add3A_277 = vector.broadcast %add3A_276 : i32 to vector<16xi32>
              %add3A_278 = arith.addi %iota3A, %add3A_277 : vector<16xi32>
              %broadcast_in_dim3A_279 = arith.constant 1 : i32
              %broadcast_in_dim3A_280 = vector.broadcast %broadcast_in_dim3A_279 : i32 to vector<16xi32>
              %gather3A_281 = tpu.vector_load_idx %arg11[%broadcast_in_dim3A_280, %add3A_278, %sub3A_236] : memref<2x64x512xf32, #tpu.memory_space<vmem>>[vector<16xi32>, vector<16xi32>, vector<16xi32>], vector<16xf32>,
              %add3A_282 = arith.constant 16 : i32
              %add3A_283 = arith.addi %mul3A_265, %add3A_282 : i32
              %swap3A_284 = arith.index_cast %add3A_283 : i32 to index
              %swap3A_285 = tpu.vector_load %arg15[%swap3A_284] {strides = array<i32>} : memref<512xf32, #tpu.memory_space<vmem>>, vector<16xf32>,
              tpu.vector_store %arg15[%swap3A_284], %gather3A_281 {strides = array<i32>} : memref<512xf32, #tpu.memory_space<vmem>>, vector<16xf32>,
              %add3A_286 = arith.constant 32 : i32
              %add3A_287 = vector.broadcast %add3A_286 : i32 to vector<16xi32>
              %add3A_288 = arith.addi %iota3A, %add3A_287 : vector<16xi32>
              %broadcast_in_dim3A_289 = arith.constant 1 : i32
              %broadcast_in_dim3A_290 = vector.broadcast %broadcast_in_dim3A_289 : i32 to vector<16xi32>
              %gather3A_291 = tpu.vector_load_idx %arg11[%broadcast_in_dim3A_290, %add3A_288, %sub3A_236] : memref<2x64x512xf32, #tpu.memory_space<vmem>>[vector<16xi32>, vector<16xi32>, vector<16xi32>], vector<16xf32>,
              %add3A_292 = arith.constant 32 : i32
              %add3A_293 = arith.addi %mul3A_265, %add3A_292 : i32
              %swap3A_294 = arith.index_cast %add3A_293 : i32 to index
              %swap3A_295 = tpu.vector_load %arg15[%swap3A_294] {strides = array<i32>} : memref<512xf32, #tpu.memory_space<vmem>>, vector<16xf32>,
              tpu.vector_store %arg15[%swap3A_294], %gather3A_291 {strides = array<i32>} : memref<512xf32, #tpu.memory_space<vmem>>, vector<16xf32>,
              %add3A_296 = arith.constant 48 : i32
              %add3A_297 = vector.broadcast %add3A_296 : i32 to vector<16xi32>
              %add3A_298 = arith.addi %iota3A, %add3A_297 : vector<16xi32>
              %broadcast_in_dim3A_299 = arith.constant 1 : i32
              %broadcast_in_dim3A_300 = vector.broadcast %broadcast_in_dim3A_299 : i32 to vector<16xi32>
              %gather3A_301 = tpu.vector_load_idx %arg11[%broadcast_in_dim3A_300, %add3A_298, %sub3A_236] : memref<2x64x512xf32, #tpu.memory_space<vmem>>[vector<16xi32>, vector<16xi32>, vector<16xi32>], vector<16xf32>,
              %add3A_302 = arith.constant 48 : i32
              %add3A_303 = arith.addi %mul3A_265, %add3A_302 : i32
              %swap3A_304 = arith.index_cast %add3A_303 : i32 to index
              %swap3A_305 = tpu.vector_load %arg15[%swap3A_304] {strides = array<i32>} : memref<512xf32, #tpu.memory_space<vmem>>, vector<16xf32>,
              tpu.vector_store %arg15[%swap3A_304], %gather3A_301 {strides = array<i32>} : memref<512xf32, #tpu.memory_space<vmem>>, vector<16xf32>,
              %mul3A_306 = arith.constant 64 : i32
              %mul3A_307 = arith.muli %reduce_sum3A_247, %mul3A_306 : i32
              %dma_start3A_308 = tpu.memref_slice %arg15[%mul3A_265] : memref<512xf32, #tpu.memory_space<vmem>> -> memref<64xf32, #tpu.memory_space<vmem>>
              %dma_start3A_309 = tpu.memref_slice %arg6[%mul3A_307] : memref<1048592xf32, #tpu.memory_space<hbm>> -> memref<64xf32, #tpu.memory_space<hbm>>
              %dma_start3A_310 = tpu.memref_slice %arg6[%mul3A_307] : memref<1048592xf32, #tpu.memory_space<hbm>> -> memref<64xf32, #tpu.memory_space<hbm>>
              %dma_start3A_311 = tpu.memref_slice %arg15[%mul3A_265] : memref<512xf32, #tpu.memory_space<vmem>> -> memref<64xf32, #tpu.memory_space<vmem>>
              tpu.enqueue_dma source(%dma_start3A_311 : memref<64xf32, #tpu.memory_space<vmem>>) target(%dma_start3A_310 : memref<64xf32, #tpu.memory_space<hbm>>) target_semaphore(%arg19 : memref<!tpu.dma_semaphore, #tpu.memory_space<semaphore_mem>>)
            }
            %min3A_215 = arith.constant 8 : i32
            %min3A_216 = arith.minsi %add3A_198, %min3A_215 : i32
            %while3A_217 = arith.constant 0 : i32
            %while3A_218 = arith.constant 0 : i32
            %while3A_219 = arith.subi %min3A_216, %while3A_218 : i32
            %while3A_220 = arith.addi %while3A_218, %while3A_219 : i32
            %while3A_221 = arith.constant 1 : i32
            %while3A_222 = arith.divsi %while3A_219, %while3A_221 : i32
            %while3A_223 = arith.muli %while3A_222, %while3A_221 : i32
            %while3A_224 = arith.addi %while3A_218, %while3A_223 : i32
            %while3A_225 = arith.constant 1 : i32
            scf.for %while3A_228 = %while3A_218 to %while3A_224 step %while3A_225  : i32 {
              %dma_wait3A_229 = arith.constant 0 : i32
              %dma_wait3A_230 = tpu.memref_slice %arg15[%dma_wait3A_229] : memref<512xf32, #tpu.memory_space<vmem>> -> memref<64xf32, #tpu.memory_space<vmem>>
              %dma_wait3A_231 = arith.constant 0 : i32
              %dma_wait3A_232 = tpu.memref_slice %arg6[%dma_wait3A_231] : memref<1048592xf32, #tpu.memory_space<hbm>> -> memref<64xf32, #tpu.memory_space<hbm>>
              %dma_wait3A_233 = arith.constant 0 : i32
              %dma_wait3A_234 = tpu.memref_slice %arg6[%dma_wait3A_233] : memref<1048592xf32, #tpu.memory_space<hbm>> -> memref<64xf32, #tpu.memory_space<hbm>>
              %dma_wait3A_235 = arith.constant 0 : i32
              %dma_wait3A_236 = tpu.memref_slice %arg15[%dma_wait3A_235] : memref<512xf32, #tpu.memory_space<vmem>> -> memref<64xf32, #tpu.memory_space<vmem>>
              tpu.wait_dma2 semaphore(%arg19 : memref<!tpu.dma_semaphore, #tpu.memory_space<semaphore_mem>>) src(%dma_wait3A_236 : memref<64xf32, #tpu.memory_space<vmem>>) dst(%dma_wait3A_234 : memref<64xf32, #tpu.memory_space<hbm>>)
            }
            %while3A_226 = arith.constant 1 : i32
            scf.for %while3A_228 = %while3A_224 to %while3A_220 step %while3A_226  : i32 {
              %dma_wait3A_229 = arith.constant 0 : i32
              %dma_wait3A_230 = tpu.memref_slice %arg15[%dma_wait3A_229] : memref<512xf32, #tpu.memory_space<vmem>> -> memref<64xf32, #tpu.memory_space<vmem>>
              %dma_wait3A_231 = arith.constant 0 : i32
              %dma_wait3A_232 = tpu.memref_slice %arg6[%dma_wait3A_231] : memref<1048592xf32, #tpu.memory_space<hbm>> -> memref<64xf32, #tpu.memory_space<hbm>>
              %dma_wait3A_233 = arith.constant 0 : i32
              %dma_wait3A_234 = tpu.memref_slice %arg6[%dma_wait3A_233] : memref<1048592xf32, #tpu.memory_space<hbm>> -> memref<64xf32, #tpu.memory_space<hbm>>
              %dma_wait3A_235 = arith.constant 0 : i32
              %dma_wait3A_236 = tpu.memref_slice %arg15[%dma_wait3A_235] : memref<512xf32, #tpu.memory_space<vmem>> -> memref<64xf32, #tpu.memory_space<vmem>>
              tpu.wait_dma2 semaphore(%arg19 : memref<!tpu.dma_semaphore, #tpu.memory_space<semaphore_mem>>) src(%dma_wait3A_236 : memref<64xf32, #tpu.memory_space<vmem>>) dst(%dma_wait3A_234 : memref<64xf32, #tpu.memory_space<hbm>>)
            }
            %cond3A_227 = arith.constant 0 : i32
            scf.yield %cond3A_227 : i32
          } else {
            scf.yield %add3A_198 : i32
          }
          scf.yield %cond3A_204 : i32
        }
        %while3A_148 = arith.constant 1 : i32
        %while3A_149 = scf.for %while3A_172 = %while3A_145 to %while3A_141 step %while3A_148 iter_args(%while3A_173 = %while3A_147) -> (i32)  : i32 {
          %mul3A_174 = arith.constant 16 : i32
          %mul3A_175 = arith.muli %while3A_172, %mul3A_174 : i32
          %get3A = arith.index_cast %mul3A_175 : i32 to index
          %get3A_176 = tpu.vector_load %arg9[%get3A] {strides = array<i32>} : memref<16400xi32, #tpu.memory_space<vmem>>, vector<16xi32>,
          %mul3A_177 = arith.constant 16 : i32
          %mul3A_178 = arith.muli %while3A_172, %mul3A_177 : i32
          %get3A_179 = arith.index_cast %mul3A_178 : i32 to index
          %get3A_180 = tpu.vector_load %arg10[%get3A_179] {strides = array<i32>} : memref<16400xi32, #tpu.memory_space<vmem>>, vector<16xi32>,
          %ge3A = vector.broadcast %multiple_of3A : i32 to vector<16xi32>
          %ge3A_181 = arith.cmpi sge, %get3A_176, %ge3A : vector<16xi32>
          %lt3A_182 = vector.broadcast %add3A_137 : i32 to vector<16xi32>
          %lt3A_183 = arith.cmpi slt, %get3A_176, %lt3A_182 : vector<16xi32>
          %and3A_184 = arith.andi %ge3A_181, %lt3A_183 : vector<16xi1>
          %mul3A_185 = arith.constant 16 : i32
          %mul3A_186 = arith.muli %while3A_172, %mul3A_185 : i32
          %add3A_187 = vector.broadcast %mul3A_186 : i32 to vector<16xi32>
          %add3A_188 = arith.addi %add3A_187, %iota3A : vector<16xi32>
          %lt3A_189 = arith.cmpi slt, %add3A_188, %broadcast_in_dim3A : vector<16xi32>
          %and3A_190 = arith.andi %and3A_184, %lt3A_189 : vector<16xi1>
          %swap3A = arith.index_cast %while3A_173 : i32 to index
          %swap3A_191 = tpu.vector_load %arg13[%swap3A] masked %and3A_190 {strides = array<i32>} : memref<528xi32, #tpu.memory_space<vmem>>, vector<16xi32>, vector<16xi1>
          tpu.vector_store %arg13[%swap3A], %get3A_176 masked %and3A_190 {strides = array<i32>} : memref<528xi32, #tpu.memory_space<vmem>>, vector<16xi32>, vector<16xi1>
          %swap3A_192 = arith.index_cast %while3A_173 : i32 to index
          %swap3A_193 = tpu.vector_load %arg14[%swap3A_192] masked %and3A_190 {strides = array<i32>} : memref<528xi32, #tpu.memory_space<vmem>>, vector<16xi32>, vector<16xi1>
          tpu.vector_store %arg14[%swap3A_192], %get3A_180 masked %and3A_190 {strides = array<i32>} : memref<528xi32, #tpu.memory_space<vmem>>, vector<16xi32>, vector<16xi1>
          %convert_element_type3A_194 = arith.extui %and3A_190 : vector<16xi1> to vector<16xi32>
          %reduce_sum3A = arith.constant true
          %reduce_sum3A_195 = vector.broadcast %reduce_sum3A : i1 to vector<16xi1>
          %reduce_sum3A_196 = tpu.scan <sum>, %convert_element_type3A_194 masked %reduce_sum3A_195 : vector<16xi32>, vector<16xi1> -> vector<16xi32>
          %reduce_sum3A_197 = vector.extract %reduce_sum3A_196[15] : i32 from vector<16xi32>
          %add3A_198 = arith.addi %while3A_173, %reduce_sum3A_197 : i32
          %ge3A_199 = arith.constant 512 : i32
          %ge3A_200 = arith.cmpi sge, %add3A_198, %ge3A_199 : i32
          %convert_element_type3A_201 = arith.extui %ge3A_200 : i1 to i32
          %cond3A_202 = arith.constant 0 : i32
          %cond3A_203 = arith.cmpi ne, %convert_element_type3A_201, %cond3A_202 : i32
          %cond3A_204 = scf.if %cond3A_203 -> (i32) {
            %while3A_205 = arith.constant 0 : i32
            %while3A_206 = arith.constant 0 : i32
            %while3A_207 = arith.subi %add3A_198, %while3A_206 : i32
            %while3A_208 = arith.addi %while3A_206, %while3A_207 : i32
            %while3A_209 = arith.constant 1 : i32
            %while3A_210 = arith.divsi %while3A_207, %while3A_209 : i32
            %while3A_211 = arith.muli %while3A_210, %while3A_209 : i32
            %while3A_212 = arith.addi %while3A_206, %while3A_211 : i32
            %while3A_213 = arith.constant 1 : i32
            scf.for %while3A_228 = %while3A_206 to %while3A_212 step %while3A_213  : i32 {
              %ge3A_229 = arith.constant 8 : i32
              %ge3A_230 = arith.cmpi sge, %while3A_228, %ge3A_229 : i32
              %convert_element_type3A_231 = arith.extui %ge3A_230 : i1 to i32
              %cond3A_232 = arith.constant 0 : i32
              %cond3A_233 = arith.cmpi ne, %convert_element_type3A_231, %cond3A_232 : i32
              scf.if %cond3A_233 {
                %dma_wait3A_312 = arith.constant 0 : i32
                %dma_wait3A_313 = tpu.memref_slice %arg15[%dma_wait3A_312] : memref<512xf32, #tpu.memory_space<vmem>> -> memref<64xf32, #tpu.memory_space<vmem>>
                %dma_wait3A_314 = arith.constant 0 : i32
                %dma_wait3A_315 = tpu.memref_slice %arg6[%dma_wait3A_314] : memref<1048592xf32, #tpu.memory_space<hbm>> -> memref<64xf32, #tpu.memory_space<hbm>>
                %dma_wait3A_316 = arith.constant 0 : i32
                %dma_wait3A_317 = tpu.memref_slice %arg6[%dma_wait3A_316] : memref<1048592xf32, #tpu.memory_space<hbm>> -> memref<64xf32, #tpu.memory_space<hbm>>
                %dma_wait3A_318 = arith.constant 0 : i32
                %dma_wait3A_319 = tpu.memref_slice %arg15[%dma_wait3A_318] : memref<512xf32, #tpu.memory_space<vmem>> -> memref<64xf32, #tpu.memory_space<vmem>>
                tpu.wait_dma2 semaphore(%arg19 : memref<!tpu.dma_semaphore, #tpu.memory_space<semaphore_mem>>) src(%dma_wait3A_319 : memref<64xf32, #tpu.memory_space<vmem>>) dst(%dma_wait3A_317 : memref<64xf32, #tpu.memory_space<hbm>>)
              } else {
              }
              %broadcast_in_dim3A_234 = vector.broadcast %while3A_228 : i32 to vector<16xi32>
              %gather3A = tpu.vector_load_idx %arg13[%broadcast_in_dim3A_234] : memref<528xi32, #tpu.memory_space<vmem>>[vector<16xi32>], vector<16xi32>,
              %sub3A_235 = vector.broadcast %multiple_of3A : i32 to vector<16xi32>
              %sub3A_236 = arith.subi %gather3A, %sub3A_235 : vector<16xi32>
              %gather3A_237 = tpu.vector_load_idx %arg14[%broadcast_in_dim3A_234] : memref<528xi32, #tpu.memory_space<vmem>>[vector<16xi32>], vector<16xi32>,
              %eq3A_238 = arith.constant 0 : i32
              %eq3A_239 = vector.broadcast %eq3A_238 : i32 to vector<16xi32>
              %eq3A_240 = arith.cmpi eq, %iota3A, %eq3A_239 : vector<16xi32>
              %jit3A_241 = arith.constant 0 : i32
              %broadcast_in_dim3A_242 = vector.broadcast %jit3A_241 : i32 to vector<16xi32>
              %select_n3A_243 = arith.select %eq3A_240, %gather3A_237, %broadcast_in_dim3A_242 : vector<16xi1>, vector<16xi32>
              %reduce_sum3A_244 = arith.constant true
              %reduce_sum3A_245 = vector.broadcast %reduce_sum3A_244 : i1 to vector<16xi1>
              %reduce_sum3A_246 = tpu.scan <sum>, %select_n3A_243 masked %reduce_sum3A_245 : vector<16xi32>, vector<16xi1> -> vector<16xi32>
              %reduce_sum3A_247 = vector.extract %reduce_sum3A_246[15] : i32 from vector<16xi32>
              %jit3A_248 = arith.constant 8 : i32
              %eq3A_249 = arith.constant 0 : i32
              %eq3A_250 = arith.cmpi eq, %jit3A_248, %eq3A_249 : i32
              %jit3A_251 = arith.constant 1 : i32
              %select_n3A_252 = arith.select %eq3A_250, %jit3A_251, %jit3A_248 : i32
              %rem3A_253 = arith.remsi %while3A_228, %select_n3A_252 : i32
              %ne3A_254 = arith.constant 0 : i32
              %ne3A_255 = arith.cmpi ne, %rem3A_253, %ne3A_254 : i32
              %lt3A_256 = arith.constant 0 : i32
              %lt3A_257 = arith.cmpi slt, %rem3A_253, %lt3A_256 : i32
              %lt3A_258 = arith.constant 0 : i32
              %lt3A_259 = arith.cmpi slt, %select_n3A_252, %lt3A_258 : i32
              %ne3A_260 = arith.xori %lt3A_257, %lt3A_259 : i1
              %and3A_261 = arith.andi %ne3A_260, %ne3A_255 : i1
              %add3A_262 = arith.addi %rem3A_253, %select_n3A_252 : i32
              %select_n3A_263 = arith.select %and3A_261, %add3A_262, %rem3A_253 : i32
              %mul3A_264 = arith.constant 64 : i32
              %mul3A_265 = arith.muli %select_n3A_263, %mul3A_264 : i32
              %add3A_266 = arith.constant 0 : i32
              %add3A_267 = vector.broadcast %add3A_266 : i32 to vector<16xi32>
              %add3A_268 = arith.addi %iota3A, %add3A_267 : vector<16xi32>
              %broadcast_in_dim3A_269 = arith.constant 1 : i32
              %broadcast_in_dim3A_270 = vector.broadcast %broadcast_in_dim3A_269 : i32 to vector<16xi32>
              %gather3A_271 = tpu.vector_load_idx %arg11[%broadcast_in_dim3A_270, %add3A_268, %sub3A_236] : memref<2x64x512xf32, #tpu.memory_space<vmem>>[vector<16xi32>, vector<16xi32>, vector<16xi32>], vector<16xf32>,
              %add3A_272 = arith.constant 0 : i32
              %add3A_273 = arith.addi %mul3A_265, %add3A_272 : i32
              %swap3A_274 = arith.index_cast %add3A_273 : i32 to index
              %swap3A_275 = tpu.vector_load %arg15[%swap3A_274] {strides = array<i32>} : memref<512xf32, #tpu.memory_space<vmem>>, vector<16xf32>,
              tpu.vector_store %arg15[%swap3A_274], %gather3A_271 {strides = array<i32>} : memref<512xf32, #tpu.memory_space<vmem>>, vector<16xf32>,
              %add3A_276 = arith.constant 16 : i32
              %add3A_277 = vector.broadcast %add3A_276 : i32 to vector<16xi32>
              %add3A_278 = arith.addi %iota3A, %add3A_277 : vector<16xi32>
              %broadcast_in_dim3A_279 = arith.constant 1 : i32
              %broadcast_in_dim3A_280 = vector.broadcast %broadcast_in_dim3A_279 : i32 to vector<16xi32>
              %gather3A_281 = tpu.vector_load_idx %arg11[%broadcast_in_dim3A_280, %add3A_278, %sub3A_236] : memref<2x64x512xf32, #tpu.memory_space<vmem>>[vector<16xi32>, vector<16xi32>, vector<16xi32>], vector<16xf32>,
              %add3A_282 = arith.constant 16 : i32
              %add3A_283 = arith.addi %mul3A_265, %add3A_282 : i32
              %swap3A_284 = arith.index_cast %add3A_283 : i32 to index
              %swap3A_285 = tpu.vector_load %arg15[%swap3A_284] {strides = array<i32>} : memref<512xf32, #tpu.memory_space<vmem>>, vector<16xf32>,
              tpu.vector_store %arg15[%swap3A_284], %gather3A_281 {strides = array<i32>} : memref<512xf32, #tpu.memory_space<vmem>>, vector<16xf32>,
              %add3A_286 = arith.constant 32 : i32
              %add3A_287 = vector.broadcast %add3A_286 : i32 to vector<16xi32>
              %add3A_288 = arith.addi %iota3A, %add3A_287 : vector<16xi32>
              %broadcast_in_dim3A_289 = arith.constant 1 : i32
              %broadcast_in_dim3A_290 = vector.broadcast %broadcast_in_dim3A_289 : i32 to vector<16xi32>
              %gather3A_291 = tpu.vector_load_idx %arg11[%broadcast_in_dim3A_290, %add3A_288, %sub3A_236] : memref<2x64x512xf32, #tpu.memory_space<vmem>>[vector<16xi32>, vector<16xi32>, vector<16xi32>], vector<16xf32>,
              %add3A_292 = arith.constant 32 : i32
              %add3A_293 = arith.addi %mul3A_265, %add3A_292 : i32
              %swap3A_294 = arith.index_cast %add3A_293 : i32 to index
              %swap3A_295 = tpu.vector_load %arg15[%swap3A_294] {strides = array<i32>} : memref<512xf32, #tpu.memory_space<vmem>>, vector<16xf32>,
              tpu.vector_store %arg15[%swap3A_294], %gather3A_291 {strides = array<i32>} : memref<512xf32, #tpu.memory_space<vmem>>, vector<16xf32>,
              %add3A_296 = arith.constant 48 : i32
              %add3A_297 = vector.broadcast %add3A_296 : i32 to vector<16xi32>
              %add3A_298 = arith.addi %iota3A, %add3A_297 : vector<16xi32>
              %broadcast_in_dim3A_299 = arith.constant 1 : i32
              %broadcast_in_dim3A_300 = vector.broadcast %broadcast_in_dim3A_299 : i32 to vector<16xi32>
              %gather3A_301 = tpu.vector_load_idx %arg11[%broadcast_in_dim3A_300, %add3A_298, %sub3A_236] : memref<2x64x512xf32, #tpu.memory_space<vmem>>[vector<16xi32>, vector<16xi32>, vector<16xi32>], vector<16xf32>,
              %add3A_302 = arith.constant 48 : i32
              %add3A_303 = arith.addi %mul3A_265, %add3A_302 : i32
              %swap3A_304 = arith.index_cast %add3A_303 : i32 to index
              %swap3A_305 = tpu.vector_load %arg15[%swap3A_304] {strides = array<i32>} : memref<512xf32, #tpu.memory_space<vmem>>, vector<16xf32>,
              tpu.vector_store %arg15[%swap3A_304], %gather3A_301 {strides = array<i32>} : memref<512xf32, #tpu.memory_space<vmem>>, vector<16xf32>,
              %mul3A_306 = arith.constant 64 : i32
              %mul3A_307 = arith.muli %reduce_sum3A_247, %mul3A_306 : i32
              %dma_start3A_308 = tpu.memref_slice %arg15[%mul3A_265] : memref<512xf32, #tpu.memory_space<vmem>> -> memref<64xf32, #tpu.memory_space<vmem>>
              %dma_start3A_309 = tpu.memref_slice %arg6[%mul3A_307] : memref<1048592xf32, #tpu.memory_space<hbm>> -> memref<64xf32, #tpu.memory_space<hbm>>
              %dma_start3A_310 = tpu.memref_slice %arg6[%mul3A_307] : memref<1048592xf32, #tpu.memory_space<hbm>> -> memref<64xf32, #tpu.memory_space<hbm>>
              %dma_start3A_311 = tpu.memref_slice %arg15[%mul3A_265] : memref<512xf32, #tpu.memory_space<vmem>> -> memref<64xf32, #tpu.memory_space<vmem>>
              tpu.enqueue_dma source(%dma_start3A_311 : memref<64xf32, #tpu.memory_space<vmem>>) target(%dma_start3A_310 : memref<64xf32, #tpu.memory_space<hbm>>) target_semaphore(%arg19 : memref<!tpu.dma_semaphore, #tpu.memory_space<semaphore_mem>>)
            }
            %while3A_214 = arith.constant 1 : i32
            scf.for %while3A_228 = %while3A_212 to %while3A_208 step %while3A_214  : i32 {
              %ge3A_229 = arith.constant 8 : i32
              %ge3A_230 = arith.cmpi sge, %while3A_228, %ge3A_229 : i32
              %convert_element_type3A_231 = arith.extui %ge3A_230 : i1 to i32
              %cond3A_232 = arith.constant 0 : i32
              %cond3A_233 = arith.cmpi ne, %convert_element_type3A_231, %cond3A_232 : i32
              scf.if %cond3A_233 {
                %dma_wait3A_312 = arith.constant 0 : i32
                %dma_wait3A_313 = tpu.memref_slice %arg15[%dma_wait3A_312] : memref<512xf32, #tpu.memory_space<vmem>> -> memref<64xf32, #tpu.memory_space<vmem>>
                %dma_wait3A_314 = arith.constant 0 : i32
                %dma_wait3A_315 = tpu.memref_slice %arg6[%dma_wait3A_314] : memref<1048592xf32, #tpu.memory_space<hbm>> -> memref<64xf32, #tpu.memory_space<hbm>>
                %dma_wait3A_316 = arith.constant 0 : i32
                %dma_wait3A_317 = tpu.memref_slice %arg6[%dma_wait3A_316] : memref<1048592xf32, #tpu.memory_space<hbm>> -> memref<64xf32, #tpu.memory_space<hbm>>
                %dma_wait3A_318 = arith.constant 0 : i32
                %dma_wait3A_319 = tpu.memref_slice %arg15[%dma_wait3A_318] : memref<512xf32, #tpu.memory_space<vmem>> -> memref<64xf32, #tpu.memory_space<vmem>>
                tpu.wait_dma2 semaphore(%arg19 : memref<!tpu.dma_semaphore, #tpu.memory_space<semaphore_mem>>) src(%dma_wait3A_319 : memref<64xf32, #tpu.memory_space<vmem>>) dst(%dma_wait3A_317 : memref<64xf32, #tpu.memory_space<hbm>>)
              } else {
              }
              %broadcast_in_dim3A_234 = vector.broadcast %while3A_228 : i32 to vector<16xi32>
              %gather3A = tpu.vector_load_idx %arg13[%broadcast_in_dim3A_234] : memref<528xi32, #tpu.memory_space<vmem>>[vector<16xi32>], vector<16xi32>,
              %sub3A_235 = vector.broadcast %multiple_of3A : i32 to vector<16xi32>
              %sub3A_236 = arith.subi %gather3A, %sub3A_235 : vector<16xi32>
              %gather3A_237 = tpu.vector_load_idx %arg14[%broadcast_in_dim3A_234] : memref<528xi32, #tpu.memory_space<vmem>>[vector<16xi32>], vector<16xi32>,
              %eq3A_238 = arith.constant 0 : i32
              %eq3A_239 = vector.broadcast %eq3A_238 : i32 to vector<16xi32>
              %eq3A_240 = arith.cmpi eq, %iota3A, %eq3A_239 : vector<16xi32>
              %jit3A_241 = arith.constant 0 : i32
              %broadcast_in_dim3A_242 = vector.broadcast %jit3A_241 : i32 to vector<16xi32>
              %select_n3A_243 = arith.select %eq3A_240, %gather3A_237, %broadcast_in_dim3A_242 : vector<16xi1>, vector<16xi32>
              %reduce_sum3A_244 = arith.constant true
              %reduce_sum3A_245 = vector.broadcast %reduce_sum3A_244 : i1 to vector<16xi1>
              %reduce_sum3A_246 = tpu.scan <sum>, %select_n3A_243 masked %reduce_sum3A_245 : vector<16xi32>, vector<16xi1> -> vector<16xi32>
              %reduce_sum3A_247 = vector.extract %reduce_sum3A_246[15] : i32 from vector<16xi32>
              %jit3A_248 = arith.constant 8 : i32
              %eq3A_249 = arith.constant 0 : i32
              %eq3A_250 = arith.cmpi eq, %jit3A_248, %eq3A_249 : i32
              %jit3A_251 = arith.constant 1 : i32
              %select_n3A_252 = arith.select %eq3A_250, %jit3A_251, %jit3A_248 : i32
              %rem3A_253 = arith.remsi %while3A_228, %select_n3A_252 : i32
              %ne3A_254 = arith.constant 0 : i32
              %ne3A_255 = arith.cmpi ne, %rem3A_253, %ne3A_254 : i32
              %lt3A_256 = arith.constant 0 : i32
              %lt3A_257 = arith.cmpi slt, %rem3A_253, %lt3A_256 : i32
              %lt3A_258 = arith.constant 0 : i32
              %lt3A_259 = arith.cmpi slt, %select_n3A_252, %lt3A_258 : i32
              %ne3A_260 = arith.xori %lt3A_257, %lt3A_259 : i1
              %and3A_261 = arith.andi %ne3A_260, %ne3A_255 : i1
              %add3A_262 = arith.addi %rem3A_253, %select_n3A_252 : i32
              %select_n3A_263 = arith.select %and3A_261, %add3A_262, %rem3A_253 : i32
              %mul3A_264 = arith.constant 64 : i32
              %mul3A_265 = arith.muli %select_n3A_263, %mul3A_264 : i32
              %add3A_266 = arith.constant 0 : i32
              %add3A_267 = vector.broadcast %add3A_266 : i32 to vector<16xi32>
              %add3A_268 = arith.addi %iota3A, %add3A_267 : vector<16xi32>
              %broadcast_in_dim3A_269 = arith.constant 1 : i32
              %broadcast_in_dim3A_270 = vector.broadcast %broadcast_in_dim3A_269 : i32 to vector<16xi32>
              %gather3A_271 = tpu.vector_load_idx %arg11[%broadcast_in_dim3A_270, %add3A_268, %sub3A_236] : memref<2x64x512xf32, #tpu.memory_space<vmem>>[vector<16xi32>, vector<16xi32>, vector<16xi32>], vector<16xf32>,
              %add3A_272 = arith.constant 0 : i32
              %add3A_273 = arith.addi %mul3A_265, %add3A_272 : i32
              %swap3A_274 = arith.index_cast %add3A_273 : i32 to index
              %swap3A_275 = tpu.vector_load %arg15[%swap3A_274] {strides = array<i32>} : memref<512xf32, #tpu.memory_space<vmem>>, vector<16xf32>,
              tpu.vector_store %arg15[%swap3A_274], %gather3A_271 {strides = array<i32>} : memref<512xf32, #tpu.memory_space<vmem>>, vector<16xf32>,
              %add3A_276 = arith.constant 16 : i32
              %add3A_277 = vector.broadcast %add3A_276 : i32 to vector<16xi32>
              %add3A_278 = arith.addi %iota3A, %add3A_277 : vector<16xi32>
              %broadcast_in_dim3A_279 = arith.constant 1 : i32
              %broadcast_in_dim3A_280 = vector.broadcast %broadcast_in_dim3A_279 : i32 to vector<16xi32>
              %gather3A_281 = tpu.vector_load_idx %arg11[%broadcast_in_dim3A_280, %add3A_278, %sub3A_236] : memref<2x64x512xf32, #tpu.memory_space<vmem>>[vector<16xi32>, vector<16xi32>, vector<16xi32>], vector<16xf32>,
              %add3A_282 = arith.constant 16 : i32
              %add3A_283 = arith.addi %mul3A_265, %add3A_282 : i32
              %swap3A_284 = arith.index_cast %add3A_283 : i32 to index
              %swap3A_285 = tpu.vector_load %arg15[%swap3A_284] {strides = array<i32>} : memref<512xf32, #tpu.memory_space<vmem>>, vector<16xf32>,
              tpu.vector_store %arg15[%swap3A_284], %gather3A_281 {strides = array<i32>} : memref<512xf32, #tpu.memory_space<vmem>>, vector<16xf32>,
              %add3A_286 = arith.constant 32 : i32
              %add3A_287 = vector.broadcast %add3A_286 : i32 to vector<16xi32>
              %add3A_288 = arith.addi %iota3A, %add3A_287 : vector<16xi32>
              %broadcast_in_dim3A_289 = arith.constant 1 : i32
              %broadcast_in_dim3A_290 = vector.broadcast %broadcast_in_dim3A_289 : i32 to vector<16xi32>
              %gather3A_291 = tpu.vector_load_idx %arg11[%broadcast_in_dim3A_290, %add3A_288, %sub3A_236] : memref<2x64x512xf32, #tpu.memory_space<vmem>>[vector<16xi32>, vector<16xi32>, vector<16xi32>], vector<16xf32>,
              %add3A_292 = arith.constant 32 : i32
              %add3A_293 = arith.addi %mul3A_265, %add3A_292 : i32
              %swap3A_294 = arith.index_cast %add3A_293 : i32 to index
              %swap3A_295 = tpu.vector_load %arg15[%swap3A_294] {strides = array<i32>} : memref<512xf32, #tpu.memory_space<vmem>>, vector<16xf32>,
              tpu.vector_store %arg15[%swap3A_294], %gather3A_291 {strides = array<i32>} : memref<512xf32, #tpu.memory_space<vmem>>, vector<16xf32>,
              %add3A_296 = arith.constant 48 : i32
              %add3A_297 = vector.broadcast %add3A_296 : i32 to vector<16xi32>
              %add3A_298 = arith.addi %iota3A, %add3A_297 : vector<16xi32>
              %broadcast_in_dim3A_299 = arith.constant 1 : i32
              %broadcast_in_dim3A_300 = vector.broadcast %broadcast_in_dim3A_299 : i32 to vector<16xi32>
              %gather3A_301 = tpu.vector_load_idx %arg11[%broadcast_in_dim3A_300, %add3A_298, %sub3A_236] : memref<2x64x512xf32, #tpu.memory_space<vmem>>[vector<16xi32>, vector<16xi32>, vector<16xi32>], vector<16xf32>,
              %add3A_302 = arith.constant 48 : i32
              %add3A_303 = arith.addi %mul3A_265, %add3A_302 : i32
              %swap3A_304 = arith.index_cast %add3A_303 : i32 to index
              %swap3A_305 = tpu.vector_load %arg15[%swap3A_304] {strides = array<i32>} : memref<512xf32, #tpu.memory_space<vmem>>, vector<16xf32>,
              tpu.vector_store %arg15[%swap3A_304], %gather3A_301 {strides = array<i32>} : memref<512xf32, #tpu.memory_space<vmem>>, vector<16xf32>,
              %mul3A_306 = arith.constant 64 : i32
              %mul3A_307 = arith.muli %reduce_sum3A_247, %mul3A_306 : i32
              %dma_start3A_308 = tpu.memref_slice %arg15[%mul3A_265] : memref<512xf32, #tpu.memory_space<vmem>> -> memref<64xf32, #tpu.memory_space<vmem>>
              %dma_start3A_309 = tpu.memref_slice %arg6[%mul3A_307] : memref<1048592xf32, #tpu.memory_space<hbm>> -> memref<64xf32, #tpu.memory_space<hbm>>
              %dma_start3A_310 = tpu.memref_slice %arg6[%mul3A_307] : memref<1048592xf32, #tpu.memory_space<hbm>> -> memref<64xf32, #tpu.memory_space<hbm>>
              %dma_start3A_311 = tpu.memref_slice %arg15[%mul3A_265] : memref<512xf32, #tpu.memory_space<vmem>> -> memref<64xf32, #tpu.memory_space<vmem>>
              tpu.enqueue_dma source(%dma_start3A_311 : memref<64xf32, #tpu.memory_space<vmem>>) target(%dma_start3A_310 : memref<64xf32, #tpu.memory_space<hbm>>) target_semaphore(%arg19 : memref<!tpu.dma_semaphore, #tpu.memory_space<semaphore_mem>>)
            }
            %min3A_215 = arith.constant 8 : i32
            %min3A_216 = arith.minsi %add3A_198, %min3A_215 : i32
            %while3A_217 = arith.constant 0 : i32
            %while3A_218 = arith.constant 0 : i32
            %while3A_219 = arith.subi %min3A_216, %while3A_218 : i32
            %while3A_220 = arith.addi %while3A_218, %while3A_219 : i32
            %while3A_221 = arith.constant 1 : i32
            %while3A_222 = arith.divsi %while3A_219, %while3A_221 : i32
            %while3A_223 = arith.muli %while3A_222, %while3A_221 : i32
            %while3A_224 = arith.addi %while3A_218, %while3A_223 : i32
            %while3A_225 = arith.constant 1 : i32
            scf.for %while3A_228 = %while3A_218 to %while3A_224 step %while3A_225  : i32 {
              %dma_wait3A_229 = arith.constant 0 : i32
              %dma_wait3A_230 = tpu.memref_slice %arg15[%dma_wait3A_229] : memref<512xf32, #tpu.memory_space<vmem>> -> memref<64xf32, #tpu.memory_space<vmem>>
              %dma_wait3A_231 = arith.constant 0 : i32
              %dma_wait3A_232 = tpu.memref_slice %arg6[%dma_wait3A_231] : memref<1048592xf32, #tpu.memory_space<hbm>> -> memref<64xf32, #tpu.memory_space<hbm>>
              %dma_wait3A_233 = arith.constant 0 : i32
              %dma_wait3A_234 = tpu.memref_slice %arg6[%dma_wait3A_233] : memref<1048592xf32, #tpu.memory_space<hbm>> -> memref<64xf32, #tpu.memory_space<hbm>>
              %dma_wait3A_235 = arith.constant 0 : i32
              %dma_wait3A_236 = tpu.memref_slice %arg15[%dma_wait3A_235] : memref<512xf32, #tpu.memory_space<vmem>> -> memref<64xf32, #tpu.memory_space<vmem>>
              tpu.wait_dma2 semaphore(%arg19 : memref<!tpu.dma_semaphore, #tpu.memory_space<semaphore_mem>>) src(%dma_wait3A_236 : memref<64xf32, #tpu.memory_space<vmem>>) dst(%dma_wait3A_234 : memref<64xf32, #tpu.memory_space<hbm>>)
            }
            %while3A_226 = arith.constant 1 : i32
            scf.for %while3A_228 = %while3A_224 to %while3A_220 step %while3A_226  : i32 {
              %dma_wait3A_229 = arith.constant 0 : i32
              %dma_wait3A_230 = tpu.memref_slice %arg15[%dma_wait3A_229] : memref<512xf32, #tpu.memory_space<vmem>> -> memref<64xf32, #tpu.memory_space<vmem>>
              %dma_wait3A_231 = arith.constant 0 : i32
              %dma_wait3A_232 = tpu.memref_slice %arg6[%dma_wait3A_231] : memref<1048592xf32, #tpu.memory_space<hbm>> -> memref<64xf32, #tpu.memory_space<hbm>>
              %dma_wait3A_233 = arith.constant 0 : i32
              %dma_wait3A_234 = tpu.memref_slice %arg6[%dma_wait3A_233] : memref<1048592xf32, #tpu.memory_space<hbm>> -> memref<64xf32, #tpu.memory_space<hbm>>
              %dma_wait3A_235 = arith.constant 0 : i32
              %dma_wait3A_236 = tpu.memref_slice %arg15[%dma_wait3A_235] : memref<512xf32, #tpu.memory_space<vmem>> -> memref<64xf32, #tpu.memory_space<vmem>>
              tpu.wait_dma2 semaphore(%arg19 : memref<!tpu.dma_semaphore, #tpu.memory_space<semaphore_mem>>) src(%dma_wait3A_236 : memref<64xf32, #tpu.memory_space<vmem>>) dst(%dma_wait3A_234 : memref<64xf32, #tpu.memory_space<hbm>>)
            }
            %cond3A_227 = arith.constant 0 : i32
            scf.yield %cond3A_227 : i32
          } else {
            scf.yield %add3A_198 : i32
          }
          scf.yield %cond3A_204 : i32
        }
        %while3A_150 = arith.constant 0 : i32
        %while3A_151 = arith.constant 0 : i32
        %while3A_152 = arith.subi %while3A_149, %while3A_151 : i32
        %while3A_153 = arith.addi %while3A_151, %while3A_152 : i32
        %while3A_154 = arith.constant 1 : i32
        %while3A_155 = arith.divsi %while3A_152, %while3A_154 : i32
        %while3A_156 = arith.muli %while3A_155, %while3A_154 : i32
        %while3A_157 = arith.addi %while3A_151, %while3A_156 : i32
        %while3A_158 = arith.constant 1 : i32
        scf.for %while3A_172 = %while3A_151 to %while3A_157 step %while3A_158  : i32 {
          %ge3A = arith.constant 8 : i32
          %ge3A_173 = arith.cmpi sge, %while3A_172, %ge3A : i32
          %convert_element_type3A_174 = arith.extui %ge3A_173 : i1 to i32
          %cond3A_175 = arith.constant 0 : i32
          %cond3A_176 = arith.cmpi ne, %convert_element_type3A_174, %cond3A_175 : i32
          scf.if %cond3A_176 {
            %dma_wait3A_253 = arith.constant 0 : i32
            %dma_wait3A_254 = tpu.memref_slice %arg15[%dma_wait3A_253] : memref<512xf32, #tpu.memory_space<vmem>> -> memref<64xf32, #tpu.memory_space<vmem>>
            %dma_wait3A_255 = arith.constant 0 : i32
            %dma_wait3A_256 = tpu.memref_slice %arg6[%dma_wait3A_255] : memref<1048592xf32, #tpu.memory_space<hbm>> -> memref<64xf32, #tpu.memory_space<hbm>>
            %dma_wait3A_257 = arith.constant 0 : i32
            %dma_wait3A_258 = tpu.memref_slice %arg6[%dma_wait3A_257] : memref<1048592xf32, #tpu.memory_space<hbm>> -> memref<64xf32, #tpu.memory_space<hbm>>
            %dma_wait3A_259 = arith.constant 0 : i32
            %dma_wait3A_260 = tpu.memref_slice %arg15[%dma_wait3A_259] : memref<512xf32, #tpu.memory_space<vmem>> -> memref<64xf32, #tpu.memory_space<vmem>>
            tpu.wait_dma2 semaphore(%arg19 : memref<!tpu.dma_semaphore, #tpu.memory_space<semaphore_mem>>) src(%dma_wait3A_260 : memref<64xf32, #tpu.memory_space<vmem>>) dst(%dma_wait3A_258 : memref<64xf32, #tpu.memory_space<hbm>>)
          } else {
          }
          %broadcast_in_dim3A_177 = vector.broadcast %while3A_172 : i32 to vector<16xi32>
          %gather3A = tpu.vector_load_idx %arg13[%broadcast_in_dim3A_177] : memref<528xi32, #tpu.memory_space<vmem>>[vector<16xi32>], vector<16xi32>,
          %sub3A_178 = vector.broadcast %multiple_of3A : i32 to vector<16xi32>
          %sub3A_179 = arith.subi %gather3A, %sub3A_178 : vector<16xi32>
          %gather3A_180 = tpu.vector_load_idx %arg14[%broadcast_in_dim3A_177] : memref<528xi32, #tpu.memory_space<vmem>>[vector<16xi32>], vector<16xi32>,
          %eq3A_181 = arith.constant 0 : i32
          %eq3A_182 = vector.broadcast %eq3A_181 : i32 to vector<16xi32>
          %eq3A_183 = arith.cmpi eq, %iota3A, %eq3A_182 : vector<16xi32>
          %jit3A_184 = arith.constant 0 : i32
          %broadcast_in_dim3A_185 = vector.broadcast %jit3A_184 : i32 to vector<16xi32>
          %select_n3A_186 = arith.select %eq3A_183, %gather3A_180, %broadcast_in_dim3A_185 : vector<16xi1>, vector<16xi32>
          %reduce_sum3A = arith.constant true
          %reduce_sum3A_187 = vector.broadcast %reduce_sum3A : i1 to vector<16xi1>
          %reduce_sum3A_188 = tpu.scan <sum>, %select_n3A_186 masked %reduce_sum3A_187 : vector<16xi32>, vector<16xi1> -> vector<16xi32>
          %reduce_sum3A_189 = vector.extract %reduce_sum3A_188[15] : i32 from vector<16xi32>
          %jit3A_190 = arith.constant 8 : i32
          %eq3A_191 = arith.constant 0 : i32
          %eq3A_192 = arith.cmpi eq, %jit3A_190, %eq3A_191 : i32
          %jit3A_193 = arith.constant 1 : i32
          %select_n3A_194 = arith.select %eq3A_192, %jit3A_193, %jit3A_190 : i32
          %rem3A_195 = arith.remsi %while3A_172, %select_n3A_194 : i32
          %ne3A_196 = arith.constant 0 : i32
          %ne3A_197 = arith.cmpi ne, %rem3A_195, %ne3A_196 : i32
          %lt3A_198 = arith.constant 0 : i32
          %lt3A_199 = arith.cmpi slt, %rem3A_195, %lt3A_198 : i32
          %lt3A_200 = arith.constant 0 : i32
          %lt3A_201 = arith.cmpi slt, %select_n3A_194, %lt3A_200 : i32
          %ne3A_202 = arith.xori %lt3A_199, %lt3A_201 : i1
          %and3A_203 = arith.andi %ne3A_202, %ne3A_197 : i1
          %add3A_204 = arith.addi %rem3A_195, %select_n3A_194 : i32
          %select_n3A_205 = arith.select %and3A_203, %add3A_204, %rem3A_195 : i32
          %mul3A_206 = arith.constant 64 : i32
          %mul3A_207 = arith.muli %select_n3A_205, %mul3A_206 : i32
          %add3A_208 = arith.constant 0 : i32
          %add3A_209 = vector.broadcast %add3A_208 : i32 to vector<16xi32>
          %add3A_210 = arith.addi %iota3A, %add3A_209 : vector<16xi32>
          %broadcast_in_dim3A_211 = arith.constant 1 : i32
          %broadcast_in_dim3A_212 = vector.broadcast %broadcast_in_dim3A_211 : i32 to vector<16xi32>
          %gather3A_213 = tpu.vector_load_idx %arg11[%broadcast_in_dim3A_212, %add3A_210, %sub3A_179] : memref<2x64x512xf32, #tpu.memory_space<vmem>>[vector<16xi32>, vector<16xi32>, vector<16xi32>], vector<16xf32>,
          %add3A_214 = arith.constant 0 : i32
          %add3A_215 = arith.addi %mul3A_207, %add3A_214 : i32
          %swap3A = arith.index_cast %add3A_215 : i32 to index
          %swap3A_216 = tpu.vector_load %arg15[%swap3A] {strides = array<i32>} : memref<512xf32, #tpu.memory_space<vmem>>, vector<16xf32>,
          tpu.vector_store %arg15[%swap3A], %gather3A_213 {strides = array<i32>} : memref<512xf32, #tpu.memory_space<vmem>>, vector<16xf32>,
          %add3A_217 = arith.constant 16 : i32
          %add3A_218 = vector.broadcast %add3A_217 : i32 to vector<16xi32>
          %add3A_219 = arith.addi %iota3A, %add3A_218 : vector<16xi32>
          %broadcast_in_dim3A_220 = arith.constant 1 : i32
          %broadcast_in_dim3A_221 = vector.broadcast %broadcast_in_dim3A_220 : i32 to vector<16xi32>
          %gather3A_222 = tpu.vector_load_idx %arg11[%broadcast_in_dim3A_221, %add3A_219, %sub3A_179] : memref<2x64x512xf32, #tpu.memory_space<vmem>>[vector<16xi32>, vector<16xi32>, vector<16xi32>], vector<16xf32>,
          %add3A_223 = arith.constant 16 : i32
          %add3A_224 = arith.addi %mul3A_207, %add3A_223 : i32
          %swap3A_225 = arith.index_cast %add3A_224 : i32 to index
          %swap3A_226 = tpu.vector_load %arg15[%swap3A_225] {strides = array<i32>} : memref<512xf32, #tpu.memory_space<vmem>>, vector<16xf32>,
          tpu.vector_store %arg15[%swap3A_225], %gather3A_222 {strides = array<i32>} : memref<512xf32, #tpu.memory_space<vmem>>, vector<16xf32>,
          %add3A_227 = arith.constant 32 : i32
          %add3A_228 = vector.broadcast %add3A_227 : i32 to vector<16xi32>
          %add3A_229 = arith.addi %iota3A, %add3A_228 : vector<16xi32>
          %broadcast_in_dim3A_230 = arith.constant 1 : i32
          %broadcast_in_dim3A_231 = vector.broadcast %broadcast_in_dim3A_230 : i32 to vector<16xi32>
          %gather3A_232 = tpu.vector_load_idx %arg11[%broadcast_in_dim3A_231, %add3A_229, %sub3A_179] : memref<2x64x512xf32, #tpu.memory_space<vmem>>[vector<16xi32>, vector<16xi32>, vector<16xi32>], vector<16xf32>,
          %add3A_233 = arith.constant 32 : i32
          %add3A_234 = arith.addi %mul3A_207, %add3A_233 : i32
          %swap3A_235 = arith.index_cast %add3A_234 : i32 to index
          %swap3A_236 = tpu.vector_load %arg15[%swap3A_235] {strides = array<i32>} : memref<512xf32, #tpu.memory_space<vmem>>, vector<16xf32>,
          tpu.vector_store %arg15[%swap3A_235], %gather3A_232 {strides = array<i32>} : memref<512xf32, #tpu.memory_space<vmem>>, vector<16xf32>,
          %add3A_237 = arith.constant 48 : i32
          %add3A_238 = vector.broadcast %add3A_237 : i32 to vector<16xi32>
          %add3A_239 = arith.addi %iota3A, %add3A_238 : vector<16xi32>
          %broadcast_in_dim3A_240 = arith.constant 1 : i32
          %broadcast_in_dim3A_241 = vector.broadcast %broadcast_in_dim3A_240 : i32 to vector<16xi32>
          %gather3A_242 = tpu.vector_load_idx %arg11[%broadcast_in_dim3A_241, %add3A_239, %sub3A_179] : memref<2x64x512xf32, #tpu.memory_space<vmem>>[vector<16xi32>, vector<16xi32>, vector<16xi32>], vector<16xf32>,
          %add3A_243 = arith.constant 48 : i32
          %add3A_244 = arith.addi %mul3A_207, %add3A_243 : i32
          %swap3A_245 = arith.index_cast %add3A_244 : i32 to index
          %swap3A_246 = tpu.vector_load %arg15[%swap3A_245] {strides = array<i32>} : memref<512xf32, #tpu.memory_space<vmem>>, vector<16xf32>,
          tpu.vector_store %arg15[%swap3A_245], %gather3A_242 {strides = array<i32>} : memref<512xf32, #tpu.memory_space<vmem>>, vector<16xf32>,
          %mul3A_247 = arith.constant 64 : i32
          %mul3A_248 = arith.muli %reduce_sum3A_189, %mul3A_247 : i32
          %dma_start3A_249 = tpu.memref_slice %arg15[%mul3A_207] : memref<512xf32, #tpu.memory_space<vmem>> -> memref<64xf32, #tpu.memory_space<vmem>>
          %dma_start3A_250 = tpu.memref_slice %arg6[%mul3A_248] : memref<1048592xf32, #tpu.memory_space<hbm>> -> memref<64xf32, #tpu.memory_space<hbm>>
          %dma_start3A_251 = tpu.memref_slice %arg6[%mul3A_248] : memref<1048592xf32, #tpu.memory_space<hbm>> -> memref<64xf32, #tpu.memory_space<hbm>>
          %dma_start3A_252 = tpu.memref_slice %arg15[%mul3A_207] : memref<512xf32, #tpu.memory_space<vmem>> -> memref<64xf32, #tpu.memory_space<vmem>>
          tpu.enqueue_dma source(%dma_start3A_252 : memref<64xf32, #tpu.memory_space<vmem>>) target(%dma_start3A_251 : memref<64xf32, #tpu.memory_space<hbm>>) target_semaphore(%arg19 : memref<!tpu.dma_semaphore, #tpu.memory_space<semaphore_mem>>)
        }
        %while3A_159 = arith.constant 1 : i32
        scf.for %while3A_172 = %while3A_157 to %while3A_153 step %while3A_159  : i32 {
          %ge3A = arith.constant 8 : i32
          %ge3A_173 = arith.cmpi sge, %while3A_172, %ge3A : i32
          %convert_element_type3A_174 = arith.extui %ge3A_173 : i1 to i32
          %cond3A_175 = arith.constant 0 : i32
          %cond3A_176 = arith.cmpi ne, %convert_element_type3A_174, %cond3A_175 : i32
          scf.if %cond3A_176 {
            %dma_wait3A_253 = arith.constant 0 : i32
            %dma_wait3A_254 = tpu.memref_slice %arg15[%dma_wait3A_253] : memref<512xf32, #tpu.memory_space<vmem>> -> memref<64xf32, #tpu.memory_space<vmem>>
            %dma_wait3A_255 = arith.constant 0 : i32
            %dma_wait3A_256 = tpu.memref_slice %arg6[%dma_wait3A_255] : memref<1048592xf32, #tpu.memory_space<hbm>> -> memref<64xf32, #tpu.memory_space<hbm>>
            %dma_wait3A_257 = arith.constant 0 : i32
            %dma_wait3A_258 = tpu.memref_slice %arg6[%dma_wait3A_257] : memref<1048592xf32, #tpu.memory_space<hbm>> -> memref<64xf32, #tpu.memory_space<hbm>>
            %dma_wait3A_259 = arith.constant 0 : i32
            %dma_wait3A_260 = tpu.memref_slice %arg15[%dma_wait3A_259] : memref<512xf32, #tpu.memory_space<vmem>> -> memref<64xf32, #tpu.memory_space<vmem>>
            tpu.wait_dma2 semaphore(%arg19 : memref<!tpu.dma_semaphore, #tpu.memory_space<semaphore_mem>>) src(%dma_wait3A_260 : memref<64xf32, #tpu.memory_space<vmem>>) dst(%dma_wait3A_258 : memref<64xf32, #tpu.memory_space<hbm>>)
          } else {
          }
          %broadcast_in_dim3A_177 = vector.broadcast %while3A_172 : i32 to vector<16xi32>
          %gather3A = tpu.vector_load_idx %arg13[%broadcast_in_dim3A_177] : memref<528xi32, #tpu.memory_space<vmem>>[vector<16xi32>], vector<16xi32>,
          %sub3A_178 = vector.broadcast %multiple_of3A : i32 to vector<16xi32>
          %sub3A_179 = arith.subi %gather3A, %sub3A_178 : vector<16xi32>
          %gather3A_180 = tpu.vector_load_idx %arg14[%broadcast_in_dim3A_177] : memref<528xi32, #tpu.memory_space<vmem>>[vector<16xi32>], vector<16xi32>,
          %eq3A_181 = arith.constant 0 : i32
          %eq3A_182 = vector.broadcast %eq3A_181 : i32 to vector<16xi32>
          %eq3A_183 = arith.cmpi eq, %iota3A, %eq3A_182 : vector<16xi32>
          %jit3A_184 = arith.constant 0 : i32
          %broadcast_in_dim3A_185 = vector.broadcast %jit3A_184 : i32 to vector<16xi32>
          %select_n3A_186 = arith.select %eq3A_183, %gather3A_180, %broadcast_in_dim3A_185 : vector<16xi1>, vector<16xi32>
          %reduce_sum3A = arith.constant true
          %reduce_sum3A_187 = vector.broadcast %reduce_sum3A : i1 to vector<16xi1>
          %reduce_sum3A_188 = tpu.scan <sum>, %select_n3A_186 masked %reduce_sum3A_187 : vector<16xi32>, vector<16xi1> -> vector<16xi32>
          %reduce_sum3A_189 = vector.extract %reduce_sum3A_188[15] : i32 from vector<16xi32>
          %jit3A_190 = arith.constant 8 : i32
          %eq3A_191 = arith.constant 0 : i32
          %eq3A_192 = arith.cmpi eq, %jit3A_190, %eq3A_191 : i32
          %jit3A_193 = arith.constant 1 : i32
          %select_n3A_194 = arith.select %eq3A_192, %jit3A_193, %jit3A_190 : i32
          %rem3A_195 = arith.remsi %while3A_172, %select_n3A_194 : i32
          %ne3A_196 = arith.constant 0 : i32
          %ne3A_197 = arith.cmpi ne, %rem3A_195, %ne3A_196 : i32
          %lt3A_198 = arith.constant 0 : i32
          %lt3A_199 = arith.cmpi slt, %rem3A_195, %lt3A_198 : i32
          %lt3A_200 = arith.constant 0 : i32
          %lt3A_201 = arith.cmpi slt, %select_n3A_194, %lt3A_200 : i32
          %ne3A_202 = arith.xori %lt3A_199, %lt3A_201 : i1
          %and3A_203 = arith.andi %ne3A_202, %ne3A_197 : i1
          %add3A_204 = arith.addi %rem3A_195, %select_n3A_194 : i32
          %select_n3A_205 = arith.select %and3A_203, %add3A_204, %rem3A_195 : i32
          %mul3A_206 = arith.constant 64 : i32
          %mul3A_207 = arith.muli %select_n3A_205, %mul3A_206 : i32
          %add3A_208 = arith.constant 0 : i32
          %add3A_209 = vector.broadcast %add3A_208 : i32 to vector<16xi32>
          %add3A_210 = arith.addi %iota3A, %add3A_209 : vector<16xi32>
          %broadcast_in_dim3A_211 = arith.constant 1 : i32
          %broadcast_in_dim3A_212 = vector.broadcast %broadcast_in_dim3A_211 : i32 to vector<16xi32>
          %gather3A_213 = tpu.vector_load_idx %arg11[%broadcast_in_dim3A_212, %add3A_210, %sub3A_179] : memref<2x64x512xf32, #tpu.memory_space<vmem>>[vector<16xi32>, vector<16xi32>, vector<16xi32>], vector<16xf32>,
          %add3A_214 = arith.constant 0 : i32
          %add3A_215 = arith.addi %mul3A_207, %add3A_214 : i32
          %swap3A = arith.index_cast %add3A_215 : i32 to index
          %swap3A_216 = tpu.vector_load %arg15[%swap3A] {strides = array<i32>} : memref<512xf32, #tpu.memory_space<vmem>>, vector<16xf32>,
          tpu.vector_store %arg15[%swap3A], %gather3A_213 {strides = array<i32>} : memref<512xf32, #tpu.memory_space<vmem>>, vector<16xf32>,
          %add3A_217 = arith.constant 16 : i32
          %add3A_218 = vector.broadcast %add3A_217 : i32 to vector<16xi32>
          %add3A_219 = arith.addi %iota3A, %add3A_218 : vector<16xi32>
          %broadcast_in_dim3A_220 = arith.constant 1 : i32
          %broadcast_in_dim3A_221 = vector.broadcast %broadcast_in_dim3A_220 : i32 to vector<16xi32>
          %gather3A_222 = tpu.vector_load_idx %arg11[%broadcast_in_dim3A_221, %add3A_219, %sub3A_179] : memref<2x64x512xf32, #tpu.memory_space<vmem>>[vector<16xi32>, vector<16xi32>, vector<16xi32>], vector<16xf32>,
          %add3A_223 = arith.constant 16 : i32
          %add3A_224 = arith.addi %mul3A_207, %add3A_223 : i32
          %swap3A_225 = arith.index_cast %add3A_224 : i32 to index
          %swap3A_226 = tpu.vector_load %arg15[%swap3A_225] {strides = array<i32>} : memref<512xf32, #tpu.memory_space<vmem>>, vector<16xf32>,
          tpu.vector_store %arg15[%swap3A_225], %gather3A_222 {strides = array<i32>} : memref<512xf32, #tpu.memory_space<vmem>>, vector<16xf32>,
          %add3A_227 = arith.constant 32 : i32
          %add3A_228 = vector.broadcast %add3A_227 : i32 to vector<16xi32>
          %add3A_229 = arith.addi %iota3A, %add3A_228 : vector<16xi32>
          %broadcast_in_dim3A_230 = arith.constant 1 : i32
          %broadcast_in_dim3A_231 = vector.broadcast %broadcast_in_dim3A_230 : i32 to vector<16xi32>
          %gather3A_232 = tpu.vector_load_idx %arg11[%broadcast_in_dim3A_231, %add3A_229, %sub3A_179] : memref<2x64x512xf32, #tpu.memory_space<vmem>>[vector<16xi32>, vector<16xi32>, vector<16xi32>], vector<16xf32>,
          %add3A_233 = arith.constant 32 : i32
          %add3A_234 = arith.addi %mul3A_207, %add3A_233 : i32
          %swap3A_235 = arith.index_cast %add3A_234 : i32 to index
          %swap3A_236 = tpu.vector_load %arg15[%swap3A_235] {strides = array<i32>} : memref<512xf32, #tpu.memory_space<vmem>>, vector<16xf32>,
          tpu.vector_store %arg15[%swap3A_235], %gather3A_232 {strides = array<i32>} : memref<512xf32, #tpu.memory_space<vmem>>, vector<16xf32>,
          %add3A_237 = arith.constant 48 : i32
          %add3A_238 = vector.broadcast %add3A_237 : i32 to vector<16xi32>
          %add3A_239 = arith.addi %iota3A, %add3A_238 : vector<16xi32>
          %broadcast_in_dim3A_240 = arith.constant 1 : i32
          %broadcast_in_dim3A_241 = vector.broadcast %broadcast_in_dim3A_240 : i32 to vector<16xi32>
          %gather3A_242 = tpu.vector_load_idx %arg11[%broadcast_in_dim3A_241, %add3A_239, %sub3A_179] : memref<2x64x512xf32, #tpu.memory_space<vmem>>[vector<16xi32>, vector<16xi32>, vector<16xi32>], vector<16xf32>,
          %add3A_243 = arith.constant 48 : i32
          %add3A_244 = arith.addi %mul3A_207, %add3A_243 : i32
          %swap3A_245 = arith.index_cast %add3A_244 : i32 to index
          %swap3A_246 = tpu.vector_load %arg15[%swap3A_245] {strides = array<i32>} : memref<512xf32, #tpu.memory_space<vmem>>, vector<16xf32>,
          tpu.vector_store %arg15[%swap3A_245], %gather3A_242 {strides = array<i32>} : memref<512xf32, #tpu.memory_space<vmem>>, vector<16xf32>,
          %mul3A_247 = arith.constant 64 : i32
          %mul3A_248 = arith.muli %reduce_sum3A_189, %mul3A_247 : i32
          %dma_start3A_249 = tpu.memref_slice %arg15[%mul3A_207] : memref<512xf32, #tpu.memory_space<vmem>> -> memref<64xf32, #tpu.memory_space<vmem>>
          %dma_start3A_250 = tpu.memref_slice %arg6[%mul3A_248] : memref<1048592xf32, #tpu.memory_space<hbm>> -> memref<64xf32, #tpu.memory_space<hbm>>
          %dma_start3A_251 = tpu.memref_slice %arg6[%mul3A_248] : memref<1048592xf32, #tpu.memory_space<hbm>> -> memref<64xf32, #tpu.memory_space<hbm>>
          %dma_start3A_252 = tpu.memref_slice %arg15[%mul3A_207] : memref<512xf32, #tpu.memory_space<vmem>> -> memref<64xf32, #tpu.memory_space<vmem>>
          tpu.enqueue_dma source(%dma_start3A_252 : memref<64xf32, #tpu.memory_space<vmem>>) target(%dma_start3A_251 : memref<64xf32, #tpu.memory_space<hbm>>) target_semaphore(%arg19 : memref<!tpu.dma_semaphore, #tpu.memory_space<semaphore_mem>>)
        }
        %min3A_160 = arith.constant 8 : i32
        %min3A_161 = arith.minsi %while3A_149, %min3A_160 : i32
        %while3A_162 = arith.constant 0 : i32
        %while3A_163 = arith.constant 0 : i32
        %while3A_164 = arith.subi %min3A_161, %while3A_163 : i32
        %while3A_165 = arith.addi %while3A_163, %while3A_164 : i32
        %while3A_166 = arith.constant 1 : i32
        %while3A_167 = arith.divsi %while3A_164, %while3A_166 : i32
        %while3A_168 = arith.muli %while3A_167, %while3A_166 : i32
        %while3A_169 = arith.addi %while3A_163, %while3A_168 : i32
        %while3A_170 = arith.constant 1 : i32
        scf.for %while3A_172 = %while3A_163 to %while3A_169 step %while3A_170  : i32 {
          %dma_wait3A_173 = arith.constant 0 : i32
          %dma_wait3A_174 = tpu.memref_slice %arg15[%dma_wait3A_173] : memref<512xf32, #tpu.memory_space<vmem>> -> memref<64xf32, #tpu.memory_space<vmem>>
          %dma_wait3A_175 = arith.constant 0 : i32
          %dma_wait3A_176 = tpu.memref_slice %arg6[%dma_wait3A_175] : memref<1048592xf32, #tpu.memory_space<hbm>> -> memref<64xf32, #tpu.memory_space<hbm>>
          %dma_wait3A_177 = arith.constant 0 : i32
          %dma_wait3A_178 = tpu.memref_slice %arg6[%dma_wait3A_177] : memref<1048592xf32, #tpu.memory_space<hbm>> -> memref<64xf32, #tpu.memory_space<hbm>>
          %dma_wait3A_179 = arith.constant 0 : i32
          %dma_wait3A_180 = tpu.memref_slice %arg15[%dma_wait3A_179] : memref<512xf32, #tpu.memory_space<vmem>> -> memref<64xf32, #tpu.memory_space<vmem>>
          tpu.wait_dma2 semaphore(%arg19 : memref<!tpu.dma_semaphore, #tpu.memory_space<semaphore_mem>>) src(%dma_wait3A_180 : memref<64xf32, #tpu.memory_space<vmem>>) dst(%dma_wait3A_178 : memref<64xf32, #tpu.memory_space<hbm>>)
        }
        %while3A_171 = arith.constant 1 : i32
        scf.for %while3A_172 = %while3A_169 to %while3A_165 step %while3A_171  : i32 {
          %dma_wait3A_173 = arith.constant 0 : i32
          %dma_wait3A_174 = tpu.memref_slice %arg15[%dma_wait3A_173] : memref<512xf32, #tpu.memory_space<vmem>> -> memref<64xf32, #tpu.memory_space<vmem>>
          %dma_wait3A_175 = arith.constant 0 : i32
          %dma_wait3A_176 = tpu.memref_slice %arg6[%dma_wait3A_175] : memref<1048592xf32, #tpu.memory_space<hbm>> -> memref<64xf32, #tpu.memory_space<hbm>>
          %dma_wait3A_177 = arith.constant 0 : i32
          %dma_wait3A_178 = tpu.memref_slice %arg6[%dma_wait3A_177] : memref<1048592xf32, #tpu.memory_space<hbm>> -> memref<64xf32, #tpu.memory_space<hbm>>
          %dma_wait3A_179 = arith.constant 0 : i32
          %dma_wait3A_180 = tpu.memref_slice %arg15[%dma_wait3A_179] : memref<512xf32, #tpu.memory_space<vmem>> -> memref<64xf32, #tpu.memory_space<vmem>>
          tpu.wait_dma2 semaphore(%arg19 : memref<!tpu.dma_semaphore, #tpu.memory_space<semaphore_mem>>) src(%dma_wait3A_180 : memref<64xf32, #tpu.memory_space<vmem>>) dst(%dma_wait3A_178 : memref<64xf32, #tpu.memory_space<hbm>>)
        }
      } else {
      }
    }
    %scan3A_56 = arith.constant 32 : i32
    %while3A = arith.constant 999936 : i32
    %while3A_57 = arith.constant 1000000 : i32
    %while3A_58 = arith.constant 0 : i32
    %while3A_59 = arith.constant 0 : i32
    %while3A_60 = arith.subi %select_n3A_48, %while3A_58 : i32
    %while3A_61 = arith.addi %while3A_58, %while3A_60 : i32
    %while3A_62 = arith.constant 1 : i32
    %while3A_63 = arith.divsi %while3A_60, %while3A_62 : i32
    %while3A_64 = arith.muli %while3A_63, %while3A_62 : i32
    %while3A_65 = arith.addi %while3A_58, %while3A_64 : i32
    %while3A_66 = arith.constant 1 : i32
    %while3A_67 = scf.for %while3A_95 = %while3A_58 to %while3A_65 step %while3A_66 iter_args(%while3A_96 = %while3A_59) -> (i32)  : i32 {
      %mul3A_97 = arith.constant 16 : i32
      %mul3A_98 = arith.muli %while3A_95, %mul3A_97 : i32
      %get3A = arith.index_cast %mul3A_98 : i32 to index
      %get3A_99 = tpu.vector_load %arg9[%get3A] {strides = array<i32>} : memref<16400xi32, #tpu.memory_space<vmem>>, vector<16xi32>,
      %mul3A_100 = arith.constant 16 : i32
      %mul3A_101 = arith.muli %while3A_95, %mul3A_100 : i32
      %get3A_102 = arith.index_cast %mul3A_101 : i32 to index
      %get3A_103 = tpu.vector_load %arg10[%get3A_102] {strides = array<i32>} : memref<16400xi32, #tpu.memory_space<vmem>>, vector<16xi32>,
      %ge3A = vector.broadcast %while3A : i32 to vector<16xi32>
      %ge3A_104 = arith.cmpi sge, %get3A_99, %ge3A : vector<16xi32>
      %lt3A_105 = vector.broadcast %while3A_57 : i32 to vector<16xi32>
      %lt3A_106 = arith.cmpi slt, %get3A_99, %lt3A_105 : vector<16xi32>
      %and3A_107 = arith.andi %ge3A_104, %lt3A_106 : vector<16xi1>
      %mul3A_108 = arith.constant 16 : i32
      %mul3A_109 = arith.muli %while3A_95, %mul3A_108 : i32
      %add3A_110 = vector.broadcast %mul3A_109 : i32 to vector<16xi32>
      %add3A_111 = arith.addi %add3A_110, %iota3A : vector<16xi32>
      %lt3A_112 = arith.cmpi slt, %add3A_111, %broadcast_in_dim3A : vector<16xi32>
      %and3A_113 = arith.andi %and3A_107, %lt3A_112 : vector<16xi1>
      %swap3A = arith.index_cast %while3A_96 : i32 to index
      %swap3A_114 = tpu.vector_load %arg13[%swap3A] masked %and3A_113 {strides = array<i32>} : memref<528xi32, #tpu.memory_space<vmem>>, vector<16xi32>, vector<16xi1>
      tpu.vector_store %arg13[%swap3A], %get3A_99 masked %and3A_113 {strides = array<i32>} : memref<528xi32, #tpu.memory_space<vmem>>, vector<16xi32>, vector<16xi1>
      %swap3A_115 = arith.index_cast %while3A_96 : i32 to index
      %swap3A_116 = tpu.vector_load %arg14[%swap3A_115] masked %and3A_113 {strides = array<i32>} : memref<528xi32, #tpu.memory_space<vmem>>, vector<16xi32>, vector<16xi1>
      tpu.vector_store %arg14[%swap3A_115], %get3A_103 masked %and3A_113 {strides = array<i32>} : memref<528xi32, #tpu.memory_space<vmem>>, vector<16xi32>, vector<16xi1>
      %convert_element_type3A_117 = arith.extui %and3A_113 : vector<16xi1> to vector<16xi32>
      %reduce_sum3A = arith.constant true
      %reduce_sum3A_118 = vector.broadcast %reduce_sum3A : i1 to vector<16xi1>
      %reduce_sum3A_119 = tpu.scan <sum>, %convert_element_type3A_117 masked %reduce_sum3A_118 : vector<16xi32>, vector<16xi1> -> vector<16xi32>
      %reduce_sum3A_120 = vector.extract %reduce_sum3A_119[15] : i32 from vector<16xi32>
      %add3A_121 = arith.addi %while3A_96, %reduce_sum3A_120 : i32
      %ge3A_122 = arith.constant 512 : i32
      %ge3A_123 = arith.cmpi sge, %add3A_121, %ge3A_122 : i32
      %convert_element_type3A_124 = arith.extui %ge3A_123 : i1 to i32
      %cond3A_125 = arith.constant 0 : i32
      %cond3A_126 = arith.cmpi ne, %convert_element_type3A_124, %cond3A_125 : i32
      %cond3A_127 = scf.if %cond3A_126 -> (i32) {
        %while3A_128 = arith.constant 0 : i32
        %while3A_129 = arith.constant 0 : i32
        %while3A_130 = arith.subi %add3A_121, %while3A_129 : i32
        %while3A_131 = arith.addi %while3A_129, %while3A_130 : i32
        %while3A_132 = arith.constant 1 : i32
        %while3A_133 = arith.divsi %while3A_130, %while3A_132 : i32
        %while3A_134 = arith.muli %while3A_133, %while3A_132 : i32
        %while3A_135 = arith.addi %while3A_129, %while3A_134 : i32
        %while3A_136 = arith.constant 1 : i32
        scf.for %while3A_151 = %while3A_129 to %while3A_135 step %while3A_136  : i32 {
          %ge3A_152 = arith.constant 8 : i32
          %ge3A_153 = arith.cmpi sge, %while3A_151, %ge3A_152 : i32
          %convert_element_type3A_154 = arith.extui %ge3A_153 : i1 to i32
          %cond3A_155 = arith.constant 0 : i32
          %cond3A_156 = arith.cmpi ne, %convert_element_type3A_154, %cond3A_155 : i32
          scf.if %cond3A_156 {
            %dma_wait3A_227 = arith.constant 0 : i32
            %dma_wait3A_228 = tpu.memref_slice %arg15[%dma_wait3A_227] : memref<512xf32, #tpu.memory_space<vmem>> -> memref<64xf32, #tpu.memory_space<vmem>>
            %dma_wait3A_229 = arith.constant 0 : i32
            %dma_wait3A_230 = tpu.memref_slice %arg6[%dma_wait3A_229] : memref<1048592xf32, #tpu.memory_space<hbm>> -> memref<64xf32, #tpu.memory_space<hbm>>
            %dma_wait3A_231 = arith.constant 0 : i32
            %dma_wait3A_232 = tpu.memref_slice %arg6[%dma_wait3A_231] : memref<1048592xf32, #tpu.memory_space<hbm>> -> memref<64xf32, #tpu.memory_space<hbm>>
            %dma_wait3A_233 = arith.constant 0 : i32
            %dma_wait3A_234 = tpu.memref_slice %arg15[%dma_wait3A_233] : memref<512xf32, #tpu.memory_space<vmem>> -> memref<64xf32, #tpu.memory_space<vmem>>
            tpu.wait_dma2 semaphore(%arg19 : memref<!tpu.dma_semaphore, #tpu.memory_space<semaphore_mem>>) src(%dma_wait3A_234 : memref<64xf32, #tpu.memory_space<vmem>>) dst(%dma_wait3A_232 : memref<64xf32, #tpu.memory_space<hbm>>)
          } else {
          }
          %broadcast_in_dim3A_157 = vector.broadcast %while3A_151 : i32 to vector<16xi32>
          %gather3A = tpu.vector_load_idx %arg13[%broadcast_in_dim3A_157] : memref<528xi32, #tpu.memory_space<vmem>>[vector<16xi32>], vector<16xi32>,
          %sub3A_158 = vector.broadcast %while3A : i32 to vector<16xi32>
          %sub3A_159 = arith.subi %gather3A, %sub3A_158 : vector<16xi32>
          %gather3A_160 = tpu.vector_load_idx %arg14[%broadcast_in_dim3A_157] : memref<528xi32, #tpu.memory_space<vmem>>[vector<16xi32>], vector<16xi32>,
          %eq3A_161 = arith.constant 0 : i32
          %eq3A_162 = vector.broadcast %eq3A_161 : i32 to vector<16xi32>
          %eq3A_163 = arith.cmpi eq, %iota3A, %eq3A_162 : vector<16xi32>
          %jit3A_164 = arith.constant 0 : i32
          %broadcast_in_dim3A_165 = vector.broadcast %jit3A_164 : i32 to vector<16xi32>
          %select_n3A_166 = arith.select %eq3A_163, %gather3A_160, %broadcast_in_dim3A_165 : vector<16xi1>, vector<16xi32>
          %reduce_sum3A_167 = arith.constant true
          %reduce_sum3A_168 = vector.broadcast %reduce_sum3A_167 : i1 to vector<16xi1>
          %reduce_sum3A_169 = tpu.scan <sum>, %select_n3A_166 masked %reduce_sum3A_168 : vector<16xi32>, vector<16xi1> -> vector<16xi32>
          %reduce_sum3A_170 = vector.extract %reduce_sum3A_169[15] : i32 from vector<16xi32>
          %jit3A_171 = arith.constant 8 : i32
          %eq3A_172 = arith.constant 0 : i32
          %eq3A_173 = arith.cmpi eq, %jit3A_171, %eq3A_172 : i32
          %jit3A_174 = arith.constant 1 : i32
          %select_n3A_175 = arith.select %eq3A_173, %jit3A_174, %jit3A_171 : i32
          %rem3A_176 = arith.remsi %while3A_151, %select_n3A_175 : i32
          %ne3A_177 = arith.constant 0 : i32
          %ne3A_178 = arith.cmpi ne, %rem3A_176, %ne3A_177 : i32
          %lt3A_179 = arith.constant 0 : i32
          %lt3A_180 = arith.cmpi slt, %rem3A_176, %lt3A_179 : i32
          %lt3A_181 = arith.constant 0 : i32
          %lt3A_182 = arith.cmpi slt, %select_n3A_175, %lt3A_181 : i32
          %ne3A_183 = arith.xori %lt3A_180, %lt3A_182 : i1
          %and3A_184 = arith.andi %ne3A_183, %ne3A_178 : i1
          %add3A_185 = arith.addi %rem3A_176, %select_n3A_175 : i32
          %select_n3A_186 = arith.select %and3A_184, %add3A_185, %rem3A_176 : i32
          %mul3A_187 = arith.constant 64 : i32
          %mul3A_188 = arith.muli %select_n3A_186, %mul3A_187 : i32
          %add3A_189 = arith.constant 0 : i32
          %add3A_190 = vector.broadcast %add3A_189 : i32 to vector<16xi32>
          %add3A_191 = arith.addi %iota3A, %add3A_190 : vector<16xi32>
          %gather3A_192 = tpu.vector_load_idx %arg12[%add3A_191, %sub3A_159] : memref<64x64xf32, #tpu.memory_space<vmem>>[vector<16xi32>, vector<16xi32>], vector<16xf32>,
          %add3A_193 = arith.constant 0 : i32
          %add3A_194 = arith.addi %mul3A_188, %add3A_193 : i32
          %swap3A_195 = arith.index_cast %add3A_194 : i32 to index
          %swap3A_196 = tpu.vector_load %arg15[%swap3A_195] {strides = array<i32>} : memref<512xf32, #tpu.memory_space<vmem>>, vector<16xf32>,
          tpu.vector_store %arg15[%swap3A_195], %gather3A_192 {strides = array<i32>} : memref<512xf32, #tpu.memory_space<vmem>>, vector<16xf32>,
          %add3A_197 = arith.constant 16 : i32
          %add3A_198 = vector.broadcast %add3A_197 : i32 to vector<16xi32>
          %add3A_199 = arith.addi %iota3A, %add3A_198 : vector<16xi32>
          %gather3A_200 = tpu.vector_load_idx %arg12[%add3A_199, %sub3A_159] : memref<64x64xf32, #tpu.memory_space<vmem>>[vector<16xi32>, vector<16xi32>], vector<16xf32>,
          %add3A_201 = arith.constant 16 : i32
          %add3A_202 = arith.addi %mul3A_188, %add3A_201 : i32
          %swap3A_203 = arith.index_cast %add3A_202 : i32 to index
          %swap3A_204 = tpu.vector_load %arg15[%swap3A_203] {strides = array<i32>} : memref<512xf32, #tpu.memory_space<vmem>>, vector<16xf32>,
          tpu.vector_store %arg15[%swap3A_203], %gather3A_200 {strides = array<i32>} : memref<512xf32, #tpu.memory_space<vmem>>, vector<16xf32>,
          %add3A_205 = arith.constant 32 : i32
          %add3A_206 = vector.broadcast %add3A_205 : i32 to vector<16xi32>
          %add3A_207 = arith.addi %iota3A, %add3A_206 : vector<16xi32>
          %gather3A_208 = tpu.vector_load_idx %arg12[%add3A_207, %sub3A_159] : memref<64x64xf32, #tpu.memory_space<vmem>>[vector<16xi32>, vector<16xi32>], vector<16xf32>,
          %add3A_209 = arith.constant 32 : i32
          %add3A_210 = arith.addi %mul3A_188, %add3A_209 : i32
          %swap3A_211 = arith.index_cast %add3A_210 : i32 to index
          %swap3A_212 = tpu.vector_load %arg15[%swap3A_211] {strides = array<i32>} : memref<512xf32, #tpu.memory_space<vmem>>, vector<16xf32>,
          tpu.vector_store %arg15[%swap3A_211], %gather3A_208 {strides = array<i32>} : memref<512xf32, #tpu.memory_space<vmem>>, vector<16xf32>,
          %add3A_213 = arith.constant 48 : i32
          %add3A_214 = vector.broadcast %add3A_213 : i32 to vector<16xi32>
          %add3A_215 = arith.addi %iota3A, %add3A_214 : vector<16xi32>
          %gather3A_216 = tpu.vector_load_idx %arg12[%add3A_215, %sub3A_159] : memref<64x64xf32, #tpu.memory_space<vmem>>[vector<16xi32>, vector<16xi32>], vector<16xf32>,
          %add3A_217 = arith.constant 48 : i32
          %add3A_218 = arith.addi %mul3A_188, %add3A_217 : i32
          %swap3A_219 = arith.index_cast %add3A_218 : i32 to index
          %swap3A_220 = tpu.vector_load %arg15[%swap3A_219] {strides = array<i32>} : memref<512xf32, #tpu.memory_space<vmem>>, vector<16xf32>,
          tpu.vector_store %arg15[%swap3A_219], %gather3A_216 {strides = array<i32>} : memref<512xf32, #tpu.memory_space<vmem>>, vector<16xf32>,
          %mul3A_221 = arith.constant 64 : i32
          %mul3A_222 = arith.muli %reduce_sum3A_170, %mul3A_221 : i32
          %dma_start3A_223 = tpu.memref_slice %arg15[%mul3A_188] : memref<512xf32, #tpu.memory_space<vmem>> -> memref<64xf32, #tpu.memory_space<vmem>>
          %dma_start3A_224 = tpu.memref_slice %arg6[%mul3A_222] : memref<1048592xf32, #tpu.memory_space<hbm>> -> memref<64xf32, #tpu.memory_space<hbm>>
          %dma_start3A_225 = tpu.memref_slice %arg6[%mul3A_222] : memref<1048592xf32, #tpu.memory_space<hbm>> -> memref<64xf32, #tpu.memory_space<hbm>>
          %dma_start3A_226 = tpu.memref_slice %arg15[%mul3A_188] : memref<512xf32, #tpu.memory_space<vmem>> -> memref<64xf32, #tpu.memory_space<vmem>>
          tpu.enqueue_dma source(%dma_start3A_226 : memref<64xf32, #tpu.memory_space<vmem>>) target(%dma_start3A_225 : memref<64xf32, #tpu.memory_space<hbm>>) target_semaphore(%arg19 : memref<!tpu.dma_semaphore, #tpu.memory_space<semaphore_mem>>)
        }
        %while3A_137 = arith.constant 1 : i32
        scf.for %while3A_151 = %while3A_135 to %while3A_131 step %while3A_137  : i32 {
          %ge3A_152 = arith.constant 8 : i32
          %ge3A_153 = arith.cmpi sge, %while3A_151, %ge3A_152 : i32
          %convert_element_type3A_154 = arith.extui %ge3A_153 : i1 to i32
          %cond3A_155 = arith.constant 0 : i32
          %cond3A_156 = arith.cmpi ne, %convert_element_type3A_154, %cond3A_155 : i32
          scf.if %cond3A_156 {
            %dma_wait3A_227 = arith.constant 0 : i32
            %dma_wait3A_228 = tpu.memref_slice %arg15[%dma_wait3A_227] : memref<512xf32, #tpu.memory_space<vmem>> -> memref<64xf32, #tpu.memory_space<vmem>>
            %dma_wait3A_229 = arith.constant 0 : i32
            %dma_wait3A_230 = tpu.memref_slice %arg6[%dma_wait3A_229] : memref<1048592xf32, #tpu.memory_space<hbm>> -> memref<64xf32, #tpu.memory_space<hbm>>
            %dma_wait3A_231 = arith.constant 0 : i32
            %dma_wait3A_232 = tpu.memref_slice %arg6[%dma_wait3A_231] : memref<1048592xf32, #tpu.memory_space<hbm>> -> memref<64xf32, #tpu.memory_space<hbm>>
            %dma_wait3A_233 = arith.constant 0 : i32
            %dma_wait3A_234 = tpu.memref_slice %arg15[%dma_wait3A_233] : memref<512xf32, #tpu.memory_space<vmem>> -> memref<64xf32, #tpu.memory_space<vmem>>
            tpu.wait_dma2 semaphore(%arg19 : memref<!tpu.dma_semaphore, #tpu.memory_space<semaphore_mem>>) src(%dma_wait3A_234 : memref<64xf32, #tpu.memory_space<vmem>>) dst(%dma_wait3A_232 : memref<64xf32, #tpu.memory_space<hbm>>)
          } else {
          }
          %broadcast_in_dim3A_157 = vector.broadcast %while3A_151 : i32 to vector<16xi32>
          %gather3A = tpu.vector_load_idx %arg13[%broadcast_in_dim3A_157] : memref<528xi32, #tpu.memory_space<vmem>>[vector<16xi32>], vector<16xi32>,
          %sub3A_158 = vector.broadcast %while3A : i32 to vector<16xi32>
          %sub3A_159 = arith.subi %gather3A, %sub3A_158 : vector<16xi32>
          %gather3A_160 = tpu.vector_load_idx %arg14[%broadcast_in_dim3A_157] : memref<528xi32, #tpu.memory_space<vmem>>[vector<16xi32>], vector<16xi32>,
          %eq3A_161 = arith.constant 0 : i32
          %eq3A_162 = vector.broadcast %eq3A_161 : i32 to vector<16xi32>
          %eq3A_163 = arith.cmpi eq, %iota3A, %eq3A_162 : vector<16xi32>
          %jit3A_164 = arith.constant 0 : i32
          %broadcast_in_dim3A_165 = vector.broadcast %jit3A_164 : i32 to vector<16xi32>
          %select_n3A_166 = arith.select %eq3A_163, %gather3A_160, %broadcast_in_dim3A_165 : vector<16xi1>, vector<16xi32>
          %reduce_sum3A_167 = arith.constant true
          %reduce_sum3A_168 = vector.broadcast %reduce_sum3A_167 : i1 to vector<16xi1>
          %reduce_sum3A_169 = tpu.scan <sum>, %select_n3A_166 masked %reduce_sum3A_168 : vector<16xi32>, vector<16xi1> -> vector<16xi32>
          %reduce_sum3A_170 = vector.extract %reduce_sum3A_169[15] : i32 from vector<16xi32>
          %jit3A_171 = arith.constant 8 : i32
          %eq3A_172 = arith.constant 0 : i32
          %eq3A_173 = arith.cmpi eq, %jit3A_171, %eq3A_172 : i32
          %jit3A_174 = arith.constant 1 : i32
          %select_n3A_175 = arith.select %eq3A_173, %jit3A_174, %jit3A_171 : i32
          %rem3A_176 = arith.remsi %while3A_151, %select_n3A_175 : i32
          %ne3A_177 = arith.constant 0 : i32
          %ne3A_178 = arith.cmpi ne, %rem3A_176, %ne3A_177 : i32
          %lt3A_179 = arith.constant 0 : i32
          %lt3A_180 = arith.cmpi slt, %rem3A_176, %lt3A_179 : i32
          %lt3A_181 = arith.constant 0 : i32
          %lt3A_182 = arith.cmpi slt, %select_n3A_175, %lt3A_181 : i32
          %ne3A_183 = arith.xori %lt3A_180, %lt3A_182 : i1
          %and3A_184 = arith.andi %ne3A_183, %ne3A_178 : i1
          %add3A_185 = arith.addi %rem3A_176, %select_n3A_175 : i32
          %select_n3A_186 = arith.select %and3A_184, %add3A_185, %rem3A_176 : i32
          %mul3A_187 = arith.constant 64 : i32
          %mul3A_188 = arith.muli %select_n3A_186, %mul3A_187 : i32
          %add3A_189 = arith.constant 0 : i32
          %add3A_190 = vector.broadcast %add3A_189 : i32 to vector<16xi32>
          %add3A_191 = arith.addi %iota3A, %add3A_190 : vector<16xi32>
          %gather3A_192 = tpu.vector_load_idx %arg12[%add3A_191, %sub3A_159] : memref<64x64xf32, #tpu.memory_space<vmem>>[vector<16xi32>, vector<16xi32>], vector<16xf32>,
          %add3A_193 = arith.constant 0 : i32
          %add3A_194 = arith.addi %mul3A_188, %add3A_193 : i32
          %swap3A_195 = arith.index_cast %add3A_194 : i32 to index
          %swap3A_196 = tpu.vector_load %arg15[%swap3A_195] {strides = array<i32>} : memref<512xf32, #tpu.memory_space<vmem>>, vector<16xf32>,
          tpu.vector_store %arg15[%swap3A_195], %gather3A_192 {strides = array<i32>} : memref<512xf32, #tpu.memory_space<vmem>>, vector<16xf32>,
          %add3A_197 = arith.constant 16 : i32
          %add3A_198 = vector.broadcast %add3A_197 : i32 to vector<16xi32>
          %add3A_199 = arith.addi %iota3A, %add3A_198 : vector<16xi32>
          %gather3A_200 = tpu.vector_load_idx %arg12[%add3A_199, %sub3A_159] : memref<64x64xf32, #tpu.memory_space<vmem>>[vector<16xi32>, vector<16xi32>], vector<16xf32>,
          %add3A_201 = arith.constant 16 : i32
          %add3A_202 = arith.addi %mul3A_188, %add3A_201 : i32
          %swap3A_203 = arith.index_cast %add3A_202 : i32 to index
          %swap3A_204 = tpu.vector_load %arg15[%swap3A_203] {strides = array<i32>} : memref<512xf32, #tpu.memory_space<vmem>>, vector<16xf32>,
          tpu.vector_store %arg15[%swap3A_203], %gather3A_200 {strides = array<i32>} : memref<512xf32, #tpu.memory_space<vmem>>, vector<16xf32>,
          %add3A_205 = arith.constant 32 : i32
          %add3A_206 = vector.broadcast %add3A_205 : i32 to vector<16xi32>
          %add3A_207 = arith.addi %iota3A, %add3A_206 : vector<16xi32>
          %gather3A_208 = tpu.vector_load_idx %arg12[%add3A_207, %sub3A_159] : memref<64x64xf32, #tpu.memory_space<vmem>>[vector<16xi32>, vector<16xi32>], vector<16xf32>,
          %add3A_209 = arith.constant 32 : i32
          %add3A_210 = arith.addi %mul3A_188, %add3A_209 : i32
          %swap3A_211 = arith.index_cast %add3A_210 : i32 to index
          %swap3A_212 = tpu.vector_load %arg15[%swap3A_211] {strides = array<i32>} : memref<512xf32, #tpu.memory_space<vmem>>, vector<16xf32>,
          tpu.vector_store %arg15[%swap3A_211], %gather3A_208 {strides = array<i32>} : memref<512xf32, #tpu.memory_space<vmem>>, vector<16xf32>,
          %add3A_213 = arith.constant 48 : i32
          %add3A_214 = vector.broadcast %add3A_213 : i32 to vector<16xi32>
          %add3A_215 = arith.addi %iota3A, %add3A_214 : vector<16xi32>
          %gather3A_216 = tpu.vector_load_idx %arg12[%add3A_215, %sub3A_159] : memref<64x64xf32, #tpu.memory_space<vmem>>[vector<16xi32>, vector<16xi32>], vector<16xf32>,
          %add3A_217 = arith.constant 48 : i32
          %add3A_218 = arith.addi %mul3A_188, %add3A_217 : i32
          %swap3A_219 = arith.index_cast %add3A_218 : i32 to index
          %swap3A_220 = tpu.vector_load %arg15[%swap3A_219] {strides = array<i32>} : memref<512xf32, #tpu.memory_space<vmem>>, vector<16xf32>,
          tpu.vector_store %arg15[%swap3A_219], %gather3A_216 {strides = array<i32>} : memref<512xf32, #tpu.memory_space<vmem>>, vector<16xf32>,
          %mul3A_221 = arith.constant 64 : i32
          %mul3A_222 = arith.muli %reduce_sum3A_170, %mul3A_221 : i32
          %dma_start3A_223 = tpu.memref_slice %arg15[%mul3A_188] : memref<512xf32, #tpu.memory_space<vmem>> -> memref<64xf32, #tpu.memory_space<vmem>>
          %dma_start3A_224 = tpu.memref_slice %arg6[%mul3A_222] : memref<1048592xf32, #tpu.memory_space<hbm>> -> memref<64xf32, #tpu.memory_space<hbm>>
          %dma_start3A_225 = tpu.memref_slice %arg6[%mul3A_222] : memref<1048592xf32, #tpu.memory_space<hbm>> -> memref<64xf32, #tpu.memory_space<hbm>>
          %dma_start3A_226 = tpu.memref_slice %arg15[%mul3A_188] : memref<512xf32, #tpu.memory_space<vmem>> -> memref<64xf32, #tpu.memory_space<vmem>>
          tpu.enqueue_dma source(%dma_start3A_226 : memref<64xf32, #tpu.memory_space<vmem>>) target(%dma_start3A_225 : memref<64xf32, #tpu.memory_space<hbm>>) target_semaphore(%arg19 : memref<!tpu.dma_semaphore, #tpu.memory_space<semaphore_mem>>)
        }
        %min3A_138 = arith.constant 8 : i32
        %min3A_139 = arith.minsi %add3A_121, %min3A_138 : i32
        %while3A_140 = arith.constant 0 : i32
        %while3A_141 = arith.constant 0 : i32
        %while3A_142 = arith.subi %min3A_139, %while3A_141 : i32
        %while3A_143 = arith.addi %while3A_141, %while3A_142 : i32
        %while3A_144 = arith.constant 1 : i32
        %while3A_145 = arith.divsi %while3A_142, %while3A_144 : i32
        %while3A_146 = arith.muli %while3A_145, %while3A_144 : i32
        %while3A_147 = arith.addi %while3A_141, %while3A_146 : i32
        %while3A_148 = arith.constant 1 : i32
        scf.for %while3A_151 = %while3A_141 to %while3A_147 step %while3A_148  : i32 {
          %dma_wait3A_152 = arith.constant 0 : i32
          %dma_wait3A_153 = tpu.memref_slice %arg15[%dma_wait3A_152] : memref<512xf32, #tpu.memory_space<vmem>> -> memref<64xf32, #tpu.memory_space<vmem>>
          %dma_wait3A_154 = arith.constant 0 : i32
          %dma_wait3A_155 = tpu.memref_slice %arg6[%dma_wait3A_154] : memref<1048592xf32, #tpu.memory_space<hbm>> -> memref<64xf32, #tpu.memory_space<hbm>>
          %dma_wait3A_156 = arith.constant 0 : i32
          %dma_wait3A_157 = tpu.memref_slice %arg6[%dma_wait3A_156] : memref<1048592xf32, #tpu.memory_space<hbm>> -> memref<64xf32, #tpu.memory_space<hbm>>
          %dma_wait3A_158 = arith.constant 0 : i32
          %dma_wait3A_159 = tpu.memref_slice %arg15[%dma_wait3A_158] : memref<512xf32, #tpu.memory_space<vmem>> -> memref<64xf32, #tpu.memory_space<vmem>>
          tpu.wait_dma2 semaphore(%arg19 : memref<!tpu.dma_semaphore, #tpu.memory_space<semaphore_mem>>) src(%dma_wait3A_159 : memref<64xf32, #tpu.memory_space<vmem>>) dst(%dma_wait3A_157 : memref<64xf32, #tpu.memory_space<hbm>>)
        }
        %while3A_149 = arith.constant 1 : i32
        scf.for %while3A_151 = %while3A_147 to %while3A_143 step %while3A_149  : i32 {
          %dma_wait3A_152 = arith.constant 0 : i32
          %dma_wait3A_153 = tpu.memref_slice %arg15[%dma_wait3A_152] : memref<512xf32, #tpu.memory_space<vmem>> -> memref<64xf32, #tpu.memory_space<vmem>>
          %dma_wait3A_154 = arith.constant 0 : i32
          %dma_wait3A_155 = tpu.memref_slice %arg6[%dma_wait3A_154] : memref<1048592xf32, #tpu.memory_space<hbm>> -> memref<64xf32, #tpu.memory_space<hbm>>
          %dma_wait3A_156 = arith.constant 0 : i32
          %dma_wait3A_157 = tpu.memref_slice %arg6[%dma_wait3A_156] : memref<1048592xf32, #tpu.memory_space<hbm>> -> memref<64xf32, #tpu.memory_space<hbm>>
          %dma_wait3A_158 = arith.constant 0 : i32
          %dma_wait3A_159 = tpu.memref_slice %arg15[%dma_wait3A_158] : memref<512xf32, #tpu.memory_space<vmem>> -> memref<64xf32, #tpu.memory_space<vmem>>
          tpu.wait_dma2 semaphore(%arg19 : memref<!tpu.dma_semaphore, #tpu.memory_space<semaphore_mem>>) src(%dma_wait3A_159 : memref<64xf32, #tpu.memory_space<vmem>>) dst(%dma_wait3A_157 : memref<64xf32, #tpu.memory_space<hbm>>)
        }
        %cond3A_150 = arith.constant 0 : i32
        scf.yield %cond3A_150 : i32
      } else {
        scf.yield %add3A_121 : i32
      }
      scf.yield %cond3A_127 : i32
    }
    %while3A_68 = arith.constant 1 : i32
    %while3A_69 = scf.for %while3A_95 = %while3A_65 to %while3A_61 step %while3A_68 iter_args(%while3A_96 = %while3A_67) -> (i32)  : i32 {
      %mul3A_97 = arith.constant 16 : i32
      %mul3A_98 = arith.muli %while3A_95, %mul3A_97 : i32
      %get3A = arith.index_cast %mul3A_98 : i32 to index
      %get3A_99 = tpu.vector_load %arg9[%get3A] {strides = array<i32>} : memref<16400xi32, #tpu.memory_space<vmem>>, vector<16xi32>,
      %mul3A_100 = arith.constant 16 : i32
      %mul3A_101 = arith.muli %while3A_95, %mul3A_100 : i32
      %get3A_102 = arith.index_cast %mul3A_101 : i32 to index
      %get3A_103 = tpu.vector_load %arg10[%get3A_102] {strides = array<i32>} : memref<16400xi32, #tpu.memory_space<vmem>>, vector<16xi32>,
      %ge3A = vector.broadcast %while3A : i32 to vector<16xi32>
      %ge3A_104 = arith.cmpi sge, %get3A_99, %ge3A : vector<16xi32>
      %lt3A_105 = vector.broadcast %while3A_57 : i32 to vector<16xi32>
      %lt3A_106 = arith.cmpi slt, %get3A_99, %lt3A_105 : vector<16xi32>
      %and3A_107 = arith.andi %ge3A_104, %lt3A_106 : vector<16xi1>
      %mul3A_108 = arith.constant 16 : i32
      %mul3A_109 = arith.muli %while3A_95, %mul3A_108 : i32
      %add3A_110 = vector.broadcast %mul3A_109 : i32 to vector<16xi32>
      %add3A_111 = arith.addi %add3A_110, %iota3A : vector<16xi32>
      %lt3A_112 = arith.cmpi slt, %add3A_111, %broadcast_in_dim3A : vector<16xi32>
      %and3A_113 = arith.andi %and3A_107, %lt3A_112 : vector<16xi1>
      %swap3A = arith.index_cast %while3A_96 : i32 to index
      %swap3A_114 = tpu.vector_load %arg13[%swap3A] masked %and3A_113 {strides = array<i32>} : memref<528xi32, #tpu.memory_space<vmem>>, vector<16xi32>, vector<16xi1>
      tpu.vector_store %arg13[%swap3A], %get3A_99 masked %and3A_113 {strides = array<i32>} : memref<528xi32, #tpu.memory_space<vmem>>, vector<16xi32>, vector<16xi1>
      %swap3A_115 = arith.index_cast %while3A_96 : i32 to index
      %swap3A_116 = tpu.vector_load %arg14[%swap3A_115] masked %and3A_113 {strides = array<i32>} : memref<528xi32, #tpu.memory_space<vmem>>, vector<16xi32>, vector<16xi1>
      tpu.vector_store %arg14[%swap3A_115], %get3A_103 masked %and3A_113 {strides = array<i32>} : memref<528xi32, #tpu.memory_space<vmem>>, vector<16xi32>, vector<16xi1>
      %convert_element_type3A_117 = arith.extui %and3A_113 : vector<16xi1> to vector<16xi32>
      %reduce_sum3A = arith.constant true
      %reduce_sum3A_118 = vector.broadcast %reduce_sum3A : i1 to vector<16xi1>
      %reduce_sum3A_119 = tpu.scan <sum>, %convert_element_type3A_117 masked %reduce_sum3A_118 : vector<16xi32>, vector<16xi1> -> vector<16xi32>
      %reduce_sum3A_120 = vector.extract %reduce_sum3A_119[15] : i32 from vector<16xi32>
      %add3A_121 = arith.addi %while3A_96, %reduce_sum3A_120 : i32
      %ge3A_122 = arith.constant 512 : i32
      %ge3A_123 = arith.cmpi sge, %add3A_121, %ge3A_122 : i32
      %convert_element_type3A_124 = arith.extui %ge3A_123 : i1 to i32
      %cond3A_125 = arith.constant 0 : i32
      %cond3A_126 = arith.cmpi ne, %convert_element_type3A_124, %cond3A_125 : i32
      %cond3A_127 = scf.if %cond3A_126 -> (i32) {
        %while3A_128 = arith.constant 0 : i32
        %while3A_129 = arith.constant 0 : i32
        %while3A_130 = arith.subi %add3A_121, %while3A_129 : i32
        %while3A_131 = arith.addi %while3A_129, %while3A_130 : i32
        %while3A_132 = arith.constant 1 : i32
        %while3A_133 = arith.divsi %while3A_130, %while3A_132 : i32
        %while3A_134 = arith.muli %while3A_133, %while3A_132 : i32
        %while3A_135 = arith.addi %while3A_129, %while3A_134 : i32
        %while3A_136 = arith.constant 1 : i32
        scf.for %while3A_151 = %while3A_129 to %while3A_135 step %while3A_136  : i32 {
          %ge3A_152 = arith.constant 8 : i32
          %ge3A_153 = arith.cmpi sge, %while3A_151, %ge3A_152 : i32
          %convert_element_type3A_154 = arith.extui %ge3A_153 : i1 to i32
          %cond3A_155 = arith.constant 0 : i32
          %cond3A_156 = arith.cmpi ne, %convert_element_type3A_154, %cond3A_155 : i32
          scf.if %cond3A_156 {
            %dma_wait3A_227 = arith.constant 0 : i32
            %dma_wait3A_228 = tpu.memref_slice %arg15[%dma_wait3A_227] : memref<512xf32, #tpu.memory_space<vmem>> -> memref<64xf32, #tpu.memory_space<vmem>>
            %dma_wait3A_229 = arith.constant 0 : i32
            %dma_wait3A_230 = tpu.memref_slice %arg6[%dma_wait3A_229] : memref<1048592xf32, #tpu.memory_space<hbm>> -> memref<64xf32, #tpu.memory_space<hbm>>
            %dma_wait3A_231 = arith.constant 0 : i32
            %dma_wait3A_232 = tpu.memref_slice %arg6[%dma_wait3A_231] : memref<1048592xf32, #tpu.memory_space<hbm>> -> memref<64xf32, #tpu.memory_space<hbm>>
            %dma_wait3A_233 = arith.constant 0 : i32
            %dma_wait3A_234 = tpu.memref_slice %arg15[%dma_wait3A_233] : memref<512xf32, #tpu.memory_space<vmem>> -> memref<64xf32, #tpu.memory_space<vmem>>
            tpu.wait_dma2 semaphore(%arg19 : memref<!tpu.dma_semaphore, #tpu.memory_space<semaphore_mem>>) src(%dma_wait3A_234 : memref<64xf32, #tpu.memory_space<vmem>>) dst(%dma_wait3A_232 : memref<64xf32, #tpu.memory_space<hbm>>)
          } else {
          }
          %broadcast_in_dim3A_157 = vector.broadcast %while3A_151 : i32 to vector<16xi32>
          %gather3A = tpu.vector_load_idx %arg13[%broadcast_in_dim3A_157] : memref<528xi32, #tpu.memory_space<vmem>>[vector<16xi32>], vector<16xi32>,
          %sub3A_158 = vector.broadcast %while3A : i32 to vector<16xi32>
          %sub3A_159 = arith.subi %gather3A, %sub3A_158 : vector<16xi32>
          %gather3A_160 = tpu.vector_load_idx %arg14[%broadcast_in_dim3A_157] : memref<528xi32, #tpu.memory_space<vmem>>[vector<16xi32>], vector<16xi32>,
          %eq3A_161 = arith.constant 0 : i32
          %eq3A_162 = vector.broadcast %eq3A_161 : i32 to vector<16xi32>
          %eq3A_163 = arith.cmpi eq, %iota3A, %eq3A_162 : vector<16xi32>
          %jit3A_164 = arith.constant 0 : i32
          %broadcast_in_dim3A_165 = vector.broadcast %jit3A_164 : i32 to vector<16xi32>
          %select_n3A_166 = arith.select %eq3A_163, %gather3A_160, %broadcast_in_dim3A_165 : vector<16xi1>, vector<16xi32>
          %reduce_sum3A_167 = arith.constant true
          %reduce_sum3A_168 = vector.broadcast %reduce_sum3A_167 : i1 to vector<16xi1>
          %reduce_sum3A_169 = tpu.scan <sum>, %select_n3A_166 masked %reduce_sum3A_168 : vector<16xi32>, vector<16xi1> -> vector<16xi32>
          %reduce_sum3A_170 = vector.extract %reduce_sum3A_169[15] : i32 from vector<16xi32>
          %jit3A_171 = arith.constant 8 : i32
          %eq3A_172 = arith.constant 0 : i32
          %eq3A_173 = arith.cmpi eq, %jit3A_171, %eq3A_172 : i32
          %jit3A_174 = arith.constant 1 : i32
          %select_n3A_175 = arith.select %eq3A_173, %jit3A_174, %jit3A_171 : i32
          %rem3A_176 = arith.remsi %while3A_151, %select_n3A_175 : i32
          %ne3A_177 = arith.constant 0 : i32
          %ne3A_178 = arith.cmpi ne, %rem3A_176, %ne3A_177 : i32
          %lt3A_179 = arith.constant 0 : i32
          %lt3A_180 = arith.cmpi slt, %rem3A_176, %lt3A_179 : i32
          %lt3A_181 = arith.constant 0 : i32
          %lt3A_182 = arith.cmpi slt, %select_n3A_175, %lt3A_181 : i32
          %ne3A_183 = arith.xori %lt3A_180, %lt3A_182 : i1
          %and3A_184 = arith.andi %ne3A_183, %ne3A_178 : i1
          %add3A_185 = arith.addi %rem3A_176, %select_n3A_175 : i32
          %select_n3A_186 = arith.select %and3A_184, %add3A_185, %rem3A_176 : i32
          %mul3A_187 = arith.constant 64 : i32
          %mul3A_188 = arith.muli %select_n3A_186, %mul3A_187 : i32
          %add3A_189 = arith.constant 0 : i32
          %add3A_190 = vector.broadcast %add3A_189 : i32 to vector<16xi32>
          %add3A_191 = arith.addi %iota3A, %add3A_190 : vector<16xi32>
          %gather3A_192 = tpu.vector_load_idx %arg12[%add3A_191, %sub3A_159] : memref<64x64xf32, #tpu.memory_space<vmem>>[vector<16xi32>, vector<16xi32>], vector<16xf32>,
          %add3A_193 = arith.constant 0 : i32
          %add3A_194 = arith.addi %mul3A_188, %add3A_193 : i32
          %swap3A_195 = arith.index_cast %add3A_194 : i32 to index
          %swap3A_196 = tpu.vector_load %arg15[%swap3A_195] {strides = array<i32>} : memref<512xf32, #tpu.memory_space<vmem>>, vector<16xf32>,
          tpu.vector_store %arg15[%swap3A_195], %gather3A_192 {strides = array<i32>} : memref<512xf32, #tpu.memory_space<vmem>>, vector<16xf32>,
          %add3A_197 = arith.constant 16 : i32
          %add3A_198 = vector.broadcast %add3A_197 : i32 to vector<16xi32>
          %add3A_199 = arith.addi %iota3A, %add3A_198 : vector<16xi32>
          %gather3A_200 = tpu.vector_load_idx %arg12[%add3A_199, %sub3A_159] : memref<64x64xf32, #tpu.memory_space<vmem>>[vector<16xi32>, vector<16xi32>], vector<16xf32>,
          %add3A_201 = arith.constant 16 : i32
          %add3A_202 = arith.addi %mul3A_188, %add3A_201 : i32
          %swap3A_203 = arith.index_cast %add3A_202 : i32 to index
          %swap3A_204 = tpu.vector_load %arg15[%swap3A_203] {strides = array<i32>} : memref<512xf32, #tpu.memory_space<vmem>>, vector<16xf32>,
          tpu.vector_store %arg15[%swap3A_203], %gather3A_200 {strides = array<i32>} : memref<512xf32, #tpu.memory_space<vmem>>, vector<16xf32>,
          %add3A_205 = arith.constant 32 : i32
          %add3A_206 = vector.broadcast %add3A_205 : i32 to vector<16xi32>
          %add3A_207 = arith.addi %iota3A, %add3A_206 : vector<16xi32>
          %gather3A_208 = tpu.vector_load_idx %arg12[%add3A_207, %sub3A_159] : memref<64x64xf32, #tpu.memory_space<vmem>>[vector<16xi32>, vector<16xi32>], vector<16xf32>,
          %add3A_209 = arith.constant 32 : i32
          %add3A_210 = arith.addi %mul3A_188, %add3A_209 : i32
          %swap3A_211 = arith.index_cast %add3A_210 : i32 to index
          %swap3A_212 = tpu.vector_load %arg15[%swap3A_211] {strides = array<i32>} : memref<512xf32, #tpu.memory_space<vmem>>, vector<16xf32>,
          tpu.vector_store %arg15[%swap3A_211], %gather3A_208 {strides = array<i32>} : memref<512xf32, #tpu.memory_space<vmem>>, vector<16xf32>,
          %add3A_213 = arith.constant 48 : i32
          %add3A_214 = vector.broadcast %add3A_213 : i32 to vector<16xi32>
          %add3A_215 = arith.addi %iota3A, %add3A_214 : vector<16xi32>
          %gather3A_216 = tpu.vector_load_idx %arg12[%add3A_215, %sub3A_159] : memref<64x64xf32, #tpu.memory_space<vmem>>[vector<16xi32>, vector<16xi32>], vector<16xf32>,
          %add3A_217 = arith.constant 48 : i32
          %add3A_218 = arith.addi %mul3A_188, %add3A_217 : i32
          %swap3A_219 = arith.index_cast %add3A_218 : i32 to index
          %swap3A_220 = tpu.vector_load %arg15[%swap3A_219] {strides = array<i32>} : memref<512xf32, #tpu.memory_space<vmem>>, vector<16xf32>,
          tpu.vector_store %arg15[%swap3A_219], %gather3A_216 {strides = array<i32>} : memref<512xf32, #tpu.memory_space<vmem>>, vector<16xf32>,
          %mul3A_221 = arith.constant 64 : i32
          %mul3A_222 = arith.muli %reduce_sum3A_170, %mul3A_221 : i32
          %dma_start3A_223 = tpu.memref_slice %arg15[%mul3A_188] : memref<512xf32, #tpu.memory_space<vmem>> -> memref<64xf32, #tpu.memory_space<vmem>>
          %dma_start3A_224 = tpu.memref_slice %arg6[%mul3A_222] : memref<1048592xf32, #tpu.memory_space<hbm>> -> memref<64xf32, #tpu.memory_space<hbm>>
          %dma_start3A_225 = tpu.memref_slice %arg6[%mul3A_222] : memref<1048592xf32, #tpu.memory_space<hbm>> -> memref<64xf32, #tpu.memory_space<hbm>>
          %dma_start3A_226 = tpu.memref_slice %arg15[%mul3A_188] : memref<512xf32, #tpu.memory_space<vmem>> -> memref<64xf32, #tpu.memory_space<vmem>>
          tpu.enqueue_dma source(%dma_start3A_226 : memref<64xf32, #tpu.memory_space<vmem>>) target(%dma_start3A_225 : memref<64xf32, #tpu.memory_space<hbm>>) target_semaphore(%arg19 : memref<!tpu.dma_semaphore, #tpu.memory_space<semaphore_mem>>)
        }
        %while3A_137 = arith.constant 1 : i32
        scf.for %while3A_151 = %while3A_135 to %while3A_131 step %while3A_137  : i32 {
          %ge3A_152 = arith.constant 8 : i32
          %ge3A_153 = arith.cmpi sge, %while3A_151, %ge3A_152 : i32
          %convert_element_type3A_154 = arith.extui %ge3A_153 : i1 to i32
          %cond3A_155 = arith.constant 0 : i32
          %cond3A_156 = arith.cmpi ne, %convert_element_type3A_154, %cond3A_155 : i32
          scf.if %cond3A_156 {
            %dma_wait3A_227 = arith.constant 0 : i32
            %dma_wait3A_228 = tpu.memref_slice %arg15[%dma_wait3A_227] : memref<512xf32, #tpu.memory_space<vmem>> -> memref<64xf32, #tpu.memory_space<vmem>>
            %dma_wait3A_229 = arith.constant 0 : i32
            %dma_wait3A_230 = tpu.memref_slice %arg6[%dma_wait3A_229] : memref<1048592xf32, #tpu.memory_space<hbm>> -> memref<64xf32, #tpu.memory_space<hbm>>
            %dma_wait3A_231 = arith.constant 0 : i32
            %dma_wait3A_232 = tpu.memref_slice %arg6[%dma_wait3A_231] : memref<1048592xf32, #tpu.memory_space<hbm>> -> memref<64xf32, #tpu.memory_space<hbm>>
            %dma_wait3A_233 = arith.constant 0 : i32
            %dma_wait3A_234 = tpu.memref_slice %arg15[%dma_wait3A_233] : memref<512xf32, #tpu.memory_space<vmem>> -> memref<64xf32, #tpu.memory_space<vmem>>
            tpu.wait_dma2 semaphore(%arg19 : memref<!tpu.dma_semaphore, #tpu.memory_space<semaphore_mem>>) src(%dma_wait3A_234 : memref<64xf32, #tpu.memory_space<vmem>>) dst(%dma_wait3A_232 : memref<64xf32, #tpu.memory_space<hbm>>)
          } else {
          }
          %broadcast_in_dim3A_157 = vector.broadcast %while3A_151 : i32 to vector<16xi32>
          %gather3A = tpu.vector_load_idx %arg13[%broadcast_in_dim3A_157] : memref<528xi32, #tpu.memory_space<vmem>>[vector<16xi32>], vector<16xi32>,
          %sub3A_158 = vector.broadcast %while3A : i32 to vector<16xi32>
          %sub3A_159 = arith.subi %gather3A, %sub3A_158 : vector<16xi32>
          %gather3A_160 = tpu.vector_load_idx %arg14[%broadcast_in_dim3A_157] : memref<528xi32, #tpu.memory_space<vmem>>[vector<16xi32>], vector<16xi32>,
          %eq3A_161 = arith.constant 0 : i32
          %eq3A_162 = vector.broadcast %eq3A_161 : i32 to vector<16xi32>
          %eq3A_163 = arith.cmpi eq, %iota3A, %eq3A_162 : vector<16xi32>
          %jit3A_164 = arith.constant 0 : i32
          %broadcast_in_dim3A_165 = vector.broadcast %jit3A_164 : i32 to vector<16xi32>
          %select_n3A_166 = arith.select %eq3A_163, %gather3A_160, %broadcast_in_dim3A_165 : vector<16xi1>, vector<16xi32>
          %reduce_sum3A_167 = arith.constant true
          %reduce_sum3A_168 = vector.broadcast %reduce_sum3A_167 : i1 to vector<16xi1>
          %reduce_sum3A_169 = tpu.scan <sum>, %select_n3A_166 masked %reduce_sum3A_168 : vector<16xi32>, vector<16xi1> -> vector<16xi32>
          %reduce_sum3A_170 = vector.extract %reduce_sum3A_169[15] : i32 from vector<16xi32>
          %jit3A_171 = arith.constant 8 : i32
          %eq3A_172 = arith.constant 0 : i32
          %eq3A_173 = arith.cmpi eq, %jit3A_171, %eq3A_172 : i32
          %jit3A_174 = arith.constant 1 : i32
          %select_n3A_175 = arith.select %eq3A_173, %jit3A_174, %jit3A_171 : i32
          %rem3A_176 = arith.remsi %while3A_151, %select_n3A_175 : i32
          %ne3A_177 = arith.constant 0 : i32
          %ne3A_178 = arith.cmpi ne, %rem3A_176, %ne3A_177 : i32
          %lt3A_179 = arith.constant 0 : i32
          %lt3A_180 = arith.cmpi slt, %rem3A_176, %lt3A_179 : i32
          %lt3A_181 = arith.constant 0 : i32
          %lt3A_182 = arith.cmpi slt, %select_n3A_175, %lt3A_181 : i32
          %ne3A_183 = arith.xori %lt3A_180, %lt3A_182 : i1
          %and3A_184 = arith.andi %ne3A_183, %ne3A_178 : i1
          %add3A_185 = arith.addi %rem3A_176, %select_n3A_175 : i32
          %select_n3A_186 = arith.select %and3A_184, %add3A_185, %rem3A_176 : i32
          %mul3A_187 = arith.constant 64 : i32
          %mul3A_188 = arith.muli %select_n3A_186, %mul3A_187 : i32
          %add3A_189 = arith.constant 0 : i32
          %add3A_190 = vector.broadcast %add3A_189 : i32 to vector<16xi32>
          %add3A_191 = arith.addi %iota3A, %add3A_190 : vector<16xi32>
          %gather3A_192 = tpu.vector_load_idx %arg12[%add3A_191, %sub3A_159] : memref<64x64xf32, #tpu.memory_space<vmem>>[vector<16xi32>, vector<16xi32>], vector<16xf32>,
          %add3A_193 = arith.constant 0 : i32
          %add3A_194 = arith.addi %mul3A_188, %add3A_193 : i32
          %swap3A_195 = arith.index_cast %add3A_194 : i32 to index
          %swap3A_196 = tpu.vector_load %arg15[%swap3A_195] {strides = array<i32>} : memref<512xf32, #tpu.memory_space<vmem>>, vector<16xf32>,
          tpu.vector_store %arg15[%swap3A_195], %gather3A_192 {strides = array<i32>} : memref<512xf32, #tpu.memory_space<vmem>>, vector<16xf32>,
          %add3A_197 = arith.constant 16 : i32
          %add3A_198 = vector.broadcast %add3A_197 : i32 to vector<16xi32>
          %add3A_199 = arith.addi %iota3A, %add3A_198 : vector<16xi32>
          %gather3A_200 = tpu.vector_load_idx %arg12[%add3A_199, %sub3A_159] : memref<64x64xf32, #tpu.memory_space<vmem>>[vector<16xi32>, vector<16xi32>], vector<16xf32>,
          %add3A_201 = arith.constant 16 : i32
          %add3A_202 = arith.addi %mul3A_188, %add3A_201 : i32
          %swap3A_203 = arith.index_cast %add3A_202 : i32 to index
          %swap3A_204 = tpu.vector_load %arg15[%swap3A_203] {strides = array<i32>} : memref<512xf32, #tpu.memory_space<vmem>>, vector<16xf32>,
          tpu.vector_store %arg15[%swap3A_203], %gather3A_200 {strides = array<i32>} : memref<512xf32, #tpu.memory_space<vmem>>, vector<16xf32>,
          %add3A_205 = arith.constant 32 : i32
          %add3A_206 = vector.broadcast %add3A_205 : i32 to vector<16xi32>
          %add3A_207 = arith.addi %iota3A, %add3A_206 : vector<16xi32>
          %gather3A_208 = tpu.vector_load_idx %arg12[%add3A_207, %sub3A_159] : memref<64x64xf32, #tpu.memory_space<vmem>>[vector<16xi32>, vector<16xi32>], vector<16xf32>,
          %add3A_209 = arith.constant 32 : i32
          %add3A_210 = arith.addi %mul3A_188, %add3A_209 : i32
          %swap3A_211 = arith.index_cast %add3A_210 : i32 to index
          %swap3A_212 = tpu.vector_load %arg15[%swap3A_211] {strides = array<i32>} : memref<512xf32, #tpu.memory_space<vmem>>, vector<16xf32>,
          tpu.vector_store %arg15[%swap3A_211], %gather3A_208 {strides = array<i32>} : memref<512xf32, #tpu.memory_space<vmem>>, vector<16xf32>,
          %add3A_213 = arith.constant 48 : i32
          %add3A_214 = vector.broadcast %add3A_213 : i32 to vector<16xi32>
          %add3A_215 = arith.addi %iota3A, %add3A_214 : vector<16xi32>
          %gather3A_216 = tpu.vector_load_idx %arg12[%add3A_215, %sub3A_159] : memref<64x64xf32, #tpu.memory_space<vmem>>[vector<16xi32>, vector<16xi32>], vector<16xf32>,
          %add3A_217 = arith.constant 48 : i32
          %add3A_218 = arith.addi %mul3A_188, %add3A_217 : i32
          %swap3A_219 = arith.index_cast %add3A_218 : i32 to index
          %swap3A_220 = tpu.vector_load %arg15[%swap3A_219] {strides = array<i32>} : memref<512xf32, #tpu.memory_space<vmem>>, vector<16xf32>,
          tpu.vector_store %arg15[%swap3A_219], %gather3A_216 {strides = array<i32>} : memref<512xf32, #tpu.memory_space<vmem>>, vector<16xf32>,
          %mul3A_221 = arith.constant 64 : i32
          %mul3A_222 = arith.muli %reduce_sum3A_170, %mul3A_221 : i32
          %dma_start3A_223 = tpu.memref_slice %arg15[%mul3A_188] : memref<512xf32, #tpu.memory_space<vmem>> -> memref<64xf32, #tpu.memory_space<vmem>>
          %dma_start3A_224 = tpu.memref_slice %arg6[%mul3A_222] : memref<1048592xf32, #tpu.memory_space<hbm>> -> memref<64xf32, #tpu.memory_space<hbm>>
          %dma_start3A_225 = tpu.memref_slice %arg6[%mul3A_222] : memref<1048592xf32, #tpu.memory_space<hbm>> -> memref<64xf32, #tpu.memory_space<hbm>>
          %dma_start3A_226 = tpu.memref_slice %arg15[%mul3A_188] : memref<512xf32, #tpu.memory_space<vmem>> -> memref<64xf32, #tpu.memory_space<vmem>>
          tpu.enqueue_dma source(%dma_start3A_226 : memref<64xf32, #tpu.memory_space<vmem>>) target(%dma_start3A_225 : memref<64xf32, #tpu.memory_space<hbm>>) target_semaphore(%arg19 : memref<!tpu.dma_semaphore, #tpu.memory_space<semaphore_mem>>)
        }
        %min3A_138 = arith.constant 8 : i32
        %min3A_139 = arith.minsi %add3A_121, %min3A_138 : i32
        %while3A_140 = arith.constant 0 : i32
        %while3A_141 = arith.constant 0 : i32
        %while3A_142 = arith.subi %min3A_139, %while3A_141 : i32
        %while3A_143 = arith.addi %while3A_141, %while3A_142 : i32
        %while3A_144 = arith.constant 1 : i32
        %while3A_145 = arith.divsi %while3A_142, %while3A_144 : i32
        %while3A_146 = arith.muli %while3A_145, %while3A_144 : i32
        %while3A_147 = arith.addi %while3A_141, %while3A_146 : i32
        %while3A_148 = arith.constant 1 : i32
        scf.for %while3A_151 = %while3A_141 to %while3A_147 step %while3A_148  : i32 {
          %dma_wait3A_152 = arith.constant 0 : i32
          %dma_wait3A_153 = tpu.memref_slice %arg15[%dma_wait3A_152] : memref<512xf32, #tpu.memory_space<vmem>> -> memref<64xf32, #tpu.memory_space<vmem>>
          %dma_wait3A_154 = arith.constant 0 : i32
          %dma_wait3A_155 = tpu.memref_slice %arg6[%dma_wait3A_154] : memref<1048592xf32, #tpu.memory_space<hbm>> -> memref<64xf32, #tpu.memory_space<hbm>>
          %dma_wait3A_156 = arith.constant 0 : i32
          %dma_wait3A_157 = tpu.memref_slice %arg6[%dma_wait3A_156] : memref<1048592xf32, #tpu.memory_space<hbm>> -> memref<64xf32, #tpu.memory_space<hbm>>
          %dma_wait3A_158 = arith.constant 0 : i32
          %dma_wait3A_159 = tpu.memref_slice %arg15[%dma_wait3A_158] : memref<512xf32, #tpu.memory_space<vmem>> -> memref<64xf32, #tpu.memory_space<vmem>>
          tpu.wait_dma2 semaphore(%arg19 : memref<!tpu.dma_semaphore, #tpu.memory_space<semaphore_mem>>) src(%dma_wait3A_159 : memref<64xf32, #tpu.memory_space<vmem>>) dst(%dma_wait3A_157 : memref<64xf32, #tpu.memory_space<hbm>>)
        }
        %while3A_149 = arith.constant 1 : i32
        scf.for %while3A_151 = %while3A_147 to %while3A_143 step %while3A_149  : i32 {
          %dma_wait3A_152 = arith.constant 0 : i32
          %dma_wait3A_153 = tpu.memref_slice %arg15[%dma_wait3A_152] : memref<512xf32, #tpu.memory_space<vmem>> -> memref<64xf32, #tpu.memory_space<vmem>>
          %dma_wait3A_154 = arith.constant 0 : i32
          %dma_wait3A_155 = tpu.memref_slice %arg6[%dma_wait3A_154] : memref<1048592xf32, #tpu.memory_space<hbm>> -> memref<64xf32, #tpu.memory_space<hbm>>
          %dma_wait3A_156 = arith.constant 0 : i32
          %dma_wait3A_157 = tpu.memref_slice %arg6[%dma_wait3A_156] : memref<1048592xf32, #tpu.memory_space<hbm>> -> memref<64xf32, #tpu.memory_space<hbm>>
          %dma_wait3A_158 = arith.constant 0 : i32
          %dma_wait3A_159 = tpu.memref_slice %arg15[%dma_wait3A_158] : memref<512xf32, #tpu.memory_space<vmem>> -> memref<64xf32, #tpu.memory_space<vmem>>
          tpu.wait_dma2 semaphore(%arg19 : memref<!tpu.dma_semaphore, #tpu.memory_space<semaphore_mem>>) src(%dma_wait3A_159 : memref<64xf32, #tpu.memory_space<vmem>>) dst(%dma_wait3A_157 : memref<64xf32, #tpu.memory_space<hbm>>)
        }
        %cond3A_150 = arith.constant 0 : i32
        scf.yield %cond3A_150 : i32
      } else {
        scf.yield %add3A_121 : i32
      }
      scf.yield %cond3A_127 : i32
    }
    %while3A_70 = arith.constant 0 : i32
    %while3A_71 = arith.constant 999936 : i32
    %while3A_72 = arith.constant 0 : i32
    %while3A_73 = arith.subi %while3A_69, %while3A_72 : i32
    %while3A_74 = arith.addi %while3A_72, %while3A_73 : i32
    %while3A_75 = arith.constant 1 : i32
    %while3A_76 = arith.divsi %while3A_73, %while3A_75 : i32
    %while3A_77 = arith.muli %while3A_76, %while3A_75 : i32
    %while3A_78 = arith.addi %while3A_72, %while3A_77 : i32
    %while3A_79 = arith.constant 1 : i32
    scf.for %while3A_95 = %while3A_72 to %while3A_78 step %while3A_79  : i32 {
      %ge3A = arith.constant 8 : i32
      %ge3A_96 = arith.cmpi sge, %while3A_95, %ge3A : i32
      %convert_element_type3A_97 = arith.extui %ge3A_96 : i1 to i32
      %cond3A_98 = arith.constant 0 : i32
      %cond3A_99 = arith.cmpi ne, %convert_element_type3A_97, %cond3A_98 : i32
      scf.if %cond3A_99 {
        %dma_wait3A_168 = arith.constant 0 : i32
        %dma_wait3A_169 = tpu.memref_slice %arg15[%dma_wait3A_168] : memref<512xf32, #tpu.memory_space<vmem>> -> memref<64xf32, #tpu.memory_space<vmem>>
        %dma_wait3A_170 = arith.constant 0 : i32
        %dma_wait3A_171 = tpu.memref_slice %arg6[%dma_wait3A_170] : memref<1048592xf32, #tpu.memory_space<hbm>> -> memref<64xf32, #tpu.memory_space<hbm>>
        %dma_wait3A_172 = arith.constant 0 : i32
        %dma_wait3A_173 = tpu.memref_slice %arg6[%dma_wait3A_172] : memref<1048592xf32, #tpu.memory_space<hbm>> -> memref<64xf32, #tpu.memory_space<hbm>>
        %dma_wait3A_174 = arith.constant 0 : i32
        %dma_wait3A_175 = tpu.memref_slice %arg15[%dma_wait3A_174] : memref<512xf32, #tpu.memory_space<vmem>> -> memref<64xf32, #tpu.memory_space<vmem>>
        tpu.wait_dma2 semaphore(%arg19 : memref<!tpu.dma_semaphore, #tpu.memory_space<semaphore_mem>>) src(%dma_wait3A_175 : memref<64xf32, #tpu.memory_space<vmem>>) dst(%dma_wait3A_173 : memref<64xf32, #tpu.memory_space<hbm>>)
      } else {
      }
      %broadcast_in_dim3A_100 = vector.broadcast %while3A_95 : i32 to vector<16xi32>
      %gather3A = tpu.vector_load_idx %arg13[%broadcast_in_dim3A_100] : memref<528xi32, #tpu.memory_space<vmem>>[vector<16xi32>], vector<16xi32>,
      %sub3A_101 = vector.broadcast %while3A_71 : i32 to vector<16xi32>
      %sub3A_102 = arith.subi %gather3A, %sub3A_101 : vector<16xi32>
      %gather3A_103 = tpu.vector_load_idx %arg14[%broadcast_in_dim3A_100] : memref<528xi32, #tpu.memory_space<vmem>>[vector<16xi32>], vector<16xi32>,
      %eq3A_104 = arith.constant 0 : i32
      %eq3A_105 = vector.broadcast %eq3A_104 : i32 to vector<16xi32>
      %eq3A_106 = arith.cmpi eq, %iota3A, %eq3A_105 : vector<16xi32>
      %jit3A_107 = arith.constant 0 : i32
      %broadcast_in_dim3A_108 = vector.broadcast %jit3A_107 : i32 to vector<16xi32>
      %select_n3A_109 = arith.select %eq3A_106, %gather3A_103, %broadcast_in_dim3A_108 : vector<16xi1>, vector<16xi32>
      %reduce_sum3A = arith.constant true
      %reduce_sum3A_110 = vector.broadcast %reduce_sum3A : i1 to vector<16xi1>
      %reduce_sum3A_111 = tpu.scan <sum>, %select_n3A_109 masked %reduce_sum3A_110 : vector<16xi32>, vector<16xi1> -> vector<16xi32>
      %reduce_sum3A_112 = vector.extract %reduce_sum3A_111[15] : i32 from vector<16xi32>
      %jit3A_113 = arith.constant 8 : i32
      %eq3A_114 = arith.constant 0 : i32
      %eq3A_115 = arith.cmpi eq, %jit3A_113, %eq3A_114 : i32
      %jit3A_116 = arith.constant 1 : i32
      %select_n3A_117 = arith.select %eq3A_115, %jit3A_116, %jit3A_113 : i32
      %rem3A_118 = arith.remsi %while3A_95, %select_n3A_117 : i32
      %ne3A_119 = arith.constant 0 : i32
      %ne3A_120 = arith.cmpi ne, %rem3A_118, %ne3A_119 : i32
      %lt3A_121 = arith.constant 0 : i32
      %lt3A_122 = arith.cmpi slt, %rem3A_118, %lt3A_121 : i32
      %lt3A_123 = arith.constant 0 : i32
      %lt3A_124 = arith.cmpi slt, %select_n3A_117, %lt3A_123 : i32
      %ne3A_125 = arith.xori %lt3A_122, %lt3A_124 : i1
      %and3A_126 = arith.andi %ne3A_125, %ne3A_120 : i1
      %add3A_127 = arith.addi %rem3A_118, %select_n3A_117 : i32
      %select_n3A_128 = arith.select %and3A_126, %add3A_127, %rem3A_118 : i32
      %mul3A_129 = arith.constant 64 : i32
      %mul3A_130 = arith.muli %select_n3A_128, %mul3A_129 : i32
      %add3A_131 = arith.constant 0 : i32
      %add3A_132 = vector.broadcast %add3A_131 : i32 to vector<16xi32>
      %add3A_133 = arith.addi %iota3A, %add3A_132 : vector<16xi32>
      %gather3A_134 = tpu.vector_load_idx %arg12[%add3A_133, %sub3A_102] : memref<64x64xf32, #tpu.memory_space<vmem>>[vector<16xi32>, vector<16xi32>], vector<16xf32>,
      %add3A_135 = arith.constant 0 : i32
      %add3A_136 = arith.addi %mul3A_130, %add3A_135 : i32
      %swap3A = arith.index_cast %add3A_136 : i32 to index
      %swap3A_137 = tpu.vector_load %arg15[%swap3A] {strides = array<i32>} : memref<512xf32, #tpu.memory_space<vmem>>, vector<16xf32>,
      tpu.vector_store %arg15[%swap3A], %gather3A_134 {strides = array<i32>} : memref<512xf32, #tpu.memory_space<vmem>>, vector<16xf32>,
      %add3A_138 = arith.constant 16 : i32
      %add3A_139 = vector.broadcast %add3A_138 : i32 to vector<16xi32>
      %add3A_140 = arith.addi %iota3A, %add3A_139 : vector<16xi32>
      %gather3A_141 = tpu.vector_load_idx %arg12[%add3A_140, %sub3A_102] : memref<64x64xf32, #tpu.memory_space<vmem>>[vector<16xi32>, vector<16xi32>], vector<16xf32>,
      %add3A_142 = arith.constant 16 : i32
      %add3A_143 = arith.addi %mul3A_130, %add3A_142 : i32
      %swap3A_144 = arith.index_cast %add3A_143 : i32 to index
      %swap3A_145 = tpu.vector_load %arg15[%swap3A_144] {strides = array<i32>} : memref<512xf32, #tpu.memory_space<vmem>>, vector<16xf32>,
      tpu.vector_store %arg15[%swap3A_144], %gather3A_141 {strides = array<i32>} : memref<512xf32, #tpu.memory_space<vmem>>, vector<16xf32>,
      %add3A_146 = arith.constant 32 : i32
      %add3A_147 = vector.broadcast %add3A_146 : i32 to vector<16xi32>
      %add3A_148 = arith.addi %iota3A, %add3A_147 : vector<16xi32>
      %gather3A_149 = tpu.vector_load_idx %arg12[%add3A_148, %sub3A_102] : memref<64x64xf32, #tpu.memory_space<vmem>>[vector<16xi32>, vector<16xi32>], vector<16xf32>,
      %add3A_150 = arith.constant 32 : i32
      %add3A_151 = arith.addi %mul3A_130, %add3A_150 : i32
      %swap3A_152 = arith.index_cast %add3A_151 : i32 to index
      %swap3A_153 = tpu.vector_load %arg15[%swap3A_152] {strides = array<i32>} : memref<512xf32, #tpu.memory_space<vmem>>, vector<16xf32>,
      tpu.vector_store %arg15[%swap3A_152], %gather3A_149 {strides = array<i32>} : memref<512xf32, #tpu.memory_space<vmem>>, vector<16xf32>,
      %add3A_154 = arith.constant 48 : i32
      %add3A_155 = vector.broadcast %add3A_154 : i32 to vector<16xi32>
      %add3A_156 = arith.addi %iota3A, %add3A_155 : vector<16xi32>
      %gather3A_157 = tpu.vector_load_idx %arg12[%add3A_156, %sub3A_102] : memref<64x64xf32, #tpu.memory_space<vmem>>[vector<16xi32>, vector<16xi32>], vector<16xf32>,
      %add3A_158 = arith.constant 48 : i32
      %add3A_159 = arith.addi %mul3A_130, %add3A_158 : i32
      %swap3A_160 = arith.index_cast %add3A_159 : i32 to index
      %swap3A_161 = tpu.vector_load %arg15[%swap3A_160] {strides = array<i32>} : memref<512xf32, #tpu.memory_space<vmem>>, vector<16xf32>,
      tpu.vector_store %arg15[%swap3A_160], %gather3A_157 {strides = array<i32>} : memref<512xf32, #tpu.memory_space<vmem>>, vector<16xf32>,
      %mul3A_162 = arith.constant 64 : i32
      %mul3A_163 = arith.muli %reduce_sum3A_112, %mul3A_162 : i32
      %dma_start3A_164 = tpu.memref_slice %arg15[%mul3A_130] : memref<512xf32, #tpu.memory_space<vmem>> -> memref<64xf32, #tpu.memory_space<vmem>>
      %dma_start3A_165 = tpu.memref_slice %arg6[%mul3A_163] : memref<1048592xf32, #tpu.memory_space<hbm>> -> memref<64xf32, #tpu.memory_space<hbm>>
      %dma_start3A_166 = tpu.memref_slice %arg6[%mul3A_163] : memref<1048592xf32, #tpu.memory_space<hbm>> -> memref<64xf32, #tpu.memory_space<hbm>>
      %dma_start3A_167 = tpu.memref_slice %arg15[%mul3A_130] : memref<512xf32, #tpu.memory_space<vmem>> -> memref<64xf32, #tpu.memory_space<vmem>>
      tpu.enqueue_dma source(%dma_start3A_167 : memref<64xf32, #tpu.memory_space<vmem>>) target(%dma_start3A_166 : memref<64xf32, #tpu.memory_space<hbm>>) target_semaphore(%arg19 : memref<!tpu.dma_semaphore, #tpu.memory_space<semaphore_mem>>)
    }
    %while3A_80 = arith.constant 1 : i32
    scf.for %while3A_95 = %while3A_78 to %while3A_74 step %while3A_80  : i32 {
      %ge3A = arith.constant 8 : i32
      %ge3A_96 = arith.cmpi sge, %while3A_95, %ge3A : i32
      %convert_element_type3A_97 = arith.extui %ge3A_96 : i1 to i32
      %cond3A_98 = arith.constant 0 : i32
      %cond3A_99 = arith.cmpi ne, %convert_element_type3A_97, %cond3A_98 : i32
      scf.if %cond3A_99 {
        %dma_wait3A_168 = arith.constant 0 : i32
        %dma_wait3A_169 = tpu.memref_slice %arg15[%dma_wait3A_168] : memref<512xf32, #tpu.memory_space<vmem>> -> memref<64xf32, #tpu.memory_space<vmem>>
        %dma_wait3A_170 = arith.constant 0 : i32
        %dma_wait3A_171 = tpu.memref_slice %arg6[%dma_wait3A_170] : memref<1048592xf32, #tpu.memory_space<hbm>> -> memref<64xf32, #tpu.memory_space<hbm>>
        %dma_wait3A_172 = arith.constant 0 : i32
        %dma_wait3A_173 = tpu.memref_slice %arg6[%dma_wait3A_172] : memref<1048592xf32, #tpu.memory_space<hbm>> -> memref<64xf32, #tpu.memory_space<hbm>>
        %dma_wait3A_174 = arith.constant 0 : i32
        %dma_wait3A_175 = tpu.memref_slice %arg15[%dma_wait3A_174] : memref<512xf32, #tpu.memory_space<vmem>> -> memref<64xf32, #tpu.memory_space<vmem>>
        tpu.wait_dma2 semaphore(%arg19 : memref<!tpu.dma_semaphore, #tpu.memory_space<semaphore_mem>>) src(%dma_wait3A_175 : memref<64xf32, #tpu.memory_space<vmem>>) dst(%dma_wait3A_173 : memref<64xf32, #tpu.memory_space<hbm>>)
      } else {
      }
      %broadcast_in_dim3A_100 = vector.broadcast %while3A_95 : i32 to vector<16xi32>
      %gather3A = tpu.vector_load_idx %arg13[%broadcast_in_dim3A_100] : memref<528xi32, #tpu.memory_space<vmem>>[vector<16xi32>], vector<16xi32>,
      %sub3A_101 = vector.broadcast %while3A_71 : i32 to vector<16xi32>
      %sub3A_102 = arith.subi %gather3A, %sub3A_101 : vector<16xi32>
      %gather3A_103 = tpu.vector_load_idx %arg14[%broadcast_in_dim3A_100] : memref<528xi32, #tpu.memory_space<vmem>>[vector<16xi32>], vector<16xi32>,
      %eq3A_104 = arith.constant 0 : i32
      %eq3A_105 = vector.broadcast %eq3A_104 : i32 to vector<16xi32>
      %eq3A_106 = arith.cmpi eq, %iota3A, %eq3A_105 : vector<16xi32>
      %jit3A_107 = arith.constant 0 : i32
      %broadcast_in_dim3A_108 = vector.broadcast %jit3A_107 : i32 to vector<16xi32>
      %select_n3A_109 = arith.select %eq3A_106, %gather3A_103, %broadcast_in_dim3A_108 : vector<16xi1>, vector<16xi32>
      %reduce_sum3A = arith.constant true
      %reduce_sum3A_110 = vector.broadcast %reduce_sum3A : i1 to vector<16xi1>
      %reduce_sum3A_111 = tpu.scan <sum>, %select_n3A_109 masked %reduce_sum3A_110 : vector<16xi32>, vector<16xi1> -> vector<16xi32>
      %reduce_sum3A_112 = vector.extract %reduce_sum3A_111[15] : i32 from vector<16xi32>
      %jit3A_113 = arith.constant 8 : i32
      %eq3A_114 = arith.constant 0 : i32
      %eq3A_115 = arith.cmpi eq, %jit3A_113, %eq3A_114 : i32
      %jit3A_116 = arith.constant 1 : i32
      %select_n3A_117 = arith.select %eq3A_115, %jit3A_116, %jit3A_113 : i32
      %rem3A_118 = arith.remsi %while3A_95, %select_n3A_117 : i32
      %ne3A_119 = arith.constant 0 : i32
      %ne3A_120 = arith.cmpi ne, %rem3A_118, %ne3A_119 : i32
      %lt3A_121 = arith.constant 0 : i32
      %lt3A_122 = arith.cmpi slt, %rem3A_118, %lt3A_121 : i32
      %lt3A_123 = arith.constant 0 : i32
      %lt3A_124 = arith.cmpi slt, %select_n3A_117, %lt3A_123 : i32
      %ne3A_125 = arith.xori %lt3A_122, %lt3A_124 : i1
      %and3A_126 = arith.andi %ne3A_125, %ne3A_120 : i1
      %add3A_127 = arith.addi %rem3A_118, %select_n3A_117 : i32
      %select_n3A_128 = arith.select %and3A_126, %add3A_127, %rem3A_118 : i32
      %mul3A_129 = arith.constant 64 : i32
      %mul3A_130 = arith.muli %select_n3A_128, %mul3A_129 : i32
      %add3A_131 = arith.constant 0 : i32
      %add3A_132 = vector.broadcast %add3A_131 : i32 to vector<16xi32>
      %add3A_133 = arith.addi %iota3A, %add3A_132 : vector<16xi32>
      %gather3A_134 = tpu.vector_load_idx %arg12[%add3A_133, %sub3A_102] : memref<64x64xf32, #tpu.memory_space<vmem>>[vector<16xi32>, vector<16xi32>], vector<16xf32>,
      %add3A_135 = arith.constant 0 : i32
      %add3A_136 = arith.addi %mul3A_130, %add3A_135 : i32
      %swap3A = arith.index_cast %add3A_136 : i32 to index
      %swap3A_137 = tpu.vector_load %arg15[%swap3A] {strides = array<i32>} : memref<512xf32, #tpu.memory_space<vmem>>, vector<16xf32>,
      tpu.vector_store %arg15[%swap3A], %gather3A_134 {strides = array<i32>} : memref<512xf32, #tpu.memory_space<vmem>>, vector<16xf32>,
      %add3A_138 = arith.constant 16 : i32
      %add3A_139 = vector.broadcast %add3A_138 : i32 to vector<16xi32>
      %add3A_140 = arith.addi %iota3A, %add3A_139 : vector<16xi32>
      %gather3A_141 = tpu.vector_load_idx %arg12[%add3A_140, %sub3A_102] : memref<64x64xf32, #tpu.memory_space<vmem>>[vector<16xi32>, vector<16xi32>], vector<16xf32>,
      %add3A_142 = arith.constant 16 : i32
      %add3A_143 = arith.addi %mul3A_130, %add3A_142 : i32
      %swap3A_144 = arith.index_cast %add3A_143 : i32 to index
      %swap3A_145 = tpu.vector_load %arg15[%swap3A_144] {strides = array<i32>} : memref<512xf32, #tpu.memory_space<vmem>>, vector<16xf32>,
      tpu.vector_store %arg15[%swap3A_144], %gather3A_141 {strides = array<i32>} : memref<512xf32, #tpu.memory_space<vmem>>, vector<16xf32>,
      %add3A_146 = arith.constant 32 : i32
      %add3A_147 = vector.broadcast %add3A_146 : i32 to vector<16xi32>
      %add3A_148 = arith.addi %iota3A, %add3A_147 : vector<16xi32>
      %gather3A_149 = tpu.vector_load_idx %arg12[%add3A_148, %sub3A_102] : memref<64x64xf32, #tpu.memory_space<vmem>>[vector<16xi32>, vector<16xi32>], vector<16xf32>,
      %add3A_150 = arith.constant 32 : i32
      %add3A_151 = arith.addi %mul3A_130, %add3A_150 : i32
      %swap3A_152 = arith.index_cast %add3A_151 : i32 to index
      %swap3A_153 = tpu.vector_load %arg15[%swap3A_152] {strides = array<i32>} : memref<512xf32, #tpu.memory_space<vmem>>, vector<16xf32>,
      tpu.vector_store %arg15[%swap3A_152], %gather3A_149 {strides = array<i32>} : memref<512xf32, #tpu.memory_space<vmem>>, vector<16xf32>,
      %add3A_154 = arith.constant 48 : i32
      %add3A_155 = vector.broadcast %add3A_154 : i32 to vector<16xi32>
      %add3A_156 = arith.addi %iota3A, %add3A_155 : vector<16xi32>
      %gather3A_157 = tpu.vector_load_idx %arg12[%add3A_156, %sub3A_102] : memref<64x64xf32, #tpu.memory_space<vmem>>[vector<16xi32>, vector<16xi32>], vector<16xf32>,
      %add3A_158 = arith.constant 48 : i32
      %add3A_159 = arith.addi %mul3A_130, %add3A_158 : i32
      %swap3A_160 = arith.index_cast %add3A_159 : i32 to index
      %swap3A_161 = tpu.vector_load %arg15[%swap3A_160] {strides = array<i32>} : memref<512xf32, #tpu.memory_space<vmem>>, vector<16xf32>,
      tpu.vector_store %arg15[%swap3A_160], %gather3A_157 {strides = array<i32>} : memref<512xf32, #tpu.memory_space<vmem>>, vector<16xf32>,
      %mul3A_162 = arith.constant 64 : i32
      %mul3A_163 = arith.muli %reduce_sum3A_112, %mul3A_162 : i32
      %dma_start3A_164 = tpu.memref_slice %arg15[%mul3A_130] : memref<512xf32, #tpu.memory_space<vmem>> -> memref<64xf32, #tpu.memory_space<vmem>>
      %dma_start3A_165 = tpu.memref_slice %arg6[%mul3A_163] : memref<1048592xf32, #tpu.memory_space<hbm>> -> memref<64xf32, #tpu.memory_space<hbm>>
      %dma_start3A_166 = tpu.memref_slice %arg6[%mul3A_163] : memref<1048592xf32, #tpu.memory_space<hbm>> -> memref<64xf32, #tpu.memory_space<hbm>>
      %dma_start3A_167 = tpu.memref_slice %arg15[%mul3A_130] : memref<512xf32, #tpu.memory_space<vmem>> -> memref<64xf32, #tpu.memory_space<vmem>>
      tpu.enqueue_dma source(%dma_start3A_167 : memref<64xf32, #tpu.memory_space<vmem>>) target(%dma_start3A_166 : memref<64xf32, #tpu.memory_space<hbm>>) target_semaphore(%arg19 : memref<!tpu.dma_semaphore, #tpu.memory_space<semaphore_mem>>)
    }
    %min3A_81 = arith.constant 8 : i32
    %min3A_82 = arith.minsi %while3A_69, %min3A_81 : i32
    %while3A_83 = arith.constant 0 : i32
    %while3A_84 = arith.constant 0 : i32
    %while3A_85 = arith.subi %min3A_82, %while3A_84 : i32
    %while3A_86 = arith.addi %while3A_84, %while3A_85 : i32
    %while3A_87 = arith.constant 1 : i32
    %while3A_88 = arith.divsi %while3A_85, %while3A_87 : i32
    %while3A_89 = arith.muli %while3A_88, %while3A_87 : i32
    %while3A_90 = arith.addi %while3A_84, %while3A_89 : i32
    %while3A_91 = arith.constant 1 : i32
    scf.for %while3A_95 = %while3A_84 to %while3A_90 step %while3A_91  : i32 {
      %dma_wait3A_96 = arith.constant 0 : i32
      %dma_wait3A_97 = tpu.memref_slice %arg15[%dma_wait3A_96] : memref<512xf32, #tpu.memory_space<vmem>> -> memref<64xf32, #tpu.memory_space<vmem>>
      %dma_wait3A_98 = arith.constant 0 : i32
      %dma_wait3A_99 = tpu.memref_slice %arg6[%dma_wait3A_98] : memref<1048592xf32, #tpu.memory_space<hbm>> -> memref<64xf32, #tpu.memory_space<hbm>>
      %dma_wait3A_100 = arith.constant 0 : i32
      %dma_wait3A_101 = tpu.memref_slice %arg6[%dma_wait3A_100] : memref<1048592xf32, #tpu.memory_space<hbm>> -> memref<64xf32, #tpu.memory_space<hbm>>
      %dma_wait3A_102 = arith.constant 0 : i32
      %dma_wait3A_103 = tpu.memref_slice %arg15[%dma_wait3A_102] : memref<512xf32, #tpu.memory_space<vmem>> -> memref<64xf32, #tpu.memory_space<vmem>>
      tpu.wait_dma2 semaphore(%arg19 : memref<!tpu.dma_semaphore, #tpu.memory_space<semaphore_mem>>) src(%dma_wait3A_103 : memref<64xf32, #tpu.memory_space<vmem>>) dst(%dma_wait3A_101 : memref<64xf32, #tpu.memory_space<hbm>>)
    }
    %while3A_92 = arith.constant 1 : i32
    scf.for %while3A_95 = %while3A_90 to %while3A_86 step %while3A_92  : i32 {
      %dma_wait3A_96 = arith.constant 0 : i32
      %dma_wait3A_97 = tpu.memref_slice %arg15[%dma_wait3A_96] : memref<512xf32, #tpu.memory_space<vmem>> -> memref<64xf32, #tpu.memory_space<vmem>>
      %dma_wait3A_98 = arith.constant 0 : i32
      %dma_wait3A_99 = tpu.memref_slice %arg6[%dma_wait3A_98] : memref<1048592xf32, #tpu.memory_space<hbm>> -> memref<64xf32, #tpu.memory_space<hbm>>
      %dma_wait3A_100 = arith.constant 0 : i32
      %dma_wait3A_101 = tpu.memref_slice %arg6[%dma_wait3A_100] : memref<1048592xf32, #tpu.memory_space<hbm>> -> memref<64xf32, #tpu.memory_space<hbm>>
      %dma_wait3A_102 = arith.constant 0 : i32
      %dma_wait3A_103 = tpu.memref_slice %arg15[%dma_wait3A_102] : memref<512xf32, #tpu.memory_space<vmem>> -> memref<64xf32, #tpu.memory_space<vmem>>
      tpu.wait_dma2 semaphore(%arg19 : memref<!tpu.dma_semaphore, #tpu.memory_space<semaphore_mem>>) src(%dma_wait3A_103 : memref<64xf32, #tpu.memory_space<vmem>>) dst(%dma_wait3A_101 : memref<64xf32, #tpu.memory_space<hbm>>)
    }
    %dma_wait3A = tpu.memref_slice %arg8[%mul3A_2] : memref<16384xi32, #tpu.memory_space<vmem>> -> memref<512xi32, #tpu.memory_space<vmem>>
    %dma_wait3A_93 = arith.constant 0 : i32
    %dma_wait3A_94 = tpu.memref_slice %arg5[%dma_wait3A_93] : memref<1000000xi32, #tpu.memory_space<hbm>> -> memref<1000000xi32, #tpu.memory_space<hbm>>
    tpu.wait_indirect_dma semaphore(%arg20 : memref<!tpu.dma_semaphore, #tpu.memory_space<semaphore_mem>>) src(%dma_wait3A_94 : memref<1000000xi32, #tpu.memory_space<hbm>>) dst(%arg16 : memref<512xi32, #tpu.memory_space<vmem>>)
    "tpu.region"() ({
      %run_scoped3A = tpu.sem_alloc : memref<!tpu.dma_semaphore, #tpu.memory_space<semaphore_mem>>
      %dma_start3A_95 = tpu.memref_slice %arg7[%mul3A_2] : memref<16384xi32, #tpu.memory_space<hbm>> -> memref<512xi32, #tpu.memory_space<hbm>>
      %dma_start3A_96 = tpu.memref_slice %arg7[%mul3A_2] : memref<16384xi32, #tpu.memory_space<hbm>> -> memref<512xi32, #tpu.memory_space<hbm>>
      tpu.enqueue_dma source(%arg16 : memref<512xi32, #tpu.memory_space<vmem>>) target(%dma_start3A_96 : memref<512xi32, #tpu.memory_space<hbm>>) target_semaphore(%run_scoped3A : memref<!tpu.dma_semaphore, #tpu.memory_space<semaphore_mem>>)
      %dma_wait3A_97 = tpu.memref_slice %arg7[%mul3A_2] : memref<16384xi32, #tpu.memory_space<hbm>> -> memref<512xi32, #tpu.memory_space<hbm>>
      %dma_wait3A_98 = tpu.memref_slice %arg7[%mul3A_2] : memref<16384xi32, #tpu.memory_space<hbm>> -> memref<512xi32, #tpu.memory_space<hbm>>
      tpu.wait_dma2 semaphore(%run_scoped3A : memref<!tpu.dma_semaphore, #tpu.memory_space<semaphore_mem>>) src(%arg16 : memref<512xi32, #tpu.memory_space<vmem>>) dst(%dma_wait3A_98 : memref<512xi32, #tpu.memory_space<hbm>>)
      tpu.yield
    }) : () -> ()
    return
  }
}

</mosaic_0001>

<sc_bundles>
// kernel: kernel.3.cloned.1.call-start
scs
__scs_entry_jumppad:
0x0: {  	(pc) =	sbr.rel $0x88, $3  }
0x1: {  	(tag) =	ssettag $0x0;
	lr =	simm.s32 $0x1  }
0x2: {  	[smem:$0x3F9E] =	sst lr;
	_ =	strace $0xD0000000  }
0x3: {  	_ = 	snop  }
0x4: {  	_ = 	snop  }
0x5: {  	_ = 	snop  }
0x6: {  	_ = 	snop  }
0x7: {  	_ = 	snop  }
__scs_overlays_trampoline_lowered:
0x8: {  	[smem:$0x3FAD] =	sst s0  }
0x9: {  	[smem:$0x3FAE] =	sst s1  }
0xa: {  	[smem:$0x3FAF] =	sst s2  }
0xb: {  	[smem:$0x3FB0] =	sst s3  }
0xc: {  	[smem:$0x3FB1] =	sst s4  }
0xd: {  	[smem:$0x3FB2] =	sst s5  }
0xe: {  	[smem:$0x3FB3] =	sst s6  }
0xf: {  	[smem:$0x3FB4] =	sst s7  }
0x10: {  	[smem:$0x3FB5] =	sst s8  }
0x11: {  	[smem:$0x3FB6] =	sst s9;
	s0 =	simm.s32 @!p0 $0x0  }
0x12: {  	s1 =	sld [smem:$0x3F9C];
	s0 =	simm.s32 @p0 $0x1  }
0x13: {  	[smem:$0x3FB7] =	sst s0;
	s0 =	simm.s32 @!p1 $0x0  }
0x14: {  	s2 =	sld [smem:$0x3F9B];
	s0 =	simm.s32 @p1 $0x1  }
0x15: {  	[smem:$0x3FB8] =	sst s0;
	s0 =	simm.s32 @!p2 $0x0  }
0x16: {  	s3 =	sld [smem:$0x3FDB];
	s0 =	simm.s32 @p2 $0x1  }
0x17: {  	s4 =	simm.s32 $0x1BF5;
	[smem:$0x3FBA] =	sst s0  }
0x18: {  	s0 =	sld [smem:$0x3F9D];
	_ =	swait.ge [sflag:s4], $0x0  }
0x19: {  	s7 =	sld [smem:$0x3F9E]  }
0x1a: {  	s8 =	sadd.s32 $0xFFFFE003, lr  }
0x1b: {  	s9 =	sadd.s32 $0xFFFFFEF7, lr;
	s5 =	simm.s32 $0xFFFFFFFF;
	p2 =	slt.u32 s8, $0xFFFFF086  }
0x1c: {  	p1 =	slt.u32 s9, $0xF7A;
	s5 =	simm.s32 @!p2 $0x0  }
0x1d: {  	s5 =	simm.s32 @p1 $0x1;
	p0 =	seq.s32 s7, s2  }
0x1e: {  	s7 =	smul.u32 @!p0 $0xF7A, s2;
	p2 =	seq.s32 @!p0 s5, $0x0  }
0x1f: {  	s9 =	smul.u32 $0xF7A, s1;
	s8 =	simm.s32 @!p0 $0x1BF5;
	p2 =	por !p2, p0  }
0x20: {  	[sflag:s8] =	ssyncset.s32 @!p0 $0xFFFFF086;
	s6 =	sadd.s32 @!p0 s3, s7;
	s7 =	simm.s32 @!p0 $0x108  }
0x21: {  	s3 =	sadd.s32 s3, s9;
	s6 =	sadd.s32 @!p0 $0x88, s6;
	s7 =	simm.s32 @p2 $0x1082  }
0x22: {  	[simem:s7], [sflag:s8] =	dma.local @!p0 [hbm:s6], $0xF7A  }
0x23: {  	s9 =	sor.u32 $0xD0000000, s2;
	s6 =	simm.s32 $0x108;
	_ =	swait.ge @!p0 [sflag:s8], $0x0  }
0x24: {  	s3 =	sadd.s32 $0x88, s3;
	s6 =	simm.s32 @!p1 $0x1082;
	[sflag:s4] =	ssyncset.s32 $0xFFFFF086  }
0x25: {  	[simem:s6], [sflag:s4] =	dma.local [hbm:s3], $0xF7A  }
0x26: {  	[smem:$0x3F9E] =	sst s1;
	(tag) =	ssettag s2;
	_ =	strace s9  }
0x27: {  	s1 =	sld [smem:$0x3FAE]  }
0x28: {  	s2 =	sld [smem:$0x3FAF]  }
0x29: {  	s4 =	sld [smem:$0x3FB1]  }
0x2a: {  	p0 =	seq.s32 s5, $0x0;
	s5 =	sld [smem:$0x3FB2]  }
0x2b: {  	s6 =	sld [smem:$0x3FB3]  }
0x2c: {  	s7 =	sld [smem:$0x3FB4]  }
0x2d: {  	s3 =	simm.s32 $0x108;
	s8 =	sld [smem:$0x3FB5]  }
0x2e: {  	s3 =	simm.s32 @!p0 $0x1082;
	s9 =	sld [smem:$0x3FB6]  }
0x2f: {  	lr =	sadd.s32 s0, s3;
	s0 =	sld [smem:$0x3FAD]  }
0x30: {  	s3 =	sld [smem:$0x3FB0]  }
0x31: {  	[smem:$0x3FB9] =	sst s10  }
0x32: {  	s10 =	sld [smem:$0x3FB7];
	_ =	sdelay $0x3  }
0x33: {  	p0 =	seq.s32 s10, $0x1;
	s10 =	sld [smem:$0x3FB9];
	_ =	sdelay $0x3  }
0x34: {  	[smem:$0x3FB9] =	sst s10  }
0x35: {  	s10 =	sld [smem:$0x3FB8];
	_ =	sdelay $0x3  }
0x36: {  	p1 =	seq.s32 s10, $0x1;
	s10 =	sld [smem:$0x3FB9];
	_ =	sdelay $0x3  }
0x37: {  	[smem:$0x3FB9] =	sst s10  }
0x38: {  	s10 =	sld [smem:$0x3FBA]  }
0x39: {  	_ = 	snop;
	(pc) =	sbr.ind lr, $3  }
0x3a: {  	_ = 	snop  }
0x3b: {  	_ = 	snop  }
0x3c: {  	p2 =	seq.s32 s10, $0x1;
	s10 =	sld [smem:$0x3FB9]  }
0x3d: {  	_ =	shalt  }
0x3e: {  	_ =	shalt  }
0x3f: {  	_ =	shalt  }
0x40: {  	_ =	shalt  }
0x41: {  	_ =	shalt  }
0x42: {  	_ =	shalt  }
0x43: {  	_ =	shalt  }
0x44: {  	_ =	shalt  }
0x45: {  	_ =	shalt  }
0x46: {  	_ =	shalt  }
0x47: {  	_ =	shalt  }
0x48: {  	_ =	shalt  }
0x49: {  	_ =	shalt  }
0x4a: {  	_ =	shalt  }
0x4b: {  	_ =	shalt  }
0x4c: {  	_ =	shalt  }
0x4d: {  	_ =	shalt  }
0x4e: {  	_ =	shalt  }
0x4f: {  	_ =	shalt  }
0x50: {  	_ =	shalt  }
0x51: {  	_ =	shalt  }
0x52: {  	_ =	shalt  }
0x53: {  	_ =	shalt  }
0x54: {  	_ =	shalt  }
0x55: {  	_ =	shalt  }
0x56: {  	_ =	shalt  }
0x57: {  	_ =	shalt  }
0x58: {  	_ =	shalt  }
0x59: {  	_ =	shalt  }
0x5a: {  	_ =	shalt  }
0x5b: {  	_ =	shalt  }
0x5c: {  	_ =	shalt  }
0x5d: {  	_ =	shalt  }
0x5e: {  	_ =	shalt  }
0x5f: {  	_ =	shalt  }
0x60: {  	_ =	shalt  }
0x61: {  	_ =	shalt  }
0x62: {  	_ =	shalt  }
0x63: {  	_ =	shalt  }
0x64: {  	_ =	shalt  }
0x65: {  	_ =	shalt  }
0x66: {  	_ =	shalt  }
0x67: {  	_ =	shalt  }
0x68: {  	_ =	shalt  }
0x69: {  	_ =	shalt  }
0x6a: {  	_ =	shalt  }
0x6b: {  	_ =	shalt  }
0x6c: {  	_ =	shalt  }
0x6d: {  	_ =	shalt  }
0x6e: {  	_ =	shalt  }
0x6f: {  	_ =	shalt  }
0x70: {  	_ =	shalt  }
0x71: {  	_ =	shalt  }
0x72: {  	_ =	shalt  }
0x73: {  	_ =	shalt  }
0x74: {  	_ =	shalt  }
0x75: {  	_ =	shalt  }
0x76: {  	_ =	shalt  }
0x77: {  	_ =	shalt  }
0x78: {  	_ =	shalt  }
0x79: {  	_ =	shalt  }
0x7a: {  	_ =	shalt  }
0x7b: {  	_ =	shalt  }
0x7c: {  	_ =	shalt  }
0x7d: {  	_ =	shalt  }
0x7e: {  	_ =	shalt  }
0x7f: {  	_ =	shalt  }
0x80: {  	_ =	shalt  }
0x81: {  	_ =	shalt  }
0x82: {  	_ =	shalt  }
0x83: {  	_ =	shalt  }
0x84: {  	_ =	shalt  }
0x85: {  	_ =	shalt  }
0x86: {  	_ =	shalt  }
0x87: {  	_ =	shalt  }
.Lfunc_end0:
.L_simem_size_0:
called_computation_lowered:
.L_overlay_start_0:
0x88: {  	s2 =	sld [smem:$0x3FD9]  }
0x89: {  	s3 =	sld [smem:$0x3FFE];
	_ =	sdelay $0x1  }
0x8a: {  	s1 =	srdreg.scid  }
0x8b: {  	s0 =	sand.u32 $0x1, s1  }
0x8c: {  	s14 =	sshll.u32 s0, $0xA;
	s2 =	sadd.s32 s3, s2  }
0x8d: {  	s2 =	sadd.s32 s2, s14  }
0x8e: {  	[smem:$0x3FC5] =	sst s2  }
0x8f: {  	_ = 	snop  }
0x90: {  	s2 =	sld [smem:$0x3FD0]  }
0x91: {  	s15 =	sld [smem:$0x3FC9]  }
0x92: {  	s4 =	sld [smem:$0x3FC8]  }
0x93: {  	s6 =	simm.s32 $0xA;
	s7 =	simm.s32 $0x10;
	s5 =	sld [smem:$0x3FC7]  }
0x94: {  	[smem:s7], [sflag:s6] =	dma.local [hbm:s2], $0x1  }
0x95: {  	_ =	swait.eq [sflag:s6], $0x1  }
0x96: {  	[sflag:s6] =	ssyncset.done $0x0  }
0x97: {  	s16 =	sld [smem:$0x10];
	[sflag:s6] =	ssyncadd.s32 $0xFFFFFFFF  }
0x98: {  	s17 =	sld [smem:$0x11];
	(tm) =	ssettm $0x1  }
0x99: {  	s18 =	sld [smem:$0x3FFB];
	_ =	sdelay $0x3  }
0x9a: {  	_ =	strace s18  }
0x9b: {  	s7 =	sld [smem:$0x3FFC];
	_ =	sdelay $0x3  }
0x9c: {  	_ =	strace s7  }
0x9d: {  	s7 =	sld [smem:$0x3FFD];
	_ =	sdelay $0x3  }
0x9e: {  	_ =	strace s7  }
0x9f: {  	_ =	strace $0x8FFFFFFF  }
0xa0: {  	s19 =	sld [smem:$0x3FDB];
	_ =	sdelay $0x1  }
0xa1: {  	s8 =	simm.s32 $_scs_section_size  }
0xa2: {  	s9 =	simm.s32 $_size__tile_overlayer_lowered;
	s10 =	simm.s32 $_tile_overlayer_lowered  }
0xa3: {  	s22 =	simm.s32 $0x1BFF;
	s21 =	sshll.u32 s10, $0x1;
	s7 =	sadd.s32 s8, s19  }
0xa4: {  	s11 =	simm.s32 $0x0;
	s20 =	sshll.u32 s9, $0x1;
	s9 =	sadd.s32 s21, s7  }
0xa5: {  	[timem:s11], [sflag:s22] =	dma.local [hbm:s9], s20  }
0xa6: {  	_ =	swait.ge [sflag:s22], s20  }
0xa7: {  	s8 =	ssub.s32 $0x0, s20;
	[sflag:s22] =	ssyncset.done $0x0  }
0xa8: {  	[sflag:s22] =	ssyncadd.s32 s8;
	_ =	sdelay $0x1  }
0xa9: {  	s23 =	simm.s32 $0x1B8B  }
0xaa: {  	_ =	swait.ge [sflag:s23], $0x1  }
0xab: {  	[sflag:s23] =	ssyncset.done $0x0  }
0xac: {  	s25 =	simm.s32 $0x1B8E;
	s24 =	sld [smem:$0x3FFE];
	[sflag:s23] =	ssyncadd.s32 $0xFFFFFFFF  }
0xad: {  	s26 =	simm.s32 $execute0_lowered;
	[smem:$0x3FD2] =	sst s25  }
0xae: {  	s9 =	sshll.u32 s26, $0x1;
	_ =	strace $0x80000046;
	[dreg:$0x1] =	wrdreg $0xFFFFFFFF  }
0xaf: {  	s28 =	simm.s32 $_size_execute0_lowered;
	s7 =	sadd.s32 s7, s9;
	[dreg:$0x0] =	wrdreg $0x0  }
0xb0: {  	s9 =	sshll.u32 s28, $0x1;
	[dreg:$0x2] =	wrdreg s7  }
0xb1: {  	[dreg:$0x3] =	wrdreg s9  }
0xb2: {  	[dreg:$0x4] =	wrdreg $0xC0  }
0xb3: {  	_ =	task [dreg:s11], $0x5FFFF  }
0xb4: {  	[dreg:$0x1] =	wrdreg $0xFFFFFFFF  }
0xb5: {  	[dreg:$0x0] =	wrdreg $0x60  }
0xb6: {  	[dreg:$0x2] =	wrdreg s15  }
0xb7: {  	[dreg:$0x3] =	wrdreg s4  }
0xb8: {  	[dreg:$0x4] =	wrdreg s16  }
0xb9: {  	[dreg:$0x5] =	wrdreg s5  }
0xba: {  	[dreg:$0x6] =	wrdreg s24  }
0xbb: {  	[dreg:$0x7] =	wrdreg s17  }
0xbc: {  	[dreg:$0x8] =	wrdreg $0x9  }
0xbd: {  	_ =	task.clear_ibuf [dreg:s11], $0x9FFFF;
	_ =	strace $0x90000046  }
0xbe: {  	s29 =	simm.s32 $0x9;
	_ =	strace $0x80000048  }
0xbf: {  	_ =	swait.ge [sflag:s29], $0x1  }
0xc0: {  	[sflag:s29] =	ssyncadd.s32 $0xFFFFFFFF  }
0xc1: {  	_ =	strace $0x90000048  }
0xc2: {  	_ =	sfence  }
0xc3: {  	s30 =	sld [smem:$0x0];
	_ =	sdelay $0x2  }
0xc4: {  	s31 =	sshll.u32 s1, $0xD;
	s1 =	sshrl.u32 s1, $0x2  }
0xc5: {  	s3 =	sand.u32 $0x4000, s31;
	s1 =	sadd.s32 s1, s30  }
0xc6: {  	s0 =	sor.u32 s3, s0;
	s1 =	sshll.u32 s1, $0x11  }
0xc7: {  	s0 =	sor.u32 s1, s0  }
0xc8: {  	s0 =	sadd.s32 $0x8F2B, s0  }
0xc9: {  	[sflag:s0] =	ssyncadd.remote.s32 $0x1  }
0xca: {  	_ =	sfence.sel $0xFFFF  }
0xcb: {  	[dreg:$0x0] =	wrdreg $0xFFFFFFFF;
	(pc) =	sbr.abs _section_cstart, $3  }
0xcc: {  	[dreg:$0x1] =	wrdreg $0xFFFFFFFF  }
0xcd: {  	_ =	task.clear_ibuf [dreg:s11], $0x2FFFF;
	_ =	strace $0x9FFFFFFF  }
0xce: {  	(tm) =	ssettm $0x7FFFFFFF  }
0xcf: {  	_ =	shalt  }
tec
execute0_lowered:
.L_overlay_start_1:
0x0: {  	(tag) =	ssettag $0x1  }
0x1: {  	v2 =	vlaneseq.u32;
	v3 =	vimm.s32 $0x0;
	v4 =	vimm.s32 $0x1380  }
0x2: {  	vm15 =	vcmask $0x300;
	vm14 =	vcmask $0x704;
	v5 =	vimm.s32 $0x3380  }
0x3: {  	vm13 =	vcmask $0xB08;
	vm12 =	vcmask $0xF0C;
	vm11 =	vcmask $0x1310  }
0x4: {  	vm10 =	vcmask $0x1714;
	vm9 =	vcmask $0x1B18;
	vm8 =	vcmask $0x1F1C  }
0x5: {  	vm7 =	vcmask $0x2320;
	vm6 =	vcmask $0x2724;
	vm5 =	vcmask $0x2B28  }
0x6: {  	vm4 =	vcmask $0x2F2C;
	vm3 =	vcmask $0x3330;
	vm2 =	vcmask $0x3734  }
0x7: {  	vm1 =	vcmask $0x3B38;
	v6 =	vimm.s32 $0x5380;
	v7 =	vimm.s32 $0x7380  }
0x8: {  	v8 =	vimm.s32 $0x9380;
	v9 =	vimm.s32 $0xB380;
	vm0 =	vmmov $0x1  }
0x9: {  	v10 =	vimm.s32 $0xD380;
	v11 =	vimm.s32 $0xF380;
	v4 =	vsel vm15, $0x0, v4  }
0xa: {  	v5 =	vsel vm15, $0x2000, v5;
	v6 =	vsel vm15, $0x4000, v6;
	v7 =	vsel vm15, $0x6000, v7  }
0xb: {  	v8 =	vsel vm15, $0x8000, v8;
	v9 =	vsel vm15, $0xA000, v9;
	v10 =	vsel vm15, $0xC000, v10  }
0xc: {  	v11 =	vsel vm15, $0xE000, v11;
	v15 =	vmul.u32 $0x80, v2;
	v4 =	vsel vm14, $0x80, v4  }
0xd: {  	v5 =	vsel vm14, $0x2080, v5;
	v6 =	vsel vm14, $0x4080, v6;
	v7 =	vsel vm14, $0x6080, v7  }
0xe: {  	v8 =	vsel vm14, $0x8080, v8;
	v9 =	vsel vm14, $0xA080, v9;
	v10 =	vsel vm14, $0xC080, v10  }
0xf: {  	v11 =	vsel vm14, $0xE080, v11;
	v4 =	vsel vm13, $0x100, v4;
	v5 =	vsel vm13, $0x2100, v5  }
0x10: {  	v6 =	vsel vm13, $0x4100, v6;
	v7 =	vsel vm13, $0x6100, v7;
	v8 =	vsel vm13, $0x8100, v8  }
0x11: {  	v9 =	vsel vm13, $0xA100, v9;
	v10 =	vsel vm13, $0xC100, v10;
	v11 =	vsel vm13, $0xE100, v11  }
0x12: {  	v12 =	vadd.s32 $0xFFF0BE00, v15;
	v13 =	vadd.s32 $0xFFF0C600, v15;
	v14 =	vadd.s32 $0xFFF0CE00, v15  }
0x13: {  	v15 =	vadd.s32 $0xFFF0D600, v15;
	v4 =	vsel vm12, $0x180, v4;
	v5 =	vsel vm12, $0x2180, v5  }
0x14: {  	s0 =	srdreg.scid;
	s1 =	stileid.u32;
	v6 =	vsel vm12, $0x4180, v6;
	v7 =	vsel vm12, $0x6180, v7;
	v8 =	vsel vm12, $0x8180, v8  }
0x15: {  	s5 =	sand.u32 $0x1, s0;
	s29 =	sshll.u32 s1, $0x1;
	v9 =	vsel vm12, $0xA180, v9;
	v10 =	vsel vm12, $0xC180, v10;
	v11 =	vsel vm12, $0xE180, v11  }
0x16: {  	s0 =	sor.u32 s5, s29;
	v4 =	vsel vm11, $0x200, v4;
	v5 =	vsel vm11, $0x2200, v5;
	v6 =	vsel vm11, $0x4200, v6  }
0x17: {  	s3 =	simm.s32 $0x1;
	s2 =	smul.u32 $0x3D, s0;
	p0 =	sne.s32 s0, $0x0;
	v7 =	vsel vm11, $0x6200, v7;
	v8 =	vsel vm11, $0x8200, v8;
	v9 =	vsel vm11, $0xA200, v9  }
0x18: {  	s3 =	simm.s32 @!p0 $0x0;
	v10 =	vsel vm11, $0xC200, v10;
	v11 =	vsel vm11, $0xE200, v11;
	v4 =	vsel vm10, $0x280, v4  }
0x19: {  	s2 =	sadd.s32 s3, s2;
	v5 =	vsel vm10, $0x2280, v5;
	v6 =	vsel vm10, $0x4280, v6;
	v7 =	vsel vm10, $0x6280, v7  }
0x1a: {  	s30 =	sshll.u32 s2, $0x9;
	v8 =	vsel vm10, $0x8280, v8;
	v9 =	vsel vm10, $0xA280, v9;
	v10 =	vsel vm10, $0xC280, v10  }
0x1b: {  	v11 =	vsel vm10, $0xE280, v11;
	v0 =	vmov s30;
	v4 =	vsel vm9, $0x300, v4  }
0x1c: {  	s1 =	simm.s32 $0x3E;
	p0 =	seq.s32 s0, $0x0;
	v5 =	vsel vm9, $0x2300, v5;
	v6 =	vsel vm9, $0x4300, v6;
	v7 =	vsel vm9, $0x6300, v7  }
0x1d: {  	s1 =	simm.s32 @!p0 $0x3D;
	v8 =	vsel vm9, $0x8300, v8;
	v9 =	vsel vm9, $0xA300, v9;
	v10 =	vsel vm9, $0xC300, v10  }
0x1e: {  	s3 =	sadd.s32 s1, s2;
	v11 =	vsel vm9, $0xE300, v11;
	v4 =	vsel vm8, $0x380, v4;
	v5 =	vsel vm8, $0x2380, v5  }
0x1f: {  	p0 =	seq.s32 s0, $0x1F;
	s4 =	sshll.u32 s3, $0x9;
	v6 =	vsel vm8, $0x4380, v6;
	v7 =	vsel vm8, $0x6380, v7;
	v8 =	vsel vm8, $0x8380, v8  }
0x20: {  	s4 =	simm.s32 @p0 $0xF4240;
	v9 =	vsel vm8, $0xA380, v9;
	v10 =	vsel vm8, $0xC380, v10;
	v11 =	vsel vm8, $0xE380, v11  }
0x21: {  	v1 =	vmov s4;
	v4 =	vsel vm7, $0x1000, v4;
	v5 =	vsel vm7, $0x3000, v5  }
0x22: {  	v6 =	vsel vm7, $0x5000, v6;
	v7 =	vsel vm7, $0x7000, v7;
	v8 =	vsel vm7, $0x9000, v8  }
0x23: {  	v9 =	vsel vm7, $0xB000, v9;
	v10 =	vsel vm7, $0xD000, v10;
	v11 =	vsel vm7, $0xF000, v11  }
0x24: {  	v4 =	vsel vm6, $0x1080, v4;
	v5 =	vsel vm6, $0x3080, v5;
	v6 =	vsel vm6, $0x5080, v6  }
0x25: {  	v7 =	vsel vm6, $0x7080, v7;
	v8 =	vsel vm6, $0x9080, v8;
	v9 =	vsel vm6, $0xB080, v9  }
0x26: {  	v10 =	vsel vm6, $0xD080, v10;
	v11 =	vsel vm6, $0xF080, v11;
	v4 =	vsel vm5, $0x1100, v4  }
0x27: {  	v5 =	vsel vm5, $0x3100, v5;
	v6 =	vsel vm5, $0x5100, v6;
	v7 =	vsel vm5, $0x7100, v7  }
0x28: {  	v8 =	vsel vm5, $0x9100, v8;
	v9 =	vsel vm5, $0xB100, v9;
	v10 =	vsel vm5, $0xD100, v10  }
0x29: {  	v11 =	vsel vm5, $0xF100, v11;
	v4 =	vsel vm4, $0x1180, v4;
	v5 =	vsel vm4, $0x3180, v5  }
0x2a: {  	s6 =	rddreg [dreg:$0x4];
	v6 =	vsel vm4, $0x5180, v6;
	v7 =	vsel vm4, $0x7180, v7;
	v8 =	vsel vm4, $0x9180, v8  }
0x2b: {  	s7 =	rddreg [dreg:$0x5];
	s8 =	simm.s32 $0x0;
	v9 =	vsel vm4, $0xB180, v9;
	v10 =	vsel vm4, $0xD180, v10;
	v11 =	vsel vm4, $0xF180, v11  }
0x2c: {  	s14 =	simm.s32 $0x5;
	s17 =	simm.s32 $0x1C100;
	s18 =	simm.s32 $0x2;
	v4 =	vsel vm3, $0x1200, v4;
	v5 =	vsel vm3, $0x3200, v5;
	v6 =	vsel vm3, $0x5200, v6  }
0x2d: {  	s21 =	simm.s32 $0xC100;
	s22 =	simm.s32 $0x1E100;
	s23 =	simm.s32 $0x1E380;
	v7 =	vsel vm3, $0x7200, v7;
	v8 =	vsel vm3, $0x9200, v8;
	v9 =	vsel vm3, $0xB200, v9  }
0x2e: {  	s24 =	simm.s32 $0x3;
	s25 =	simm.s32 $0x4;
	s26 =	simm.s32 $0x0;
	v10 =	vsel vm3, $0xD200, v10;
	v11 =	vsel vm3, $0xF200, v11;
	v4 =	vsel vm2, $0x1280, v4  }
.Ltmp0:
0x2f: {  	[smem:$0x7FF] =	sst s8;
	s5 =	ssub.s32 $0x2, s5;
	v5 =	vsel vm2, $0x3280, v5;
	v6 =	vsel vm2, $0x5280, v6;
	v7 =	vsel vm2, $0x7280, v7;
	(pc) =	sbr.rel .LBB2_1-.Ltmp0, $4  }
0x30: {  	s9 =	sadd.s32 $0x800, s6;
	s6 =	simm.s32 $0x1E800;
	s10 =	sshrl.u32 s5, $0x1;
	v8 =	vsel vm2, $0x9280, v8;
	v9 =	vsel vm2, $0xB280, v9;
	v10 =	vsel vm2, $0xD280, v10  }
0x31: {  	s31 =	sshll.u32 s0, $0x9;
	s5 =	ssub.s32 s5, s10;
	s0 =	sshll.u32 s0, $0x6;
	v11 =	vsel vm2, $0xF280, v11;
	v4 =	vsel vm1, $0x1300, v4;
	v5 =	vsel vm1, $0x3300, v5  }
0x32: {  	s13 =	smax.u32 s5, $0x1;
	s12 =	sadd.s32 s7, s0;
	s4 =	rddreg [dreg:$0x1];
	v6 =	vsel vm1, $0x5300, v6;
	v7 =	vsel vm1, $0x7300, v7;
	v8 =	vsel vm1, $0x9300, v8  }
0x33: {  	_ =	strace $0x80000047;
	[dreg:$0x7] =	wrdreg s31;
	s11 =	sadd.s32 s4, s30;
	v9 =	vsel vm1, $0xB300, v9;
	v10 =	vsel vm1, $0xD300, v10;
	v11 =	vsel vm1, $0xF300, v11  }
.LBB2_62:
0x34: {  	[sflag:s24] =	ssyncadd.s32 $0xFFFFFFC0  }
.LBB2_63:
0x35: {  	_ =	swait.ge [sflag:s25], $0x200;
	s26 =	sadd.s32 $0x1, s26  }
0x36: {  	[sflag:s25] =	ssyncset.done $0x0;
	p0 =	sne.s32 s26, s13  }
.Ltmp1:
0x37: {  	s6 =	simm.s32 $0x1E800;
	[sflag:s25] =	ssyncadd.s32 $0xFFFFFE00;
	(pc) =	sbr.rel @!p0 .LBB2_64-.Ltmp1, $4  }
0x38: {  	[hbm4b:s12+s8] =	stream.linear.scatter [tilespmem:s6], [sflag:$0x5], $0x200, $0x38;
	[tilespmem:$0x1EA00] =	vst v63  }
0x39: {  	_ =	swait.ge [sflag:s14], $0x200  }
0x3a: {  	[sflag:s14] =	ssyncset.done $0x0  }
0x3b: {  	[sflag:s14] =	ssyncadd.s32 $0xFFFFFE00  }
.LBB2_1:
0x3c: {  	s0 =	rddreg [dreg:$0x0]  }
0x3d: {  	[tilespmem:s8], [sflag:$0x5] =	stream.linear.gather [hbm4b:s0+s8], $0x4000, $0x38;
	[tilespmem:$0x1EA00] =	vst v63  }
0x3e: {  	_ =	swait.ge [sflag:s14], $0x4000  }
0x3f: {  	[sflag:s14] =	ssyncset.done $0x0  }
0x40: {  	s3 =	rddreg [dreg:$0x7];
	[sflag:s14] =	ssyncadd.s32 $0xFFFFC000  }
0x41: {  	s5 =	simm.s32 $0x200;
	s30 =	rddreg [dreg:$0x3]  }
0x42: {  	[tilespmem:s6], [sflag:$0x4] =	stream.indirect.gather [hbm4b:s30+s5], $0x1, s3, s5, $0xb8;
	[tilespmem:$0x1EA00] =	vst v63  }
0x43: {  	s31 =	rddreg [dreg:$0x2]  }
0x44: {  	[tilespmem:s17], [sflag:$0x2] =	stream.linear.gather [hbm4b:s31+s8], $0x2000, $0x38;
	[tilespmem:$0x1EA00] =	vst v63  }
0x45: {  	v16 =	vld [tilespmem:s8+$0x0];
	_ =	sdelay $0x4  }
0x46: {  	vm1 =	vge.s32 v16, v0;
	vm2 =	vlt.s32 v16, v1  }
0x47: {  	vm1 =	vmand vm1, vm2  }
0x48: {  	v17 =	vsel vm1, $0x1, v3  }
0x49: {  	(xrf0) =	vadd.scan.msk.s32 $0xffff, v17;
	_ =	sdelay $0x5  }
0x4a: {  	[tilespmem:s8+$0x4000] =	vst.msk vm1, v16;
	v16, _, _ =	vpop (xrf0)  }
0x4b: {  	v17 =	vor.u32 s8, v2;
	(v2sf) =	vpush v16, $0xF  }
0x4c: {  	s0 =	simm.s32 $0x10;
	[tilespmem:s8+$0x8080] =	vst.msk vm1, v17  }
0x4d: {  	s5 =	simm.s32 $0x20;
	s3 =	simm.s32 $0x0;
	s6 =	simm.s32 $0x10;
	v16 =	vld [tilespmem:s0+$0x0]  }
.LBB2_2:
0x4e: {  	p0 =	sne.s32 s5, $0x3FF0;
	_ =	sdelay $0x3  }
0x4f: {  	vm1 =	vge.s32 v16, v0;
	vm2 =	vlt.s32 v16, v1  }
0x50: {  	vm1 =	vmand vm1, vm2  }
0x51: {  	v17 =	vsel vm1, $0x1, v3  }
0x52: {  	(xrf0) =	vadd.scan.msk.s32 $0xffff, v17;
	_ =	sdelay $0x4  }
.Ltmp2:
0x53: {  	s7 =	spop (v2sf);
	(pc) =	sbr.rel @p0 .LBB2_2-.Ltmp2, $4  }
0x54: {  	v17, _, _ =	vpop (xrf0);
	s3 =	sadd.s32 s3, s7  }
0x55: {  	v18 =	vor.u32 s0, v2;
	s0 =	smov.u32 s5;
	[tilespmem:s3+$0x4000] =	vst.msk vm1, v16;
	(v2sf) =	vpush v17, $0xF  }
0x56: {  	s6 =	sadd.s32 $0x10, s6;
	[tilespmem:s3+$0x8080] =	vst.msk vm1, v18  }
0x57: {  	s5 =	sadd.s32 $0x10, s5;
	v16 =	vld [tilespmem:s6+$0x0]  }
0x58: {  	_ =	sdelay $0x3  }
0x59: {  	vm1 =	vge.s32 v16, v0;
	vm2 =	vlt.s32 v16, v1  }
0x5a: {  	vm1 =	vmand vm1, vm2  }
0x5b: {  	v17 =	vsel vm1, $0x1, v3  }
0x5c: {  	(xrf0) =	vadd.scan.msk.s32 $0xffff, v17;
	_ =	sdelay $0x5  }
0x5d: {  	v17, _, _ =	vpop (xrf0)  }
0x5e: {  	(v2sf) =	vpush v17, $0xF;
	_ =	sdelay $0xc  }
0x5f: {  	s5 =	spop (v2sf)  }
0x60: {  	s3 =	sadd.s32 s3, s5  }
0x61: {  	v17 =	vor.u32 s0, v2;
	[tilespmem:s3+$0x4000] =	vst.msk vm1, v16;
	s19 =	spop (v2sf)  }
0x62: {  	s30 =	simm.s32 $0x1000;
	[tilespmem:s3+$0x8080] =	vst.msk vm1, v17;
	s5 =	sadd.s32 s3, s19  }
0x63: {  	s31 =	simm.s32 $0x7A1400;
	_ =	swait.ge [sflag:s18], $0x2000;
	s6 =	sadd.s32 $0xF, s5  }
0x64: {  	[sflag:s18] =	ssyncset.done $0x0;
	s20 =	sshra.s32 s6, $0x1F;
	s7 =	sand.u32 $0xF, s6  }
0x65: {  	p1 =	slt.s32 s6, $0x1;
	[sflag:s18] =	ssyncadd.s32 $0xFFFFE000;
	p0 =	sne.s32 s7, $0x0  }
0x66: {  	[tilespmem:s21], [sflag:$0x1] =	stream.strided.gather [hbm4b:s11+s30], $0x8000, s31, s30, $0x38;
	[tilespmem:$0x1EA00] =	vst v63  }
.Ltmp3:
0x67: {  	s0 =	sshrl.u32 s20, $0x1C;
	p0 =	por !p1, !p0;
	(pc) =	sbr.rel .LBB2_4-.Ltmp3, $4  }
0x68: {  	s3 =	simm.s32 $0x1;
	s0 =	sadd.s32 s0, s6;
	p0 =	por !p0, !p0  }
0x69: {  	s0 =	sshra.s32 s0, $0x4;
	s3 =	simm.s32 @!p0 $0x0  }
0x6a: {  	s28 =	ssub.s32 s0, s3  }
0x6b: {  	s29 =	simm.s32 $0x0;
	v16 =	vmov s5;
	p0 =	slt.s32 s28, $0x1  }
.LBB2_42:
0x6c: {  	[sflag:s24] =	ssyncadd.s32 $0xFFFFFFC0  }
.LBB2_43:
0x6d: {  	s29 =	sadd.s32 $0x1, s29  }
0x6e: {  	p1 =	seq.s32 s29, $0x20  }
.Ltmp4:
0x6f: {  	_ = 	snop;
	(pc) =	sbr.rel @p1 .LBB2_44-.Ltmp4, $1  }
0x70: {  	_ =	sdelay $0x3  }
.LBB2_4:
0x71: {  	s31 =	sshll.u32 s29, $0x1  }
0x72: {  	s30 =	sshllo.u32 s29, $0x1;
	p1 =	sge.u32 s31, s1  }
0x73: {  	p2 =	sge.u32 @!p1 s30, s1  }
0x74: {  	p2 =	por p2, p1  }
0x75: {  	s0 =	sadd.s32 @!p2 s2, s30  }
0x76: {  	s0 =	sshll.u32 @!p2 s0, $0x9  }
0x77: {  	s3 =	simm.s32 @!p2 $0x1000;
	s0 =	sand.u32 @!p2 $0x1FFFFE00, s0  }
0x78: {  	s5 =	simm.s32 @!p2 $0x7A1400;
	s6 =	simm.s32 @!p2 $0x14100;
	s0 =	sadd.s32 @!p2 s4, s0  }
0x79: {  	[tilespmem:s6], [sflag:$0x2] =	stream.strided.gather @!p2 [hbm4b:s0+s3], $0x8000, s5, s3, $0x38;
	[tilespmem:$0x1EA00] =	vst v63  }
0x7a: {  	p2 =	slt.s32 @!p1 s28, $0x1  }
0x7b: {  	p2 =	por p1, p2  }
.Ltmp5:
0x7c: {  	_ = 	snop;
	(pc) =	sbr.rel @p2 .LBB2_23-.Ltmp5, $4  }
0x7d: {  	s0 =	simm.s32 @!p1 $0x1  }
0x7e: {  	_ =	swait.ge @!p1 [sflag:s0], $0x8000  }
0x7f: {  	[sflag:s0] =	ssyncset.done @!p1 $0x0  }
0x80: {  	[sflag:s0] =	ssyncadd.s32 @!p1 $0xFFFF8000  }
.Ltmp6:
0x81: {  	(pc) =	sbr.rel .LBB2_6-.Ltmp6, $4  }
0x82: {  	s0 =	sadd.s32 s2, s31  }
0x83: {  	s0 =	sshll.u32 s0, $0x9  }
0x84: {  	s3 =	sadd.s32 $0x200, s0  }
0x85: {  	s5 =	simm.s32 $0x0;
	v17 =	vmov s0;
	s0 =	simm.s32 $0x0;
	v18 =	vmov s3;
	s3 =	simm.s32 $0x0  }
.LBB2_8:
0x86: {  	s5 =	simm.s32 $0x0  }
.LBB2_12:
0x87: {  	s6 =	simm.s32 @!p3 $0x3;
	[tilespmem:s19+$0x1E630] =	vst @p1 v20  }
0x88: {  	[hbm4b:s16+s8] =	stream.linear.scatter @p1 [tilespmem:s20], [sflag:$0x3], $0x40, $0x38;
	[tilespmem:$0x1EA00] =	vst v63  }
0x89: {  	_ =	swait.ge @!p3 [sflag:s6], $0x40  }
0x8a: {  	[sflag:s6] =	ssyncset.done @!p3 $0x0  }
0x8b: {  	[sflag:s6] =	ssyncadd.s32 @!p3 $0xFFFFFFC0  }
0x8c: {  	v20 =	vld.idx.msk [tilespmem:v19+s22+$0x0], $0xffff;
	_ =	sdelay $0x4  }
0x8d: {  	v21 =	vsub.s32 v20, v17  }
0x8e: {  	v19 =	vld.idx.msk [tilespmem:v19+s23+$0x0], $0xffff;
	v21 =	vshll.u32 v21, $0x3  }
0x8f: {  	v20 =	vand.u32 $0x7F, v20;
	v21 =	vand.u32 $0xFFFFFC00, v21  }
0x90: {  	v20 =	vor.u32 v20, v21  }
0x91: {  	v21 =	vadd.s32 v4, v20;
	_ =	sdelay $0x1  }
0x92: {  	v19 =	vnsel vm0, $0x0, v19  }
0x93: {  	(xrf0) =	vadd.scan.msk.s32 $0xffff, v19;
	_ =	sdelay $0x1  }
0x94: {  	v19 =	vld.idx.msk [tilespmem:v21+s21+$0x0], $0xffff  }
0x95: {  	v62 =	vadd.s32 v5, v20  }
0x96: {  	s5 =	sadd.s32 @p1 $0x40, s5;
	s6 =	simm.s32 $0x0  }
0x97: {  	s6 =	smov.u32 @p1 s5  }
0x98: {  	s5 =	sand.u32 $0x1C0, s6;
	v22, _, _ =	vpop (xrf0)  }
0x99: {  	(v2sf) =	vpush v22, $0xF;
	[tilespmem:s5+$0x1E600] =	vst v19  }
0x9a: {  	v19 =	vld.idx.msk [tilespmem:v62+s21+$0x0], $0xffff  }
0x9b: {  	v63 =	vadd.s32 v6, v20;
	_ =	sdelay $0x3  }
0x9c: {  	[tilespmem:s5+$0x1E610] =	vst v19  }
0x9d: {  	v19 =	vld.idx.msk [tilespmem:v63+s21+$0x0], $0xffff  }
0x9e: {  	v20 =	vadd.s32 v7, v20;
	_ =	sdelay $0x3  }
0x9f: {  	[tilespmem:s5+$0x1E620] =	vst v19  }
0xa0: {  	v19 =	vld.idx.msk [tilespmem:v20+s21+$0x0], $0xffff;
	_ =	sdelay $0x1  }
0xa1: {  	s20 =	spop (v2sf)  }
0xa2: {  	s6 =	sshll.u32 s20, $0x3  }
0xa3: {  	s6 =	sand.u32 $0x1FFFFFF8, s6  }
0xa4: {  	s10 =	sor.u32 $0x1E600, s5;
	s6 =	sadd.s32 s9, s6;
	[tilespmem:s5+$0x1E630] =	vst v19  }
0xa5: {  	[hbm4b:s6+s8] =	stream.linear.scatter [tilespmem:s10], [sflag:$0x3], $0x40, $0x38;
	[tilespmem:$0x1EA00] =	vst v63  }
0xa6: {  	_ =	swait.ge [sflag:s24], $0x40  }
0xa7: {  	[sflag:s24] =	ssyncset.done $0x0  }
0xa8: {  	[sflag:s24] =	ssyncadd.s32 $0xFFFFFFC0  }
0xa9: {  	_ =	swait.ge [sflag:s24], $0x40  }
0xaa: {  	[sflag:s24] =	ssyncset.done $0x0  }
0xab: {  	[sflag:s24] =	ssyncadd.s32 $0xFFFFFFC0  }
0xac: {  	_ =	swait.ge [sflag:s24], $0x40  }
0xad: {  	[sflag:s24] =	ssyncset.done $0x0  }
0xae: {  	[sflag:s24] =	ssyncadd.s32 $0xFFFFFFC0  }
0xaf: {  	_ =	swait.ge [sflag:s24], $0x40  }
0xb0: {  	[sflag:s24] =	ssyncset.done $0x0  }
0xb1: {  	[sflag:s24] =	ssyncadd.s32 $0xFFFFFFC0  }
0xb2: {  	_ =	swait.ge [sflag:s24], $0x40  }
0xb3: {  	[sflag:s24] =	ssyncset.done $0x0  }
0xb4: {  	[sflag:s24] =	ssyncadd.s32 $0xFFFFFFC0  }
0xb5: {  	_ =	swait.ge [sflag:s24], $0x40  }
0xb6: {  	[sflag:s24] =	ssyncset.done $0x0  }
0xb7: {  	[sflag:s24] =	ssyncadd.s32 $0xFFFFFFC0  }
0xb8: {  	_ =	swait.ge [sflag:s24], $0x40  }
0xb9: {  	[sflag:s24] =	ssyncset.done $0x0  }
0xba: {  	[sflag:s24] =	ssyncadd.s32 $0xFFFFFFC0  }
0xbb: {  	_ =	swait.ge [sflag:s24], $0x40  }
0xbc: {  	[sflag:s24] =	ssyncset.done $0x0  }
0xbd: {  	[sflag:s24] =	ssyncadd.s32 $0xFFFFFFC0  }
.LBB2_13:
0xbe: {  	s3 =	sadd.s32 $0x1, s3  }
0xbf: {  	p2 =	seq.s32 s3, s28  }
.Ltmp7:
0xc0: {  	_ = 	snop;
	(pc) =	sbr.rel @p2 .LBB2_14-.Ltmp7, $3  }
0xc1: {  	_ =	sdelay $0x1  }
0xc2: {  	p1 =	sgt.s32 s7, $0x1FF;
	s5 =	smov.u32 s7  }
0xc3: {  	s5 =	simm.s32 @p1 $0x0  }
.LBB2_6:
0xc4: {  	s6 =	sshll.u32 s3, $0x4  }
0xc5: {  	v19 =	vld [tilespmem:s6+$0x4000];
	_ =	sdelay $0x3  }
0xc6: {  	v20 =	vor.u32 s6, v2  }
0xc7: {  	vm2 =	vlt.s32 v20, v16;
	vm1 =	vlt.s32 v19, v18  }
0xc8: {  	vm3 =	vge.s32 v19, v17;
	vm1 =	vmand vm1, vm2  }
0xc9: {  	vm1 =	vmand vm1, vm3  }
0xca: {  	v20 =	vsel vm1, $0x1, v3  }
0xcb: {  	(xrf0) =	vadd.scan.msk.s32 $0xffff, v20;
	_ =	sdelay $0x5  }
0xcc: {  	v20, _, _ =	vpop (xrf0)  }
0xcd: {  	(v2sf) =	vpush v20, $0xF;
	_ =	sdelay $0xe  }
0xce: {  	s20 =	spop (v2sf)  }
0xcf: {  	s7 =	sadd.s32 s5, s20  }
0xd0: {  	v20 =	vld [tilespmem:s6+$0x8080];
	p1 =	slt.s32 s7, $0x200  }
.Ltmp8:
0xd1: {  	_ = 	snop;
	(pc) =	sbr.rel @p1 .LBB2_13-.Ltmp8, $3  }
0xd2: {  	_ =	sdelay $0x1  }
0xd3: {  	[tilespmem:s5+$0x1E100] =	vst.msk vm1, v19  }
0xd4: {  	[tilespmem:s5+$0x1E380] =	vst.msk vm1, v20  }
0xd5: {  	p2 =	sne.s32 s7, $0x1  }
.Ltmp9:
0xd6: {  	_ = 	snop;
	(pc) =	sbr.rel @!p2 .LBB2_8-.Ltmp9, $2  }
0xd7: {  	_ =	sdelay $0x2  }
0xd8: {  	s5 =	simm.s32 $0x1;
	p3 =	por $0x1, $0x1;
	v19 =	vmov s0;
	p1 =	por $0x0, $0x0  }
0xd9: {  	s6 =	simm.s32 @!p3 $0x3  }
0xda: {  	_ =	swait.ge @!p3 [sflag:s6], $0x40  }
0xdb: {  	[sflag:s6] =	ssyncset.done @!p3 $0x0  }
0xdc: {  	[sflag:s6] =	ssyncadd.s32 @!p3 $0xFFFFFFC0  }
0xdd: {  	v20 =	vld.idx.msk [tilespmem:v19+s22+$0x0], $0xffff  }
0xde: {  	v19 =	vld.idx.msk [tilespmem:v19+s23+$0x0], $0xffff;
	_ =	sdelay $0x3  }
0xdf: {  	v21 =	vsub.s32 v20, v17  }
0xe0: {  	v19 =	vnsel vm0, $0x0, v19;
	v21 =	vshll.u32 v21, $0x3  }
0xe1: {  	(xrf0) =	vadd.scan.msk.s32 $0xffff, v19;
	v19 =	vand.u32 $0x7F, v20;
	v20 =	vand.u32 $0xFFFFFC00, v21  }
0xe2: {  	v19 =	vor.u32 v19, v20  }
0xe3: {  	v20 =	vadd.s32 v4, v19;
	_ =	sdelay $0x4  }
0xe4: {  	v21, _, _ =	vpop (xrf0);
	v20 =	vld.idx.msk [tilespmem:v20+s21+$0x0], $0xffff  }
0xe5: {  	(v2sf) =	vpush v21, $0xF;
	v21 =	vadd.s32 v5, v19;
	_ =	sdelay $0x2  }
0xe6: {  	s19 =	sand.u32 $0x1C0, s0  }
0xe7: {  	[tilespmem:s19+$0x1E600] =	vst v20  }
0xe8: {  	v20 =	vld.idx.msk [tilespmem:v21+s21+$0x0], $0xffff  }
0xe9: {  	v21 =	vadd.s32 v6, v19;
	_ =	sdelay $0x3  }
0xea: {  	[tilespmem:s19+$0x1E610] =	vst v20  }
0xeb: {  	v20 =	vld.idx.msk [tilespmem:v21+s21+$0x0], $0xffff  }
0xec: {  	v19 =	vadd.s32 v7, v19;
	_ =	sdelay $0x3  }
0xed: {  	p2 =	sne.s32 s7, $0x2;
	[tilespmem:s19+$0x1E620] =	vst v20  }
.Ltmp10:
0xee: {  	v20 =	vld.idx.msk [tilespmem:v19+s21+$0x0], $0xffff;
	(pc) =	sbr.rel @!p2 .LBB2_10-.Ltmp10, $4  }
0xef: {  	s20 =	spop (v2sf)  }
0xf0: {  	p1 =	por $0x1, $0x1;
	s15 =	sshll.u32 s20, $0x3  }
0xf1: {  	s6 =	simm.s32 $0x2;
	p3 =	por $0x1, $0x1;
	s15 =	sand.u32 $0x1FFFFFF8, s15  }
0xf2: {  	s20 =	sor.u32 $0x1E600, s19;
	s16 =	sadd.s32 s9, s15;
	v19 =	vmov s5;
	s5 =	simm.s32 $0x0  }
.LBB2_11:
0xf3: {  	s10 =	simm.s32 @!p3 $0x3  }
0xf4: {  	[tilespmem:s19+$0x1E630] =	vst v20;
	s5 =	sadd.s32 $0x40, s5;
	s15 =	smov.u32 s6;
	s6 =	sadd.s32 $0x1, s6  }
0xf5: {  	[hbm4b:s16+s8] =	stream.linear.scatter [tilespmem:s20], [sflag:$0x3], $0x40, $0x38;
	[tilespmem:$0x1EA00] =	vst v63  }
0xf6: {  	p2 =	sne.s32 s7, s6;
	_ =	swait.ge @!p3 [sflag:s10], $0x40  }
0xf7: {  	[sflag:s10] =	ssyncset.done @!p3 $0x0  }
0xf8: {  	[sflag:s10] =	ssyncadd.s32 @!p3 $0xFFFFFFC0  }
0xf9: {  	v20 =	vld.idx.msk [tilespmem:v19+s22+$0x0], $0xffff  }
0xfa: {  	v19 =	vld.idx.msk [tilespmem:v19+s23+$0x0], $0xffff;
	_ =	sdelay $0x4  }
0xfb: {  	v21 =	vsub.s32 v20, v17  }
0xfc: {  	v21 =	vshll.u32 v21, $0x3;
	v19 =	vnsel vm0, $0x0, v19  }
0xfd: {  	v20 =	vand.u32 $0x7F, v20;
	v21 =	vand.u32 $0xFFFFFC00, v21;
	(xrf0) =	vadd.scan.msk.s32 $0xffff, v19  }
0xfe: {  	v19 =	vor.u32 v20, v21  }
0xff: {  	v20 =	vadd.s32 v4, v19;
	_ =	sdelay $0x3  }
0x100: {  	v21, _, _ =	vpop (xrf0)  }
0x101: {  	v20 =	vld.idx.msk [tilespmem:v20+s21+$0x0], $0xffff;
	(v2sf) =	vpush v21, $0xF;
	_ =	sdelay $0x1  }
0x102: {  	v21 =	vadd.s32 v5, v19;
	_ =	sdelay $0x2  }
0x103: {  	s19 =	sand.u32 $0x1C0, s5  }
0x104: {  	s20 =	sor.u32 $0x1E600, s19;
	[tilespmem:s19+$0x1E600] =	vst v20  }
0x105: {  	v20 =	vld.idx.msk [tilespmem:v21+s21+$0x0], $0xffff;
	_ =	sdelay $0x1  }
0x106: {  	v21 =	vadd.s32 v6, v19;
	_ =	sdelay $0x3  }
0x107: {  	[tilespmem:s19+$0x1E610] =	vst v20  }
0x108: {  	v20 =	vld.idx.msk [tilespmem:v21+s21+$0x0], $0xffff  }
0x109: {  	s10 =	spop (v2sf)  }
0x10a: {  	v19 =	vadd.s32 v7, v19;
	s10 =	sshll.u32 s10, $0x3  }
0x10b: {  	s10 =	sand.u32 $0x1FFFFFF8, s10  }
0x10c: {  	s16 =	sadd.s32 s9, s10;
	_ =	sdelay $0x1  }
0x10d: {  	[tilespmem:s19+$0x1E620] =	vst v20  }
0x10e: {  	v20 =	vld.idx.msk [tilespmem:v19+s21+$0x0], $0xffff  }
.Ltmp11:
0x10f: {  	(pc) =	sbr.rel @p2 .LBB2_11-.Ltmp11, $2  }
0x110: {  	_ =	sdelay $0x2  }
0x111: {  	p3 =	slt.u32 s15, $0x8;
	v19 =	vmov s15  }
.Ltmp12:
0x112: {  	_ = 	snop;
	(pc) =	sbr.rel .LBB2_12-.Ltmp12, $1  }
0x113: {  	_ =	sdelay $0x3  }
.LBB2_10:
.Ltmp13:
0x114: {  	(pc) =	sbr.rel .LBB2_12-.Ltmp13, $2  }
0x115: {  	_ =	sdelay $0x2  }
0x116: {  	s5 =	simm.s32 $0x0  }
.LBB2_14:
0x117: {  	p1 =	sgt.s32 s5, $0x0  }
.Ltmp14:
0x118: {  	_ = 	snop;
	(pc) =	sbr.rel @!p1 .LBB2_23-.Ltmp14, $2  }
0x119: {  	_ =	sdelay $0x2  }
0x11a: {  	s0 =	simm.s32 $0x0  }
0x11b: {  	p2 =	sne.s32 s5, $0x1  }
.Ltmp15:
0x11c: {  	_ = 	snop;
	(pc) =	sbr.rel @!p2 .LBB2_16-.Ltmp15, $2  }
0x11d: {  	_ =	sdelay $0x2  }
0x11e: {  	s3 =	simm.s32 $0x1;
	p3 =	por $0x1, $0x1;
	v18 =	vmov s0;
	p1 =	por $0x0, $0x0  }
0x11f: {  	s6 =	simm.s32 @!p3 $0x3  }
0x120: {  	_ =	swait.ge @!p3 [sflag:s6], $0x40  }
0x121: {  	[sflag:s6] =	ssyncset.done @!p3 $0x0  }
0x122: {  	[sflag:s6] =	ssyncadd.s32 @!p3 $0xFFFFFFC0  }
0x123: {  	v19 =	vld.idx.msk [tilespmem:v18+s22+$0x0], $0xffff  }
0x124: {  	v18 =	vld.idx.msk [tilespmem:v18+s23+$0x0], $0xffff;
	_ =	sdelay $0x3  }
0x125: {  	v20 =	vsub.s32 v19, v17  }
0x126: {  	v18 =	vnsel vm0, $0x0, v18;
	v20 =	vshll.u32 v20, $0x3  }
0x127: {  	(xrf0) =	vadd.scan.msk.s32 $0xffff, v18;
	v18 =	vand.u32 $0x7F, v19;
	v19 =	vand.u32 $0xFFFFFC00, v20  }
0x128: {  	v18 =	vor.u32 v18, v19  }
0x129: {  	v19 =	vadd.s32 v4, v18;
	_ =	sdelay $0x4  }
0x12a: {  	v20, _, _ =	vpop (xrf0);
	v19 =	vld.idx.msk [tilespmem:v19+s21+$0x0], $0xffff  }
0x12b: {  	(v2sf) =	vpush v20, $0xF;
	v20 =	vadd.s32 v5, v18;
	_ =	sdelay $0x2  }
0x12c: {  	s19 =	sand.u32 $0x1C0, s0  }
0x12d: {  	[tilespmem:s19+$0x1E600] =	vst v19  }
0x12e: {  	v19 =	vld.idx.msk [tilespmem:v20+s21+$0x0], $0xffff  }
0x12f: {  	v20 =	vadd.s32 v6, v18;
	_ =	sdelay $0x3  }
0x130: {  	[tilespmem:s19+$0x1E610] =	vst v19  }
0x131: {  	v19 =	vld.idx.msk [tilespmem:v20+s21+$0x0], $0xffff  }
0x132: {  	v18 =	vadd.s32 v7, v18;
	_ =	sdelay $0x2  }
0x133: {  	p2 =	sne.s32 s5, $0x2  }
.Ltmp16:
0x134: {  	[tilespmem:s19+$0x1E620] =	vst v19;
	(pc) =	sbr.rel @!p2 .LBB2_18-.Ltmp16, $4  }
0x135: {  	s20 =	spop (v2sf);
	v19 =	vld.idx.msk [tilespmem:v18+s21+$0x0], $0xffff  }
0x136: {  	p1 =	por $0x1, $0x1;
	s10 =	sshll.u32 s20, $0x3  }
0x137: {  	s6 =	simm.s32 $0x2;
	p3 =	por $0x1, $0x1;
	s10 =	sand.u32 $0x1FFFFFF8, s10  }
0x138: {  	s20 =	sor.u32 $0x1E600, s19;
	s16 =	sadd.s32 s9, s10;
	v18 =	vmov s3;
	s3 =	simm.s32 $0x0  }
.LBB2_19:
0x139: {  	s10 =	simm.s32 @!p3 $0x3  }
0x13a: {  	[tilespmem:s19+$0x1E630] =	vst v19;
	s3 =	sadd.s32 $0x40, s3;
	s15 =	smov.u32 s6;
	s6 =	sadd.s32 $0x1, s6  }
0x13b: {  	[hbm4b:s16+s8] =	stream.linear.scatter [tilespmem:s20], [sflag:$0x3], $0x40, $0x38;
	[tilespmem:$0x1EA00] =	vst v63  }
0x13c: {  	p2 =	sne.s32 s5, s6;
	_ =	swait.ge @!p3 [sflag:s10], $0x40  }
0x13d: {  	[sflag:s10] =	ssyncset.done @!p3 $0x0  }
0x13e: {  	[sflag:s10] =	ssyncadd.s32 @!p3 $0xFFFFFFC0  }
0x13f: {  	v19 =	vld.idx.msk [tilespmem:v18+s22+$0x0], $0xffff  }
0x140: {  	v18 =	vld.idx.msk [tilespmem:v18+s23+$0x0], $0xffff;
	_ =	sdelay $0x4  }
0x141: {  	v20 =	vsub.s32 v19, v17  }
0x142: {  	v20 =	vshll.u32 v20, $0x3;
	v18 =	vnsel vm0, $0x0, v18  }
0x143: {  	v19 =	vand.u32 $0x7F, v19;
	v20 =	vand.u32 $0xFFFFFC00, v20;
	(xrf0) =	vadd.scan.msk.s32 $0xffff, v18  }
0x144: {  	v18 =	vor.u32 v19, v20  }
0x145: {  	v19 =	vadd.s32 v4, v18;
	_ =	sdelay $0x3  }
0x146: {  	v20, _, _ =	vpop (xrf0)  }
0x147: {  	v19 =	vld.idx.msk [tilespmem:v19+s21+$0x0], $0xffff;
	(v2sf) =	vpush v20, $0xF;
	_ =	sdelay $0x1  }
0x148: {  	v20 =	vadd.s32 v5, v18;
	_ =	sdelay $0x2  }
0x149: {  	s19 =	sand.u32 $0x1C0, s3  }
0x14a: {  	s20 =	sor.u32 $0x1E600, s19;
	[tilespmem:s19+$0x1E600] =	vst v19  }
0x14b: {  	v19 =	vld.idx.msk [tilespmem:v20+s21+$0x0], $0xffff;
	_ =	sdelay $0x1  }
0x14c: {  	v20 =	vadd.s32 v6, v18;
	_ =	sdelay $0x3  }
0x14d: {  	[tilespmem:s19+$0x1E610] =	vst v19  }
0x14e: {  	v19 =	vld.idx.msk [tilespmem:v20+s21+$0x0], $0xffff  }
0x14f: {  	s10 =	spop (v2sf)  }
0x150: {  	v18 =	vadd.s32 v7, v18;
	s10 =	sshll.u32 s10, $0x3  }
0x151: {  	s10 =	sand.u32 $0x1FFFFFF8, s10  }
0x152: {  	s16 =	sadd.s32 s9, s10;
	_ =	sdelay $0x1  }
0x153: {  	[tilespmem:s19+$0x1E620] =	vst v19  }
0x154: {  	v19 =	vld.idx.msk [tilespmem:v18+s21+$0x0], $0xffff  }
.Ltmp17:
0x155: {  	(pc) =	sbr.rel @p2 .LBB2_19-.Ltmp17, $2  }
0x156: {  	_ =	sdelay $0x2  }
0x157: {  	p3 =	slt.u32 s15, $0x8;
	v18 =	vmov s15  }
.LBB2_20:
0x158: {  	s5 =	simm.s32 @!p3 $0x3;
	[tilespmem:s19+$0x1E630] =	vst @p1 v19  }
0x159: {  	[hbm4b:s16+s8] =	stream.linear.scatter @p1 [tilespmem:s20], [sflag:$0x3], $0x40, $0x38;
	[tilespmem:$0x1EA00] =	vst v63  }
0x15a: {  	_ =	swait.ge @!p3 [sflag:s5], $0x40  }
0x15b: {  	[sflag:s5] =	ssyncset.done @!p3 $0x0  }
0x15c: {  	[sflag:s5] =	ssyncadd.s32 @!p3 $0xFFFFFFC0  }
0x15d: {  	v19 =	vld.idx.msk [tilespmem:v18+s22+$0x0], $0xffff;
	_ =	sdelay $0x4  }
0x15e: {  	v17 =	vsub.s32 v19, v17  }
0x15f: {  	v18 =	vld.idx.msk [tilespmem:v18+s23+$0x0], $0xffff;
	v17 =	vshll.u32 v17, $0x3  }
0x160: {  	v19 =	vand.u32 $0x7F, v19;
	v17 =	vand.u32 $0xFFFFFC00, v17  }
0x161: {  	v17 =	vor.u32 v19, v17  }
0x162: {  	v19 =	vadd.s32 v4, v17;
	_ =	sdelay $0x1  }
0x163: {  	v18 =	vnsel vm0, $0x0, v18  }
0x164: {  	(xrf0) =	vadd.scan.msk.s32 $0xffff, v18;
	_ =	sdelay $0x1  }
0x165: {  	v18 =	vld.idx.msk [tilespmem:v19+s21+$0x0], $0xffff  }
0x166: {  	v19 =	vadd.s32 v5, v17  }
0x167: {  	s3 =	sadd.s32 @p1 $0x40, s3  }
0x168: {  	s0 =	smov.u32 @p1 s3  }
0x169: {  	s0 =	sand.u32 $0x1C0, s0;
	v20, _, _ =	vpop (xrf0)  }
0x16a: {  	(v2sf) =	vpush v20, $0xF;
	[tilespmem:s0+$0x1E600] =	vst v18  }
0x16b: {  	v18 =	vld.idx.msk [tilespmem:v19+s21+$0x0], $0xffff  }
0x16c: {  	v19 =	vadd.s32 v6, v17;
	_ =	sdelay $0x3  }
0x16d: {  	[tilespmem:s0+$0x1E610] =	vst v18  }
0x16e: {  	v18 =	vld.idx.msk [tilespmem:v19+s21+$0x0], $0xffff  }
0x16f: {  	v17 =	vadd.s32 v7, v17;
	_ =	sdelay $0x3  }
0x170: {  	[tilespmem:s0+$0x1E620] =	vst v18  }
0x171: {  	v17 =	vld.idx.msk [tilespmem:v17+s21+$0x0], $0xffff  }
0x172: {  	p1 =	slt.s32 s7, $0x8  }
0x173: {  	s7 =	simm.s32 @!p1 $0x8;
	s19 =	spop (v2sf)  }
0x174: {  	p1 =	sne.s32 s7, $0x1;
	s3 =	sshll.u32 s19, $0x3  }
.Ltmp18:
0x175: {  	s3 =	sand.u32 $0x1FFFFFF8, s3;
	(pc) =	sbr.rel @!p1 .LBB2_22-.Ltmp18, $4  }
0x176: {  	s20 =	sor.u32 $0x1E600, s0;
	s3 =	sadd.s32 s9, s3;
	[tilespmem:s0+$0x1E630] =	vst v17  }
0x177: {  	[hbm4b:s3+s8] =	stream.linear.scatter [tilespmem:s20], [sflag:$0x3], $0x40, $0x38;
	[tilespmem:$0x1EA00] =	vst v63  }
0x178: {  	_ =	swait.ge [sflag:s24], $0x40  }
0x179: {  	s0 =	sadd.s32 $0xFFFFFFFF, s7;
	[sflag:s24] =	ssyncset.done $0x0  }
.LBB2_21:
0x17a: {  	p1 =	sne.s32 s0, $0x1;
	s0 =	sadd.s32 $0xFFFFFFFF, s0;
	[sflag:s24] =	ssyncadd.s32 $0xFFFFFFC0  }
.Ltmp19:
0x17b: {  	(pc) =	sbr.rel @p1 .LBB2_21-.Ltmp19, $3  }
0x17c: {  	_ =	sdelay $0x1  }
0x17d: {  	_ =	swait.ge [sflag:s24], $0x40  }
0x17e: {  	[sflag:s24] =	ssyncset.done $0x0  }
.LBB2_22:
0x17f: {  	[sflag:s24] =	ssyncadd.s32 $0xFFFFFFC0  }
.LBB2_23:
0x180: {  	p1 =	sge.u32 s30, s1  }
.Ltmp20:
0x181: {  	_ = 	snop;
	(pc) =	sbr.rel @p1 .LBB2_43-.Ltmp20, $1  }
0x182: {  	_ =	sdelay $0x3  }
0x183: {  	s0 =	sadd.s32 $0x2, s31  }
0x184: {  	p1 =	sge.u32 s0, s1  }
0x185: {  	s0 =	sadd.s32 @!p1 s2, s0  }
0x186: {  	s3 =	simm.s32 @!p1 $0x1000;
	s0 =	sshll.u32 @!p1 s0, $0x9  }
0x187: {  	s5 =	simm.s32 @!p1 $0x7A1400;
	s0 =	sand.u32 @!p1 $0x1FFFFE00, s0  }
.Ltmp21:
0x188: {  	s6 =	simm.s32 @!p1 $0xC100;
	s0 =	sadd.s32 @!p1 s4, s0;
	(pc) =	sbr.rel @p0 .LBB2_48-.Ltmp21, $4  }
0x189: {  	[tilespmem:s6], [sflag:$0x1] =	stream.strided.gather @!p1 [hbm4b:s0+s3], $0x8000, s5, s3, $0x38;
	[tilespmem:$0x1EA00] =	vst v63  }
0x18a: {  	_ =	swait.ge [sflag:s18], $0x8000  }
0x18b: {  	[sflag:s18] =	ssyncset.done $0x0  }
0x18c: {  	[sflag:s18] =	ssyncadd.s32 $0xFFFF8000  }
.Ltmp22:
0x18d: {  	(pc) =	sbr.rel .LBB2_26-.Ltmp22, $4  }
0x18e: {  	s0 =	sadd.s32 s2, s30  }
0x18f: {  	s0 =	sshll.u32 s0, $0x9  }
0x190: {  	s3 =	sadd.s32 $0x200, s0  }
0x191: {  	s5 =	simm.s32 $0x0;
	v17 =	vmov s0;
	s0 =	simm.s32 $0x0;
	v18 =	vmov s3;
	s3 =	simm.s32 $0x0  }
.LBB2_48:
0x192: {  	s29 =	sadd.s32 $0x1, s29  }
0x193: {  	p1 =	seq.s32 s29, $0x20  }
.Ltmp23:
0x194: {  	_ = 	snop;
	(pc) =	sbr.rel @!p1 .LBB2_4-.Ltmp23, $4  }
.Ltmp24:
0x195: {  	_ = 	snop;
	(pc) =	sbr.rel @p1 .LBB2_63-.Ltmp24, $4  }
0x196: {  	_ = 	snop  }
0x197: {  	_ = 	snop  }
0x198: {  	_ = 	snop  }
0x199: {  	_ = 	snop  }
.LBB2_28:
0x19a: {  	s5 =	simm.s32 $0x0  }
.LBB2_32:
0x19b: {  	s6 =	simm.s32 @!p3 $0x3;
	[tilespmem:s19+$0x1E630] =	vst @p1 v20  }
0x19c: {  	[hbm4b:s16+s8] =	stream.linear.scatter @p1 [tilespmem:s20], [sflag:$0x3], $0x40, $0x38;
	[tilespmem:$0x1EA00] =	vst v63  }
0x19d: {  	_ =	swait.ge @!p3 [sflag:s6], $0x40  }
0x19e: {  	[sflag:s6] =	ssyncset.done @!p3 $0x0  }
0x19f: {  	[sflag:s6] =	ssyncadd.s32 @!p3 $0xFFFFFFC0  }
0x1a0: {  	v20 =	vld.idx.msk [tilespmem:v19+s22+$0x0], $0xffff;
	_ =	sdelay $0x4  }
0x1a1: {  	v21 =	vsub.s32 v20, v17  }
0x1a2: {  	v19 =	vld.idx.msk [tilespmem:v19+s23+$0x0], $0xffff;
	v21 =	vshll.u32 v21, $0x3  }
0x1a3: {  	v20 =	vand.u32 $0x7F, v20;
	v21 =	vand.u32 $0xFFFFFC00, v21  }
0x1a4: {  	v20 =	vor.u32 v20, v21  }
0x1a5: {  	v21 =	vadd.s32 v8, v20;
	_ =	sdelay $0x1  }
0x1a6: {  	v19 =	vnsel vm0, $0x0, v19  }
0x1a7: {  	(xrf0) =	vadd.scan.msk.s32 $0xffff, v19;
	_ =	sdelay $0x1  }
0x1a8: {  	v19 =	vld.idx.msk [tilespmem:v21+s21+$0x0], $0xffff  }
0x1a9: {  	v62 =	vadd.s32 v9, v20  }
0x1aa: {  	s5 =	sadd.s32 @p1 $0x40, s5;
	s6 =	simm.s32 $0x0  }
0x1ab: {  	s6 =	smov.u32 @p1 s5  }
0x1ac: {  	s5 =	sand.u32 $0x1C0, s6;
	v22, _, _ =	vpop (xrf0)  }
0x1ad: {  	(v2sf) =	vpush v22, $0xF;
	[tilespmem:s5+$0x1E600] =	vst v19  }
0x1ae: {  	v19 =	vld.idx.msk [tilespmem:v62+s21+$0x0], $0xffff  }
0x1af: {  	v63 =	vadd.s32 v10, v20;
	_ =	sdelay $0x3  }
0x1b0: {  	[tilespmem:s5+$0x1E610] =	vst v19  }
0x1b1: {  	v19 =	vld.idx.msk [tilespmem:v63+s21+$0x0], $0xffff  }
0x1b2: {  	v20 =	vadd.s32 v11, v20;
	_ =	sdelay $0x3  }
0x1b3: {  	[tilespmem:s5+$0x1E620] =	vst v19  }
0x1b4: {  	v19 =	vld.idx.msk [tilespmem:v20+s21+$0x0], $0xffff;
	_ =	sdelay $0x1  }
0x1b5: {  	s31 =	spop (v2sf)  }
0x1b6: {  	s6 =	sshll.u32 s31, $0x3  }
0x1b7: {  	s6 =	sand.u32 $0x1FFFFFF8, s6  }
0x1b8: {  	s10 =	sor.u32 $0x1E600, s5;
	s6 =	sadd.s32 s9, s6;
	[tilespmem:s5+$0x1E630] =	vst v19  }
0x1b9: {  	[hbm4b:s6+s8] =	stream.linear.scatter [tilespmem:s10], [sflag:$0x3], $0x40, $0x38;
	[tilespmem:$0x1EA00] =	vst v63  }
0x1ba: {  	_ =	swait.ge [sflag:s24], $0x40  }
0x1bb: {  	[sflag:s24] =	ssyncset.done $0x0  }
0x1bc: {  	[sflag:s24] =	ssyncadd.s32 $0xFFFFFFC0  }
0x1bd: {  	_ =	swait.ge [sflag:s24], $0x40  }
0x1be: {  	[sflag:s24] =	ssyncset.done $0x0  }
0x1bf: {  	[sflag:s24] =	ssyncadd.s32 $0xFFFFFFC0  }
0x1c0: {  	_ =	swait.ge [sflag:s24], $0x40  }
0x1c1: {  	[sflag:s24] =	ssyncset.done $0x0  }
0x1c2: {  	[sflag:s24] =	ssyncadd.s32 $0xFFFFFFC0  }
0x1c3: {  	_ =	swait.ge [sflag:s24], $0x40  }
0x1c4: {  	[sflag:s24] =	ssyncset.done $0x0  }
0x1c5: {  	[sflag:s24] =	ssyncadd.s32 $0xFFFFFFC0  }
0x1c6: {  	_ =	swait.ge [sflag:s24], $0x40  }
0x1c7: {  	[sflag:s24] =	ssyncset.done $0x0  }
0x1c8: {  	[sflag:s24] =	ssyncadd.s32 $0xFFFFFFC0  }
0x1c9: {  	_ =	swait.ge [sflag:s24], $0x40  }
0x1ca: {  	[sflag:s24] =	ssyncset.done $0x0  }
0x1cb: {  	[sflag:s24] =	ssyncadd.s32 $0xFFFFFFC0  }
0x1cc: {  	_ =	swait.ge [sflag:s24], $0x40  }
0x1cd: {  	[sflag:s24] =	ssyncset.done $0x0  }
0x1ce: {  	[sflag:s24] =	ssyncadd.s32 $0xFFFFFFC0  }
0x1cf: {  	_ =	swait.ge [sflag:s24], $0x40  }
0x1d0: {  	[sflag:s24] =	ssyncset.done $0x0  }
0x1d1: {  	[sflag:s24] =	ssyncadd.s32 $0xFFFFFFC0  }
.LBB2_33:
0x1d2: {  	s3 =	sadd.s32 $0x1, s3  }
0x1d3: {  	p2 =	seq.s32 s3, s28  }
.Ltmp25:
0x1d4: {  	_ = 	snop;
	(pc) =	sbr.rel @p2 .LBB2_34-.Ltmp25, $3  }
0x1d5: {  	_ =	sdelay $0x1  }
0x1d6: {  	p1 =	sgt.s32 s7, $0x1FF;
	s5 =	smov.u32 s7  }
0x1d7: {  	s5 =	simm.s32 @p1 $0x0  }
.LBB2_26:
0x1d8: {  	s6 =	sshll.u32 s3, $0x4  }
0x1d9: {  	v19 =	vld [tilespmem:s6+$0x4000];
	_ =	sdelay $0x3  }
0x1da: {  	v20 =	vor.u32 s6, v2  }
0x1db: {  	vm2 =	vlt.s32 v20, v16;
	vm1 =	vlt.s32 v19, v18  }
0x1dc: {  	vm3 =	vge.s32 v19, v17;
	vm1 =	vmand vm1, vm2  }
0x1dd: {  	vm1 =	vmand vm1, vm3  }
0x1de: {  	v20 =	vsel vm1, $0x1, v3  }
0x1df: {  	(xrf0) =	vadd.scan.msk.s32 $0xffff, v20;
	_ =	sdelay $0x5  }
0x1e0: {  	v20, _, _ =	vpop (xrf0)  }
0x1e1: {  	(v2sf) =	vpush v20, $0xF;
	_ =	sdelay $0xe  }
0x1e2: {  	s31 =	spop (v2sf)  }
0x1e3: {  	s7 =	sadd.s32 s5, s31  }
0x1e4: {  	v20 =	vld [tilespmem:s6+$0x8080];
	p1 =	slt.s32 s7, $0x200  }
.Ltmp26:
0x1e5: {  	_ = 	snop;
	(pc) =	sbr.rel @p1 .LBB2_33-.Ltmp26, $3  }
0x1e6: {  	_ =	sdelay $0x1  }
0x1e7: {  	[tilespmem:s5+$0x1E100] =	vst.msk vm1, v19  }
0x1e8: {  	[tilespmem:s5+$0x1E380] =	vst.msk vm1, v20  }
0x1e9: {  	p2 =	sne.s32 s7, $0x1  }
.Ltmp27:
0x1ea: {  	_ = 	snop;
	(pc) =	sbr.rel @!p2 .LBB2_28-.Ltmp27, $2  }
0x1eb: {  	_ =	sdelay $0x2  }
0x1ec: {  	s5 =	simm.s32 $0x1;
	p3 =	por $0x1, $0x1;
	v19 =	vmov s0;
	p1 =	por $0x0, $0x0  }
0x1ed: {  	s6 =	simm.s32 @!p3 $0x3  }
0x1ee: {  	_ =	swait.ge @!p3 [sflag:s6], $0x40  }
0x1ef: {  	[sflag:s6] =	ssyncset.done @!p3 $0x0  }
0x1f0: {  	[sflag:s6] =	ssyncadd.s32 @!p3 $0xFFFFFFC0  }
0x1f1: {  	v20 =	vld.idx.msk [tilespmem:v19+s22+$0x0], $0xffff  }
0x1f2: {  	v19 =	vld.idx.msk [tilespmem:v19+s23+$0x0], $0xffff;
	_ =	sdelay $0x3  }
0x1f3: {  	v21 =	vsub.s32 v20, v17  }
0x1f4: {  	v19 =	vnsel vm0, $0x0, v19;
	v21 =	vshll.u32 v21, $0x3  }
0x1f5: {  	(xrf0) =	vadd.scan.msk.s32 $0xffff, v19;
	v19 =	vand.u32 $0x7F, v20;
	v20 =	vand.u32 $0xFFFFFC00, v21  }
0x1f6: {  	v19 =	vor.u32 v19, v20  }
0x1f7: {  	v20 =	vadd.s32 v8, v19;
	_ =	sdelay $0x4  }
0x1f8: {  	v21, _, _ =	vpop (xrf0);
	v20 =	vld.idx.msk [tilespmem:v20+s21+$0x0], $0xffff  }
0x1f9: {  	(v2sf) =	vpush v21, $0xF;
	v21 =	vadd.s32 v9, v19;
	_ =	sdelay $0x2  }
0x1fa: {  	s19 =	sand.u32 $0x1C0, s0  }
0x1fb: {  	[tilespmem:s19+$0x1E600] =	vst v20  }
0x1fc: {  	v20 =	vld.idx.msk [tilespmem:v21+s21+$0x0], $0xffff  }
0x1fd: {  	v21 =	vadd.s32 v10, v19;
	_ =	sdelay $0x3  }
0x1fe: {  	[tilespmem:s19+$0x1E610] =	vst v20  }
0x1ff: {  	v20 =	vld.idx.msk [tilespmem:v21+s21+$0x0], $0xffff  }
0x200: {  	v19 =	vadd.s32 v11, v19;
	_ =	sdelay $0x3  }
0x201: {  	p2 =	sne.s32 s7, $0x2;
	[tilespmem:s19+$0x1E620] =	vst v20  }
.Ltmp28:
0x202: {  	v20 =	vld.idx.msk [tilespmem:v19+s21+$0x0], $0xffff;
	(pc) =	sbr.rel @!p2 .LBB2_30-.Ltmp28, $4  }
0x203: {  	s31 =	spop (v2sf)  }
0x204: {  	p1 =	por $0x1, $0x1;
	s10 =	sshll.u32 s31, $0x3  }
0x205: {  	s20 =	sor.u32 $0x1E600, s19;
	s6 =	simm.s32 $0x2;
	s10 =	sand.u32 $0x1FFFFFF8, s10  }
0x206: {  	p3 =	por $0x1, $0x1;
	s16 =	sadd.s32 s9, s10;
	v19 =	vmov s5;
	s5 =	simm.s32 $0x0  }
.LBB2_31:
0x207: {  	s10 =	simm.s32 @!p3 $0x3  }
0x208: {  	[tilespmem:s19+$0x1E630] =	vst v20;
	s5 =	sadd.s32 $0x40, s5;
	s15 =	smov.u32 s6;
	s6 =	sadd.s32 $0x1, s6  }
0x209: {  	[hbm4b:s16+s8] =	stream.linear.scatter [tilespmem:s20], [sflag:$0x3], $0x40, $0x38;
	[tilespmem:$0x1EA00] =	vst v63  }
0x20a: {  	p2 =	sne.s32 s7, s6;
	_ =	swait.ge @!p3 [sflag:s10], $0x40  }
0x20b: {  	[sflag:s10] =	ssyncset.done @!p3 $0x0  }
0x20c: {  	[sflag:s10] =	ssyncadd.s32 @!p3 $0xFFFFFFC0  }
0x20d: {  	v20 =	vld.idx.msk [tilespmem:v19+s22+$0x0], $0xffff  }
0x20e: {  	v19 =	vld.idx.msk [tilespmem:v19+s23+$0x0], $0xffff;
	_ =	sdelay $0x4  }
0x20f: {  	v21 =	vsub.s32 v20, v17  }
0x210: {  	v21 =	vshll.u32 v21, $0x3;
	v19 =	vnsel vm0, $0x0, v19  }
0x211: {  	v20 =	vand.u32 $0x7F, v20;
	v21 =	vand.u32 $0xFFFFFC00, v21;
	(xrf0) =	vadd.scan.msk.s32 $0xffff, v19  }
0x212: {  	v19 =	vor.u32 v20, v21  }
0x213: {  	v20 =	vadd.s32 v8, v19;
	_ =	sdelay $0x3  }
0x214: {  	v21, _, _ =	vpop (xrf0)  }
0x215: {  	v20 =	vld.idx.msk [tilespmem:v20+s21+$0x0], $0xffff;
	(v2sf) =	vpush v21, $0xF;
	_ =	sdelay $0x1  }
0x216: {  	v21 =	vadd.s32 v9, v19;
	_ =	sdelay $0x2  }
0x217: {  	s19 =	sand.u32 $0x1C0, s5  }
0x218: {  	s20 =	sor.u32 $0x1E600, s19;
	[tilespmem:s19+$0x1E600] =	vst v20  }
0x219: {  	v20 =	vld.idx.msk [tilespmem:v21+s21+$0x0], $0xffff;
	_ =	sdelay $0x1  }
0x21a: {  	v21 =	vadd.s32 v10, v19;
	_ =	sdelay $0x3  }
0x21b: {  	[tilespmem:s19+$0x1E610] =	vst v20  }
0x21c: {  	v20 =	vld.idx.msk [tilespmem:v21+s21+$0x0], $0xffff  }
0x21d: {  	s10 =	spop (v2sf)  }
0x21e: {  	v19 =	vadd.s32 v11, v19;
	s10 =	sshll.u32 s10, $0x3  }
0x21f: {  	s10 =	sand.u32 $0x1FFFFFF8, s10  }
0x220: {  	s16 =	sadd.s32 s9, s10;
	_ =	sdelay $0x1  }
0x221: {  	[tilespmem:s19+$0x1E620] =	vst v20  }
0x222: {  	v20 =	vld.idx.msk [tilespmem:v19+s21+$0x0], $0xffff  }
.Ltmp29:
0x223: {  	(pc) =	sbr.rel @p2 .LBB2_31-.Ltmp29, $2  }
0x224: {  	_ =	sdelay $0x2  }
0x225: {  	p3 =	slt.u32 s15, $0x8;
	v19 =	vmov s15  }
.Ltmp30:
0x226: {  	_ = 	snop;
	(pc) =	sbr.rel .LBB2_32-.Ltmp30, $1  }
0x227: {  	_ =	sdelay $0x3  }
.LBB2_30:
.Ltmp31:
0x228: {  	(pc) =	sbr.rel .LBB2_32-.Ltmp31, $2  }
0x229: {  	_ =	sdelay $0x2  }
0x22a: {  	s5 =	simm.s32 $0x0  }
.LBB2_34:
0x22b: {  	p1 =	sgt.s32 s5, $0x0  }
.Ltmp32:
0x22c: {  	_ = 	snop;
	(pc) =	sbr.rel @!p1 .LBB2_43-.Ltmp32, $2  }
0x22d: {  	_ =	sdelay $0x2  }
0x22e: {  	s0 =	simm.s32 $0x0  }
0x22f: {  	p2 =	sne.s32 s5, $0x1  }
.Ltmp33:
0x230: {  	_ = 	snop;
	(pc) =	sbr.rel @!p2 .LBB2_36-.Ltmp33, $2  }
0x231: {  	_ =	sdelay $0x2  }
0x232: {  	s3 =	simm.s32 $0x1;
	p3 =	por $0x1, $0x1;
	v18 =	vmov s0;
	p1 =	por $0x0, $0x0  }
0x233: {  	s6 =	simm.s32 @!p3 $0x3  }
0x234: {  	_ =	swait.ge @!p3 [sflag:s6], $0x40  }
0x235: {  	[sflag:s6] =	ssyncset.done @!p3 $0x0  }
0x236: {  	[sflag:s6] =	ssyncadd.s32 @!p3 $0xFFFFFFC0  }
0x237: {  	v19 =	vld.idx.msk [tilespmem:v18+s22+$0x0], $0xffff  }
0x238: {  	v18 =	vld.idx.msk [tilespmem:v18+s23+$0x0], $0xffff;
	_ =	sdelay $0x3  }
0x239: {  	v20 =	vsub.s32 v19, v17  }
0x23a: {  	v18 =	vnsel vm0, $0x0, v18;
	v20 =	vshll.u32 v20, $0x3  }
0x23b: {  	(xrf0) =	vadd.scan.msk.s32 $0xffff, v18;
	v18 =	vand.u32 $0x7F, v19;
	v19 =	vand.u32 $0xFFFFFC00, v20  }
0x23c: {  	v18 =	vor.u32 v18, v19  }
0x23d: {  	v19 =	vadd.s32 v8, v18;
	_ =	sdelay $0x4  }
0x23e: {  	v20, _, _ =	vpop (xrf0);
	v19 =	vld.idx.msk [tilespmem:v19+s21+$0x0], $0xffff  }
0x23f: {  	(v2sf) =	vpush v20, $0xF;
	v20 =	vadd.s32 v9, v18;
	_ =	sdelay $0x2  }
0x240: {  	s19 =	sand.u32 $0x1C0, s0  }
0x241: {  	[tilespmem:s19+$0x1E600] =	vst v19  }
0x242: {  	v19 =	vld.idx.msk [tilespmem:v20+s21+$0x0], $0xffff  }
0x243: {  	v20 =	vadd.s32 v10, v18;
	_ =	sdelay $0x3  }
0x244: {  	[tilespmem:s19+$0x1E610] =	vst v19  }
0x245: {  	v19 =	vld.idx.msk [tilespmem:v20+s21+$0x0], $0xffff  }
0x246: {  	v18 =	vadd.s32 v11, v18;
	_ =	sdelay $0x2  }
0x247: {  	p2 =	sne.s32 s5, $0x2  }
.Ltmp34:
0x248: {  	[tilespmem:s19+$0x1E620] =	vst v19;
	(pc) =	sbr.rel @!p2 .LBB2_38-.Ltmp34, $4  }
0x249: {  	s31 =	spop (v2sf);
	v19 =	vld.idx.msk [tilespmem:v18+s21+$0x0], $0xffff  }
0x24a: {  	p1 =	por $0x1, $0x1;
	s10 =	sshll.u32 s31, $0x3  }
0x24b: {  	s20 =	sor.u32 $0x1E600, s19;
	s6 =	simm.s32 $0x2;
	s10 =	sand.u32 $0x1FFFFFF8, s10  }
0x24c: {  	p3 =	por $0x1, $0x1;
	s16 =	sadd.s32 s9, s10;
	v18 =	vmov s3;
	s3 =	simm.s32 $0x0  }
.LBB2_39:
0x24d: {  	s10 =	simm.s32 @!p3 $0x3  }
0x24e: {  	[tilespmem:s19+$0x1E630] =	vst v19;
	s3 =	sadd.s32 $0x40, s3;
	s15 =	smov.u32 s6;
	s6 =	sadd.s32 $0x1, s6  }
0x24f: {  	[hbm4b:s16+s8] =	stream.linear.scatter [tilespmem:s20], [sflag:$0x3], $0x40, $0x38;
	[tilespmem:$0x1EA00] =	vst v63  }
0x250: {  	p2 =	sne.s32 s5, s6;
	_ =	swait.ge @!p3 [sflag:s10], $0x40  }
0x251: {  	[sflag:s10] =	ssyncset.done @!p3 $0x0  }
0x252: {  	[sflag:s10] =	ssyncadd.s32 @!p3 $0xFFFFFFC0  }
0x253: {  	v19 =	vld.idx.msk [tilespmem:v18+s22+$0x0], $0xffff  }
0x254: {  	v18 =	vld.idx.msk [tilespmem:v18+s23+$0x0], $0xffff;
	_ =	sdelay $0x4  }
0x255: {  	v20 =	vsub.s32 v19, v17  }
0x256: {  	v20 =	vshll.u32 v20, $0x3;
	v18 =	vnsel vm0, $0x0, v18  }
0x257: {  	v19 =	vand.u32 $0x7F, v19;
	v20 =	vand.u32 $0xFFFFFC00, v20;
	(xrf0) =	vadd.scan.msk.s32 $0xffff, v18  }
0x258: {  	v18 =	vor.u32 v19, v20  }
0x259: {  	v19 =	vadd.s32 v8, v18;
	_ =	sdelay $0x3  }
0x25a: {  	v20, _, _ =	vpop (xrf0)  }
0x25b: {  	v19 =	vld.idx.msk [tilespmem:v19+s21+$0x0], $0xffff;
	(v2sf) =	vpush v20, $0xF;
	_ =	sdelay $0x1  }
0x25c: {  	v20 =	vadd.s32 v9, v18;
	_ =	sdelay $0x2  }
0x25d: {  	s19 =	sand.u32 $0x1C0, s3  }
0x25e: {  	s20 =	sor.u32 $0x1E600, s19;
	[tilespmem:s19+$0x1E600] =	vst v19  }
0x25f: {  	v19 =	vld.idx.msk [tilespmem:v20+s21+$0x0], $0xffff;
	_ =	sdelay $0x1  }
0x260: {  	v20 =	vadd.s32 v10, v18;
	_ =	sdelay $0x3  }
0x261: {  	[tilespmem:s19+$0x1E610] =	vst v19  }
0x262: {  	v19 =	vld.idx.msk [tilespmem:v20+s21+$0x0], $0xffff  }
0x263: {  	s10 =	spop (v2sf)  }
0x264: {  	v18 =	vadd.s32 v11, v18;
	s10 =	sshll.u32 s10, $0x3  }
0x265: {  	s10 =	sand.u32 $0x1FFFFFF8, s10  }
0x266: {  	s16 =	sadd.s32 s9, s10;
	_ =	sdelay $0x1  }
0x267: {  	[tilespmem:s19+$0x1E620] =	vst v19  }
0x268: {  	v19 =	vld.idx.msk [tilespmem:v18+s21+$0x0], $0xffff  }
.Ltmp35:
0x269: {  	(pc) =	sbr.rel @p2 .LBB2_39-.Ltmp35, $2  }
0x26a: {  	_ =	sdelay $0x2  }
0x26b: {  	p3 =	slt.u32 s15, $0x8;
	v18 =	vmov s15  }
.LBB2_40:
0x26c: {  	s5 =	simm.s32 @!p3 $0x3;
	[tilespmem:s19+$0x1E630] =	vst @p1 v19  }
0x26d: {  	[hbm4b:s16+s8] =	stream.linear.scatter @p1 [tilespmem:s20], [sflag:$0x3], $0x40, $0x38;
	[tilespmem:$0x1EA00] =	vst v63  }
0x26e: {  	_ =	swait.ge @!p3 [sflag:s5], $0x40  }
0x26f: {  	[sflag:s5] =	ssyncset.done @!p3 $0x0  }
0x270: {  	[sflag:s5] =	ssyncadd.s32 @!p3 $0xFFFFFFC0  }
0x271: {  	v19 =	vld.idx.msk [tilespmem:v18+s22+$0x0], $0xffff;
	_ =	sdelay $0x4  }
0x272: {  	v17 =	vsub.s32 v19, v17  }
0x273: {  	v18 =	vld.idx.msk [tilespmem:v18+s23+$0x0], $0xffff;
	v17 =	vshll.u32 v17, $0x3  }
0x274: {  	v19 =	vand.u32 $0x7F, v19;
	v17 =	vand.u32 $0xFFFFFC00, v17  }
0x275: {  	v17 =	vor.u32 v19, v17  }
0x276: {  	v19 =	vadd.s32 v8, v17;
	_ =	sdelay $0x1  }
0x277: {  	v18 =	vnsel vm0, $0x0, v18  }
0x278: {  	(xrf0) =	vadd.scan.msk.s32 $0xffff, v18;
	_ =	sdelay $0x1  }
0x279: {  	v18 =	vld.idx.msk [tilespmem:v19+s21+$0x0], $0xffff  }
0x27a: {  	v19 =	vadd.s32 v9, v17  }
0x27b: {  	s3 =	sadd.s32 @p1 $0x40, s3  }
0x27c: {  	s0 =	smov.u32 @p1 s3  }
0x27d: {  	s0 =	sand.u32 $0x1C0, s0;
	v20, _, _ =	vpop (xrf0)  }
0x27e: {  	(v2sf) =	vpush v20, $0xF;
	[tilespmem:s0+$0x1E600] =	vst v18  }
0x27f: {  	v18 =	vld.idx.msk [tilespmem:v19+s21+$0x0], $0xffff  }
0x280: {  	v19 =	vadd.s32 v10, v17;
	_ =	sdelay $0x3  }
0x281: {  	[tilespmem:s0+$0x1E610] =	vst v18  }
0x282: {  	v18 =	vld.idx.msk [tilespmem:v19+s21+$0x0], $0xffff  }
0x283: {  	v17 =	vadd.s32 v11, v17;
	_ =	sdelay $0x3  }
0x284: {  	[tilespmem:s0+$0x1E620] =	vst v18  }
0x285: {  	v17 =	vld.idx.msk [tilespmem:v17+s21+$0x0], $0xffff  }
0x286: {  	p1 =	slt.s32 s7, $0x8  }
0x287: {  	s7 =	simm.s32 @!p1 $0x8;
	s30 =	spop (v2sf)  }
0x288: {  	p1 =	sne.s32 s7, $0x1;
	s3 =	sshll.u32 s30, $0x3  }
.Ltmp36:
0x289: {  	s3 =	sand.u32 $0x1FFFFFF8, s3;
	(pc) =	sbr.rel @!p1 .LBB2_42-.Ltmp36, $4  }
0x28a: {  	s31 =	sor.u32 $0x1E600, s0;
	s3 =	sadd.s32 s9, s3;
	[tilespmem:s0+$0x1E630] =	vst v17  }
0x28b: {  	[hbm4b:s3+s8] =	stream.linear.scatter [tilespmem:s31], [sflag:$0x3], $0x40, $0x38;
	[tilespmem:$0x1EA00] =	vst v63  }
0x28c: {  	_ =	swait.ge [sflag:s24], $0x40  }
0x28d: {  	s0 =	sadd.s32 $0xFFFFFFFF, s7;
	[sflag:s24] =	ssyncset.done $0x0  }
.LBB2_41:
0x28e: {  	p1 =	sne.s32 s0, $0x1;
	s0 =	sadd.s32 $0xFFFFFFFF, s0;
	[sflag:s24] =	ssyncadd.s32 $0xFFFFFFC0  }
.Ltmp37:
0x28f: {  	(pc) =	sbr.rel @p1 .LBB2_41-.Ltmp37, $3  }
0x290: {  	_ =	sdelay $0x1  }
0x291: {  	_ =	swait.ge [sflag:s24], $0x40  }
0x292: {  	[sflag:s24] =	ssyncset.done $0x0  }
.Ltmp38:
0x293: {  	_ = 	snop;
	(pc) =	sbr.rel .LBB2_42-.Ltmp38, $1  }
0x294: {  	_ =	sdelay $0x3  }
.LBB2_16:
.Ltmp39:
0x295: {  	(pc) =	sbr.rel .LBB2_20-.Ltmp39, $2  }
0x296: {  	_ =	sdelay $0x2  }
0x297: {  	s3 =	simm.s32 $0x0  }
.LBB2_18:
.Ltmp40:
0x298: {  	(pc) =	sbr.rel .LBB2_20-.Ltmp40, $2  }
0x299: {  	_ =	sdelay $0x2  }
0x29a: {  	s3 =	simm.s32 $0x0  }
.LBB2_36:
.Ltmp41:
0x29b: {  	(pc) =	sbr.rel .LBB2_40-.Ltmp41, $2  }
0x29c: {  	_ =	sdelay $0x2  }
0x29d: {  	s3 =	simm.s32 $0x0  }
.LBB2_38:
.Ltmp42:
0x29e: {  	(pc) =	sbr.rel .LBB2_40-.Ltmp42, $2  }
0x29f: {  	_ =	sdelay $0x2  }
0x2a0: {  	s3 =	simm.s32 $0x0  }
.LBB2_44:
0x2a1: {  	p0 =	sgt.s32 s28, $0x0  }
.Ltmp43:
0x2a2: {  	_ = 	snop;
	(pc) =	sbr.rel @p0 .LBB2_45-.Ltmp43, $4  }
.Ltmp44:
0x2a3: {  	_ = 	snop;
	(pc) =	sbr.rel @!p0 .LBB2_63-.Ltmp44, $4  }
0x2a4: {  	_ = 	snop  }
0x2a5: {  	_ = 	snop  }
0x2a6: {  	s0 =	simm.s32 $0x0;
	s5 =	simm.s32 $0x0;
	s3 =	simm.s32 $0x0  }
0x2a7: {  	_ = 	snop  }
.LBB2_47:
0x2a8: {  	s5 =	simm.s32 $0x0  }
.LBB2_52:
0x2a9: {  	s6 =	simm.s32 @!p2 $0x3;
	[tilespmem:s19+$0x1E630] =	vst @p0 v18  }
0x2aa: {  	[hbm4b:s16+s8] =	stream.linear.scatter @p0 [tilespmem:s20], [sflag:$0x3], $0x40, $0x38;
	[tilespmem:$0x1EA00] =	vst v63  }
0x2ab: {  	_ =	swait.ge @!p2 [sflag:s6], $0x40  }
0x2ac: {  	[sflag:s6] =	ssyncset.done @!p2 $0x0  }
0x2ad: {  	[sflag:s6] =	ssyncadd.s32 @!p2 $0xFFFFFFC0  }
0x2ae: {  	v18 =	vld.idx.msk [tilespmem:v17+s22+$0x0], $0xffff;
	_ =	sdelay $0x1  }
0x2af: {  	v17 =	vld.idx.msk [tilespmem:v17+s23+$0x0], $0xffff;
	_ =	sdelay $0x2  }
0x2b0: {  	v19 =	vadd.s32 v12, v18;
	_ =	sdelay $0x1  }
0x2b1: {  	v17 =	vnsel vm0, $0x0, v17  }
0x2b2: {  	(xrf0) =	vadd.scan.msk.s32 $0xffff, v17;
	_ =	sdelay $0x1  }
0x2b3: {  	v17 =	vld.idx.msk [tilespmem:v19+s17+$0x0], $0xffff  }
0x2b4: {  	v19 =	vadd.s32 v13, v18  }
0x2b5: {  	s5 =	sadd.s32 @p0 $0x40, s5;
	s6 =	simm.s32 $0x0  }
0x2b6: {  	s6 =	smov.u32 @p0 s5  }
0x2b7: {  	s5 =	sand.u32 $0x1C0, s6;
	v20, _, _ =	vpop (xrf0)  }
0x2b8: {  	(v2sf) =	vpush v20, $0xF;
	[tilespmem:s5+$0x1E600] =	vst v17  }
0x2b9: {  	v17 =	vld.idx.msk [tilespmem:v19+s17+$0x0], $0xffff  }
0x2ba: {  	v19 =	vadd.s32 v14, v18;
	_ =	sdelay $0x3  }
0x2bb: {  	[tilespmem:s5+$0x1E610] =	vst v17  }
0x2bc: {  	v17 =	vld.idx.msk [tilespmem:v19+s17+$0x0], $0xffff  }
0x2bd: {  	v18 =	vadd.s32 v15, v18;
	_ =	sdelay $0x3  }
0x2be: {  	[tilespmem:s5+$0x1E620] =	vst v17  }
0x2bf: {  	v17 =	vld.idx.msk [tilespmem:v18+s17+$0x0], $0xffff;
	_ =	sdelay $0x1  }
0x2c0: {  	s31 =	spop (v2sf)  }
0x2c1: {  	s6 =	sshll.u32 s31, $0x3  }
0x2c2: {  	s6 =	sand.u32 $0x1FFFFFF8, s6  }
0x2c3: {  	s10 =	sor.u32 $0x1E600, s5;
	s6 =	sadd.s32 s9, s6;
	[tilespmem:s5+$0x1E630] =	vst v17  }
0x2c4: {  	[hbm4b:s6+s8] =	stream.linear.scatter [tilespmem:s10], [sflag:$0x3], $0x40, $0x38;
	[tilespmem:$0x1EA00] =	vst v63  }
0x2c5: {  	_ =	swait.ge [sflag:s24], $0x40  }
0x2c6: {  	[sflag:s24] =	ssyncset.done $0x0  }
0x2c7: {  	[sflag:s24] =	ssyncadd.s32 $0xFFFFFFC0  }
0x2c8: {  	_ =	swait.ge [sflag:s24], $0x40  }
0x2c9: {  	[sflag:s24] =	ssyncset.done $0x0  }
0x2ca: {  	[sflag:s24] =	ssyncadd.s32 $0xFFFFFFC0  }
0x2cb: {  	_ =	swait.ge [sflag:s24], $0x40  }
0x2cc: {  	[sflag:s24] =	ssyncset.done $0x0  }
0x2cd: {  	[sflag:s24] =	ssyncadd.s32 $0xFFFFFFC0  }
0x2ce: {  	_ =	swait.ge [sflag:s24], $0x40  }
0x2cf: {  	[sflag:s24] =	ssyncset.done $0x0  }
0x2d0: {  	[sflag:s24] =	ssyncadd.s32 $0xFFFFFFC0  }
0x2d1: {  	_ =	swait.ge [sflag:s24], $0x40  }
0x2d2: {  	[sflag:s24] =	ssyncset.done $0x0  }
0x2d3: {  	[sflag:s24] =	ssyncadd.s32 $0xFFFFFFC0  }
0x2d4: {  	_ =	swait.ge [sflag:s24], $0x40  }
0x2d5: {  	[sflag:s24] =	ssyncset.done $0x0  }
0x2d6: {  	[sflag:s24] =	ssyncadd.s32 $0xFFFFFFC0  }
0x2d7: {  	_ =	swait.ge [sflag:s24], $0x40  }
0x2d8: {  	[sflag:s24] =	ssyncset.done $0x0  }
0x2d9: {  	[sflag:s24] =	ssyncadd.s32 $0xFFFFFFC0  }
0x2da: {  	_ =	swait.ge [sflag:s24], $0x40  }
0x2db: {  	[sflag:s24] =	ssyncset.done $0x0  }
0x2dc: {  	[sflag:s24] =	ssyncadd.s32 $0xFFFFFFC0  }
.LBB2_53:
0x2dd: {  	s3 =	sadd.s32 $0x1, s3  }
0x2de: {  	p1 =	seq.s32 s3, s28  }
.Ltmp45:
0x2df: {  	_ = 	snop;
	(pc) =	sbr.rel @p1 .LBB2_54-.Ltmp45, $3  }
0x2e0: {  	_ =	sdelay $0x1  }
0x2e1: {  	p0 =	sgt.s32 s7, $0x1FF;
	s5 =	smov.u32 s7  }
0x2e2: {  	s5 =	simm.s32 @p0 $0x0  }
.LBB2_45:
0x2e3: {  	s6 =	sshll.u32 s3, $0x4  }
0x2e4: {  	v17 =	vld [tilespmem:s6+$0x4000];
	_ =	sdelay $0x4  }
0x2e5: {  	v19 =	vor.u32 s6, v2;
	v18 =	vand.u32 $0xFFFFFFC0, v17  }
0x2e6: {  	vm2 =	vlt.s32 v19, v16;
	vm1 =	veq.s32 v18, $0xF4200  }
0x2e7: {  	vm1 =	vmand vm2, vm1  }
0x2e8: {  	v18 =	vsel vm1, $0x1, v3  }
0x2e9: {  	(xrf0) =	vadd.scan.msk.s32 $0xffff, v18;
	_ =	sdelay $0x5  }
0x2ea: {  	v18, _, _ =	vpop (xrf0)  }
0x2eb: {  	(v2sf) =	vpush v18, $0xF;
	_ =	sdelay $0xe  }
0x2ec: {  	s31 =	spop (v2sf)  }
0x2ed: {  	s7 =	sadd.s32 s5, s31  }
0x2ee: {  	v18 =	vld [tilespmem:s6+$0x8080];
	p0 =	slt.s32 s7, $0x200  }
.Ltmp46:
0x2ef: {  	_ = 	snop;
	(pc) =	sbr.rel @p0 .LBB2_53-.Ltmp46, $3  }
0x2f0: {  	_ =	sdelay $0x1  }
0x2f1: {  	[tilespmem:s5+$0x1E100] =	vst.msk vm1, v17  }
0x2f2: {  	[tilespmem:s5+$0x1E380] =	vst.msk vm1, v18  }
0x2f3: {  	p1 =	sne.s32 s7, $0x1  }
.Ltmp47:
0x2f4: {  	_ = 	snop;
	(pc) =	sbr.rel @!p1 .LBB2_47-.Ltmp47, $2  }
0x2f5: {  	_ =	sdelay $0x2  }
0x2f6: {  	s5 =	simm.s32 $0x1;
	p2 =	por $0x1, $0x1;
	v17 =	vmov s0;
	p0 =	por $0x0, $0x0  }
0x2f7: {  	s6 =	simm.s32 @!p2 $0x3  }
0x2f8: {  	_ =	swait.ge @!p2 [sflag:s6], $0x40  }
0x2f9: {  	[sflag:s6] =	ssyncset.done @!p2 $0x0  }
0x2fa: {  	[sflag:s6] =	ssyncadd.s32 @!p2 $0xFFFFFFC0  }
0x2fb: {  	v18 =	vld.idx.msk [tilespmem:v17+s23+$0x0], $0xffff;
	_ =	sdelay $0x1  }
0x2fc: {  	v17 =	vld.idx.msk [tilespmem:v17+s22+$0x0], $0xffff;
	_ =	sdelay $0x2  }
0x2fd: {  	v18 =	vnsel vm0, $0x0, v18  }
0x2fe: {  	(xrf0) =	vadd.scan.msk.s32 $0xffff, v18  }
0x2ff: {  	v18 =	vadd.s32 v12, v17;
	_ =	sdelay $0x4  }
0x300: {  	v18 =	vld.idx.msk [tilespmem:v18+s17+$0x0], $0xffff;
	v19, _, _ =	vpop (xrf0)  }
0x301: {  	(v2sf) =	vpush v19, $0xF;
	v19 =	vadd.s32 v13, v17;
	_ =	sdelay $0x2  }
0x302: {  	s19 =	sand.u32 $0x1C0, s0  }
0x303: {  	[tilespmem:s19+$0x1E600] =	vst v18  }
0x304: {  	v18 =	vld.idx.msk [tilespmem:v19+s17+$0x0], $0xffff  }
0x305: {  	v19 =	vadd.s32 v14, v17;
	_ =	sdelay $0x3  }
0x306: {  	[tilespmem:s19+$0x1E610] =	vst v18  }
0x307: {  	v18 =	vld.idx.msk [tilespmem:v19+s17+$0x0], $0xffff  }
0x308: {  	v17 =	vadd.s32 v15, v17;
	_ =	sdelay $0x3  }
0x309: {  	p1 =	sne.s32 s7, $0x2;
	[tilespmem:s19+$0x1E620] =	vst v18  }
.Ltmp48:
0x30a: {  	v18 =	vld.idx.msk [tilespmem:v17+s17+$0x0], $0xffff;
	(pc) =	sbr.rel @!p1 .LBB2_50-.Ltmp48, $4  }
0x30b: {  	s31 =	spop (v2sf)  }
0x30c: {  	p0 =	por $0x1, $0x1;
	s10 =	sshll.u32 s31, $0x3  }
0x30d: {  	s20 =	sor.u32 $0x1E600, s19;
	s6 =	simm.s32 $0x2;
	s10 =	sand.u32 $0x1FFFFFF8, s10  }
0x30e: {  	p2 =	por $0x1, $0x1;
	v17 =	vmov s5;
	s5 =	simm.s32 $0x0;
	s16 =	sadd.s32 s9, s10  }
.LBB2_51:
0x30f: {  	s10 =	simm.s32 @!p2 $0x3  }
0x310: {  	[tilespmem:s19+$0x1E630] =	vst v18;
	s5 =	sadd.s32 $0x40, s5;
	s15 =	smov.u32 s6;
	s6 =	sadd.s32 $0x1, s6  }
0x311: {  	[hbm4b:s16+s8] =	stream.linear.scatter [tilespmem:s20], [sflag:$0x3], $0x40, $0x38;
	[tilespmem:$0x1EA00] =	vst v63  }
0x312: {  	p1 =	sne.s32 s7, s6;
	_ =	swait.ge @!p2 [sflag:s10], $0x40  }
0x313: {  	[sflag:s10] =	ssyncset.done @!p2 $0x0  }
0x314: {  	[sflag:s10] =	ssyncadd.s32 @!p2 $0xFFFFFFC0  }
0x315: {  	v18 =	vld.idx.msk [tilespmem:v17+s22+$0x0], $0xffff  }
0x316: {  	v17 =	vld.idx.msk [tilespmem:v17+s23+$0x0], $0xffff;
	_ =	sdelay $0x4  }
0x317: {  	v19 =	vadd.s32 v12, v18  }
0x318: {  	v17 =	vnsel vm0, $0x0, v17  }
0x319: {  	(xrf0) =	vadd.scan.msk.s32 $0xffff, v17;
	_ =	sdelay $0x2  }
0x31a: {  	v17 =	vld.idx.msk [tilespmem:v19+s17+$0x0], $0xffff;
	_ =	sdelay $0x1  }
0x31b: {  	v19 =	vadd.s32 v13, v18  }
0x31c: {  	v20, _, _ =	vpop (xrf0)  }
0x31d: {  	(v2sf) =	vpush v20, $0xF  }
0x31e: {  	s19 =	sand.u32 $0x1C0, s5  }
0x31f: {  	s20 =	sor.u32 $0x1E600, s19;
	[tilespmem:s19+$0x1E600] =	vst v17  }
0x320: {  	v17 =	vld.idx.msk [tilespmem:v19+s17+$0x0], $0xffff;
	_ =	sdelay $0x1  }
0x321: {  	v19 =	vadd.s32 v14, v18;
	_ =	sdelay $0x3  }
0x322: {  	[tilespmem:s19+$0x1E610] =	vst v17  }
0x323: {  	v17 =	vld.idx.msk [tilespmem:v19+s17+$0x0], $0xffff;
	_ =	sdelay $0x1  }
0x324: {  	v18 =	vadd.s32 v15, v18;
	_ =	sdelay $0x2  }
0x325: {  	s10 =	spop (v2sf)  }
0x326: {  	[tilespmem:s19+$0x1E620] =	vst v17;
	s10 =	sshll.u32 s10, $0x3  }
0x327: {  	v18 =	vld.idx.msk [tilespmem:v18+s17+$0x0], $0xffff;
	s10 =	sand.u32 $0x1FFFFFF8, s10  }
.Ltmp49:
0x328: {  	s16 =	sadd.s32 s9, s10;
	(pc) =	sbr.rel @p1 .LBB2_51-.Ltmp49, $2  }
0x329: {  	_ =	sdelay $0x2  }
0x32a: {  	p2 =	slt.u32 s15, $0x8;
	v17 =	vmov s15  }
.Ltmp50:
0x32b: {  	_ = 	snop;
	(pc) =	sbr.rel .LBB2_52-.Ltmp50, $1  }
0x32c: {  	_ =	sdelay $0x3  }
.LBB2_50:
.Ltmp51:
0x32d: {  	(pc) =	sbr.rel .LBB2_52-.Ltmp51, $2  }
0x32e: {  	_ =	sdelay $0x2  }
0x32f: {  	s5 =	simm.s32 $0x0  }
.LBB2_54:
0x330: {  	p0 =	sgt.s32 s5, $0x0  }
.Ltmp52:
0x331: {  	_ = 	snop;
	(pc) =	sbr.rel @!p0 .LBB2_63-.Ltmp52, $2  }
0x332: {  	_ =	sdelay $0x2  }
0x333: {  	s0 =	simm.s32 $0x0  }
0x334: {  	p1 =	sne.s32 s5, $0x1  }
.Ltmp53:
0x335: {  	_ = 	snop;
	(pc) =	sbr.rel @!p1 .LBB2_56-.Ltmp53, $2  }
0x336: {  	_ =	sdelay $0x2  }
0x337: {  	s3 =	simm.s32 $0x1;
	p2 =	por $0x1, $0x1;
	v16 =	vmov s0;
	p0 =	por $0x0, $0x0  }
0x338: {  	s6 =	simm.s32 @!p2 $0x3  }
0x339: {  	_ =	swait.ge @!p2 [sflag:s6], $0x40  }
0x33a: {  	[sflag:s6] =	ssyncset.done @!p2 $0x0  }
0x33b: {  	[sflag:s6] =	ssyncadd.s32 @!p2 $0xFFFFFFC0  }
0x33c: {  	v17 =	vld.idx.msk [tilespmem:v16+s23+$0x0], $0xffff;
	_ =	sdelay $0x1  }
0x33d: {  	v16 =	vld.idx.msk [tilespmem:v16+s22+$0x0], $0xffff;
	_ =	sdelay $0x2  }
0x33e: {  	v17 =	vnsel vm0, $0x0, v17  }
0x33f: {  	(xrf0) =	vadd.scan.msk.s32 $0xffff, v17  }
0x340: {  	v17 =	vadd.s32 v12, v16;
	_ =	sdelay $0x4  }
0x341: {  	v17 =	vld.idx.msk [tilespmem:v17+s17+$0x0], $0xffff;
	v18, _, _ =	vpop (xrf0)  }
0x342: {  	(v2sf) =	vpush v18, $0xF;
	v18 =	vadd.s32 v13, v16;
	_ =	sdelay $0x2  }
0x343: {  	s19 =	sand.u32 $0x1C0, s0  }
0x344: {  	[tilespmem:s19+$0x1E600] =	vst v17  }
0x345: {  	v17 =	vld.idx.msk [tilespmem:v18+s17+$0x0], $0xffff  }
0x346: {  	v18 =	vadd.s32 v14, v16;
	_ =	sdelay $0x3  }
0x347: {  	[tilespmem:s19+$0x1E610] =	vst v17  }
0x348: {  	v17 =	vld.idx.msk [tilespmem:v18+s17+$0x0], $0xffff  }
0x349: {  	v16 =	vadd.s32 v15, v16;
	_ =	sdelay $0x2  }
0x34a: {  	p1 =	sne.s32 s5, $0x2  }
.Ltmp54:
0x34b: {  	[tilespmem:s19+$0x1E620] =	vst v17;
	(pc) =	sbr.rel @!p1 .LBB2_58-.Ltmp54, $4  }
0x34c: {  	s31 =	spop (v2sf);
	v17 =	vld.idx.msk [tilespmem:v16+s17+$0x0], $0xffff  }
0x34d: {  	p0 =	por $0x1, $0x1;
	s10 =	sshll.u32 s31, $0x3  }
0x34e: {  	s20 =	sor.u32 $0x1E600, s19;
	s6 =	simm.s32 $0x2;
	s10 =	sand.u32 $0x1FFFFFF8, s10  }
0x34f: {  	p2 =	por $0x1, $0x1;
	v16 =	vmov s3;
	s3 =	simm.s32 $0x0;
	s16 =	sadd.s32 s9, s10  }
.LBB2_59:
0x350: {  	s10 =	simm.s32 @!p2 $0x3  }
0x351: {  	[tilespmem:s19+$0x1E630] =	vst v17;
	s3 =	sadd.s32 $0x40, s3;
	s15 =	smov.u32 s6;
	s6 =	sadd.s32 $0x1, s6  }
0x352: {  	[hbm4b:s16+s8] =	stream.linear.scatter [tilespmem:s20], [sflag:$0x3], $0x40, $0x38;
	[tilespmem:$0x1EA00] =	vst v63  }
0x353: {  	p1 =	sne.s32 s5, s6;
	_ =	swait.ge @!p2 [sflag:s10], $0x40  }
0x354: {  	[sflag:s10] =	ssyncset.done @!p2 $0x0  }
0x355: {  	[sflag:s10] =	ssyncadd.s32 @!p2 $0xFFFFFFC0  }
0x356: {  	v17 =	vld.idx.msk [tilespmem:v16+s22+$0x0], $0xffff  }
0x357: {  	v16 =	vld.idx.msk [tilespmem:v16+s23+$0x0], $0xffff;
	_ =	sdelay $0x4  }
0x358: {  	v18 =	vadd.s32 v12, v17  }
0x359: {  	v16 =	vnsel vm0, $0x0, v16  }
0x35a: {  	(xrf0) =	vadd.scan.msk.s32 $0xffff, v16;
	_ =	sdelay $0x2  }
0x35b: {  	v16 =	vld.idx.msk [tilespmem:v18+s17+$0x0], $0xffff;
	_ =	sdelay $0x1  }
0x35c: {  	v18 =	vadd.s32 v13, v17  }
0x35d: {  	v19, _, _ =	vpop (xrf0)  }
0x35e: {  	(v2sf) =	vpush v19, $0xF  }
0x35f: {  	s19 =	sand.u32 $0x1C0, s3  }
0x360: {  	s20 =	sor.u32 $0x1E600, s19;
	[tilespmem:s19+$0x1E600] =	vst v16  }
0x361: {  	v16 =	vld.idx.msk [tilespmem:v18+s17+$0x0], $0xffff;
	_ =	sdelay $0x1  }
0x362: {  	v18 =	vadd.s32 v14, v17;
	_ =	sdelay $0x3  }
0x363: {  	[tilespmem:s19+$0x1E610] =	vst v16  }
0x364: {  	v16 =	vld.idx.msk [tilespmem:v18+s17+$0x0], $0xffff;
	_ =	sdelay $0x1  }
0x365: {  	v17 =	vadd.s32 v15, v17;
	_ =	sdelay $0x2  }
0x366: {  	s10 =	spop (v2sf)  }
0x367: {  	[tilespmem:s19+$0x1E620] =	vst v16;
	s10 =	sshll.u32 s10, $0x3  }
0x368: {  	v17 =	vld.idx.msk [tilespmem:v17+s17+$0x0], $0xffff;
	s10 =	sand.u32 $0x1FFFFFF8, s10  }
.Ltmp55:
0x369: {  	s16 =	sadd.s32 s9, s10;
	(pc) =	sbr.rel @p1 .LBB2_59-.Ltmp55, $2  }
0x36a: {  	_ =	sdelay $0x2  }
0x36b: {  	p2 =	slt.u32 s15, $0x8;
	v16 =	vmov s15  }
.LBB2_60:
0x36c: {  	s5 =	simm.s32 @!p2 $0x3;
	[tilespmem:s19+$0x1E630] =	vst @p0 v17  }
0x36d: {  	[hbm4b:s16+s8] =	stream.linear.scatter @p0 [tilespmem:s20], [sflag:$0x3], $0x40, $0x38;
	[tilespmem:$0x1EA00] =	vst v63  }
0x36e: {  	_ =	swait.ge @!p2 [sflag:s5], $0x40  }
0x36f: {  	[sflag:s5] =	ssyncset.done @!p2 $0x0  }
0x370: {  	[sflag:s5] =	ssyncadd.s32 @!p2 $0xFFFFFFC0  }
0x371: {  	v17 =	vld.idx.msk [tilespmem:v16+s22+$0x0], $0xffff;
	_ =	sdelay $0x1  }
0x372: {  	v16 =	vld.idx.msk [tilespmem:v16+s23+$0x0], $0xffff;
	_ =	sdelay $0x2  }
0x373: {  	v18 =	vadd.s32 v12, v17;
	_ =	sdelay $0x1  }
0x374: {  	v16 =	vnsel vm0, $0x0, v16  }
0x375: {  	(xrf0) =	vadd.scan.msk.s32 $0xffff, v16;
	_ =	sdelay $0x1  }
0x376: {  	v16 =	vld.idx.msk [tilespmem:v18+s17+$0x0], $0xffff  }
0x377: {  	v62 =	vadd.s32 v13, v17  }
0x378: {  	s3 =	sadd.s32 @p0 $0x40, s3  }
0x379: {  	s0 =	smov.u32 @p0 s3  }
0x37a: {  	s0 =	sand.u32 $0x1C0, s0;
	v19, _, _ =	vpop (xrf0)  }
0x37b: {  	(v2sf) =	vpush v19, $0xF;
	[tilespmem:s0+$0x1E600] =	vst v16  }
0x37c: {  	v16 =	vld.idx.msk [tilespmem:v62+s17+$0x0], $0xffff  }
0x37d: {  	v63 =	vadd.s32 v14, v17;
	_ =	sdelay $0x3  }
0x37e: {  	[tilespmem:s0+$0x1E610] =	vst v16  }
0x37f: {  	v16 =	vld.idx.msk [tilespmem:v63+s17+$0x0], $0xffff  }
0x380: {  	v17 =	vadd.s32 v15, v17;
	_ =	sdelay $0x3  }
0x381: {  	[tilespmem:s0+$0x1E620] =	vst v16  }
0x382: {  	v16 =	vld.idx.msk [tilespmem:v17+s17+$0x0], $0xffff  }
0x383: {  	p0 =	slt.s32 s7, $0x8  }
0x384: {  	s7 =	simm.s32 @!p0 $0x8;
	s30 =	spop (v2sf)  }
0x385: {  	p0 =	sne.s32 s7, $0x1;
	s3 =	sshll.u32 s30, $0x3  }
.Ltmp56:
0x386: {  	s3 =	sand.u32 $0x1FFFFFF8, s3;
	(pc) =	sbr.rel @!p0 .LBB2_62-.Ltmp56, $4  }
0x387: {  	s31 =	sor.u32 $0x1E600, s0;
	s3 =	sadd.s32 s9, s3;
	[tilespmem:s0+$0x1E630] =	vst v16  }
0x388: {  	[hbm4b:s3+s8] =	stream.linear.scatter [tilespmem:s31], [sflag:$0x3], $0x40, $0x38;
	[tilespmem:$0x1EA00] =	vst v63  }
0x389: {  	_ =	swait.ge [sflag:s24], $0x40  }
0x38a: {  	s0 =	sadd.s32 $0xFFFFFFFF, s7;
	[sflag:s24] =	ssyncset.done $0x0  }
.LBB2_61:
0x38b: {  	p0 =	sne.s32 s0, $0x1;
	s0 =	sadd.s32 $0xFFFFFFFF, s0;
	[sflag:s24] =	ssyncadd.s32 $0xFFFFFFC0  }
.Ltmp57:
0x38c: {  	(pc) =	sbr.rel @p0 .LBB2_61-.Ltmp57, $3  }
0x38d: {  	_ =	sdelay $0x1  }
0x38e: {  	_ =	swait.ge [sflag:s24], $0x40  }
0x38f: {  	[sflag:s24] =	ssyncset.done $0x0  }
.Ltmp58:
0x390: {  	_ = 	snop;
	(pc) =	sbr.rel .LBB2_62-.Ltmp58, $1  }
0x391: {  	_ =	sdelay $0x3  }
.LBB2_56:
.Ltmp59:
0x392: {  	(pc) =	sbr.rel .LBB2_60-.Ltmp59, $2  }
0x393: {  	_ =	sdelay $0x2  }
0x394: {  	s3 =	simm.s32 $0x0  }
.LBB2_58:
.Ltmp60:
0x395: {  	(pc) =	sbr.rel .LBB2_60-.Ltmp60, $2  }
0x396: {  	_ =	sdelay $0x2  }
0x397: {  	s3 =	simm.s32 $0x0  }
.LBB2_64:
0x398: {  	_ =	sfence.sel $0x180000  }
0x399: {  	[bflag:$0x0] =	sbarrier.arrive $0xFFFF  }
0x39a: {  	_ =	strace $0x90000047  }
0x39b: {  	s0 =	stileid.u32;
	[bflag:$0x2] =	sbarrier.arrive $0xFFFF  }
0x39c: {  	p0 =	sne.s32 s0, $0x0;
	s0 =	rddreg [dreg:$0x6]  }
0x39d: {  	s0 =	sadd.s32 @!p0 $0x100000, s0  }
0x39e: {  	[sflag:s0] =	ssyncadd.tile.s32 @!p0 $0x1;
	_ =	shalt  }
.Lfunc_end2:
_tile_overlayer_lowered:
.L_overlay_start_2:
0x39f: {  	(tag) =	ssettag $0x2  }
0x3a0: {  	s0 =	rddreg [dreg:$0x0];
	s2 =	stileid.u32  }
0x3a1: {  	s1 =	rddreg [dreg:$0x1];
	p0 =	sne.s32 s2, $0x0  }
0x3a2: {  	s3 =	rddreg [dreg:$0x2];
	[bflag:$0x3] =	sbarrier.arrive $0xFFFF;
	s2 =	simm.s32 @!p0 $0x1C05  }
0x3a3: {  	[timem:s3], [sflag:s2] =	dma.local @!p0 [hbm:s0], s1  }
0x3a4: {  	s0 =	simm.s32 @!p0 $0x5  }
0x3a5: {  	_ =	swait.ge @!p0 [sflag:s0], s1  }
0x3a6: {  	s1 =	ssub.s32 @!p0 $0x0, s1;
	[sflag:s0] =	ssyncset.done @!p0 $0x0  }
0x3a7: {  	[sflag:s0] =	ssyncadd.s32 @!p0 s1  }
0x3a8: {  	[bflag:$0x3] =	sbarrier.arrive $0xFFFF  }
0x3a9: {  	_ =	shalt  }

</sc_bundles>
